<compile_context>
chip_gen: v7x
topology: tpu7x:2x2x1
jax: 0.10.2.dev20260603
libtpu: 0.0.44.dev20260713+nightly
codegen_flags: <defaults>
</compile_context>

<pallas_src>
import functools

import jax
import jax.numpy as jnp
from jax import lax
from jax.experimental import pallas as pl
from jax.experimental.pallas import tpu as pltpu
from jax.experimental.pallas import tpu_sc as plsc

N = 10000
E = 320000
DF = 128
H = 256
C = 10
G = 64

NT = 32
CH = 80
EPT = CH * 128
PADE = NT * EPT - E
NPAD = 10240
DEGSZ = 10240
AROWS = NPAD // 16
PSZ = G * NPAD
PROWS = PSZ // 16
DH = DF // 2
CH2 = 2 * CH
AROWS2 = NPAD // 16

@functools.cache
def _mesh():
    return plsc.VectorSubcoreMesh(core_axis_name="c", subcore_axis_name="s",
                                  num_cores=2, num_subcores=16)


def _drain(sem, src_hbm, dst_vmem):
    pltpu.make_async_copy(src_hbm, dst_vmem, sem).wait()


@functools.cache
def _sc_deg_built():
    return pl.kernel(
        _sc_deg,
        out_type=jax.ShapeDtypeStruct((2, DEGSZ), jnp.float32),
        mesh=_mesh(),
        compiler_params=pltpu.CompilerParams(needs_layout_passes=False,
                                             use_tc_tiling_on_sc=True),
        scratch_types=[
            pltpu.VMEM((CH, 128), jnp.int32),
            pltpu.VMEM((1, 128), jnp.float32),
            pltpu.VMEM_SHARED((DEGSZ,), jnp.float32),
            pltpu.SemaphoreType.DMA,
        ],
    )


def _sc_deg(dstp_hbm, ones_hbm, zd_hbm, deg_out, dst_v, ones_v, deg_sh, sem):
    c = lax.axis_index("c")
    s = lax.axis_index("s")
    wid = s * 2 + c
    pltpu.sync_copy(zd_hbm, deg_sh.at[pl.ds(s * 640, 640)])
    pltpu.sync_copy(dstp_hbm.at[wid], dst_v)
    pltpu.sync_copy(ones_hbm, ones_v)
    plsc.subcore_barrier()

    def issue(j):
        pltpu.async_copy(ones_v.at[0], deg_sh.at[dst_v.at[j]], sem, add=True)

    for j in range(8):
        issue(j)

    def body(j, carry):
        _drain(sem, ones_hbm.at[0], ones_v.at[0])
        issue(j)
        return carry

    lax.fori_loop(8, CH, body, 0)
    for _ in range(8):
        _drain(sem, ones_hbm.at[0], ones_v.at[0])
    plsc.subcore_barrier()
    pltpu.sync_copy(deg_sh.at[pl.ds(s * 640, 640)],
                    deg_out.at[c, pl.ds(s * 640, 640)])


@functools.cache
def _sc_agg_built():
    return pl.kernel(
        _sc_agg,
        out_type=jax.ShapeDtypeStruct((2, NPAD, DF), jnp.float32),
        mesh=_mesh(),
        compiler_params=pltpu.CompilerParams(needs_layout_passes=False,
                                             use_tc_tiling_on_sc=True),
        scratch_types=[
            pltpu.VMEM((2, 128), jnp.int32),
            pltpu.VMEM((CH, 128), jnp.int32),
            pltpu.VMEM((128, DF), jnp.float32),
            pltpu.VMEM((128, DF), jnp.float32),
            pltpu.SemaphoreType.DMA,
            pltpu.SemaphoreType.DMA,
            pltpu.SemaphoreType.DMA,
            pltpu.SemaphoreType.DMA,
            pltpu.VMEM_SHARED((NPAD, DF), jnp.float32),
        ],
    )


def _sc_agg(srcp_hbm, dstp_hbm, xs_hbm, za_hbm, agg_out,
            src_b, dst_v, stage0, stage1, semi, semg0, semg1, sems, agg_sh):
    c = lax.axis_index("c")
    s = lax.axis_index("s")
    wid = s * 2 + c
    pltpu.sync_copy(dstp_hbm.at[wid], dst_v)
    pltpu.sync_copy(za_hbm, agg_sh.at[pl.ds(s * AROWS, AROWS)])
    plsc.subcore_barrier()

    stages = (stage0, stage1)
    semgs = (semg0, semg1)

    for u in (0, 1):
        pltpu.sync_copy(srcp_hbm.at[wid, u], src_b.at[u])
        pltpu.async_copy(xs_hbm.at[src_b.at[u]], stages[u], semgs[u])

    def half(j, u):
        jn = lax.rem(j + 2, CH)
        _drain(semgs[u], xs_hbm.at[pl.ds(0, 128)], stages[u])
        pltpu.async_copy(srcp_hbm.at[wid, jn], src_b.at[u], semi)
        pltpu.async_copy(stages[u], agg_sh.at[dst_v.at[j]], sems, add=True)
        _drain(sems, xs_hbm.at[pl.ds(0, 128)], stages[u])
        _drain(semi, srcp_hbm.at[wid, 0], src_b.at[u])
        pltpu.async_copy(xs_hbm.at[src_b.at[u]], stages[u], semgs[u])

    def body(t, carry):
        half(2 * t, 0)
        half(2 * t + 1, 1)
        return carry

    lax.fori_loop(0, CH // 2, body, 0)
    _drain(semg0, xs_hbm.at[pl.ds(0, 128)], stage0)
    _drain(semg1, xs_hbm.at[pl.ds(0, 128)], stage1)
    plsc.subcore_barrier()
    pltpu.sync_copy(agg_sh.at[pl.ds(s * AROWS, AROWS)],
                    agg_out.at[c, pl.ds(s * AROWS, AROWS)])


@functools.cache
def _sc_p_built():
    return pl.kernel(
        _sc_p,
        out_type=jax.ShapeDtypeStruct((2, PSZ), jnp.float32),
        mesh=_mesh(),
        compiler_params=pltpu.CompilerParams(needs_layout_passes=False,
                                             use_tc_tiling_on_sc=True),
        scratch_types=[
            pltpu.VMEM((CH, 128), jnp.int32),
            pltpu.VMEM((CH, 128), jnp.int32),
            pltpu.VMEM((NPAD,), jnp.float32),
            pltpu.VMEM((NPAD,), jnp.int32),
            pltpu.VMEM((CH, 128), jnp.float32),
            pltpu.VMEM((CH, 128), jnp.int32),
            pltpu.VMEM_SHARED((PSZ,), jnp.float32),
            pltpu.SemaphoreType.DMA,
        ],
    )


def _sc_p(srcp_hbm, dstp_hbm, dinv_hbm, batch_hbm, zp_hbm, p_out,
          src_v, dst_v, dinv_v, batch_v, wbuf, pibuf, p_sh, semp):
    c = lax.axis_index("c")
    s = lax.axis_index("s")
    wid = s * 2 + c
    pltpu.sync_copy(srcp_hbm.at[wid], src_v)
    pltpu.sync_copy(dstp_hbm.at[wid], dst_v)
    pltpu.sync_copy(dinv_hbm, dinv_v)
    pltpu.sync_copy(batch_hbm, batch_v)
    pltpu.sync_copy(zp_hbm, p_sh.at[pl.ds(s * PROWS, PROWS)])
    plsc.subcore_barrier()

    def chunk(j, drain_p):
        for k in range(8):
            sl = pl.ds(k * 16, 16)
            s16 = src_v[j, sl]
            d16 = dst_v[j, sl]
            fs = plsc.load_gather(dinv_v, [s16])
            fd = plsc.load_gather(dinv_v, [d16])
            g16 = plsc.load_gather(batch_v, [d16])
            wbuf[j, sl] = fs * fd
            pibuf[j, sl] = g16 * NPAD + s16
        pltpu.async_copy(wbuf.at[j], p_sh.at[pibuf.at[j]], semp, add=True)
        if drain_p:
            _drain(semp, dinv_hbm.at[pl.ds(0, 128)], wbuf.at[0])

    def body(j, carry, drain_p):
        chunk(j, drain_p)
        return carry

    lax.fori_loop(0, 16, functools.partial(body, drain_p=False), 0)
    lax.fori_loop(16, CH, functools.partial(body, drain_p=True), 0)
    for _ in range(16):
        _drain(semp, dinv_hbm.at[pl.ds(0, 128)], wbuf.at[0])
    plsc.subcore_barrier()
    pltpu.sync_copy(p_sh.at[pl.ds(s * PROWS, PROWS)],
                    p_out.at[c, pl.ds(s * PROWS, PROWS)])


def _tc_scale_body(deg_ref, x_ref, dinv_ref, xs_ref):
    d = deg_ref[:, 0:1] + deg_ref[:, 1:2] + 1.0
    rows = lax.broadcasted_iota(jnp.int32, (DEGSZ, 1), 0)
    dv = jnp.where(rows < N, lax.rsqrt(d), 0.0)
    dinv_ref[...] = dv
    xs_ref[...] = x_ref[...] * dv


def _tc_scale(deg_colT, x_pad):
    return pl.pallas_call(
        _tc_scale_body,
        out_shape=[
            jax.ShapeDtypeStruct((NPAD, 1), jnp.float32),
            jax.ShapeDtypeStruct((NPAD, DF), jnp.float32),
        ],
    )(deg_colT, x_pad)


BK = 2048


def _tc_final_body(x_ref, agg_ref, dvc_ref, dvr_ref, b_ref, p_ref,
                   w1_ref, b1_ref, w2_ref, b2_ref, wl_ref, bl_ref,
                   o_ref, acc, cnt):
    i = pl.program_id(0)

    @pl.when(i == 0)
    def _init():
        acc[...] = jnp.zeros_like(acc)
        cnt[...] = jnp.zeros_like(cnt)

    dv = dvc_ref[...]
    z = dv * (agg_ref[0] + agg_ref[1]) + (dv * dv) * x_ref[...]
    h1 = jnp.maximum(
        jnp.dot(z, w1_ref[...], preferred_element_type=jnp.float32)
        + b1_ref[...], 0.0)
    bb = b_ref[...]
    gi = lax.broadcasted_iota(jnp.int32, (G, BK), 0)
    mf = (gi == bb).astype(jnp.float32)
    dvr = dvr_ref[...]
    pc = p_ref[0] + p_ref[1] + mf * (dvr * dvr)
    acc[...] += jnp.dot(pc, h1, preferred_element_type=jnp.float32)
    cnt[...] += jnp.sum(mf, axis=1, keepdims=True)

    @pl.when(i == NPAD // BK - 1)
    def _fin():
        pooled = (jnp.dot(acc[...], w2_ref[...],
                          preferred_element_type=jnp.float32)
                  + jnp.dot(cnt[...], b2_ref[...],
                            preferred_element_type=jnp.float32))
        o_ref[...] = (jnp.dot(pooled, wl_ref[...],
                              preferred_element_type=jnp.float32)
                      + bl_ref[...])


def _tc_final(x_c, agg2, dinv_col, dinv_row, batch_row, p3,
              W1, b1, W2, b2, Wl, bl):
    nblk = NPAD // BK
    return pl.pallas_call(
        _tc_final_body,
        grid=(nblk,),
        in_specs=[
            pl.BlockSpec((BK, DF), lambda i: (i, 0)),
            pl.BlockSpec((2, BK, DF), lambda i: (0, i, 0)),
            pl.BlockSpec((BK, 1), lambda i: (i, 0)),
            pl.BlockSpec((1, BK), lambda i: (0, i)),
            pl.BlockSpec((1, BK), lambda i: (0, i)),
            pl.BlockSpec((2, G, BK), lambda i: (0, 0, i)),
            pl.BlockSpec((DF, H), lambda i: (0, 0)),
            pl.BlockSpec((1, H), lambda i: (0, 0)),
            pl.BlockSpec((H, H), lambda i: (0, 0)),
            pl.BlockSpec((1, H), lambda i: (0, 0)),
            pl.BlockSpec((H, C), lambda i: (0, 0)),
            pl.BlockSpec((1, C), lambda i: (0, 0)),
        ],
        out_specs=pl.BlockSpec((G, C), lambda i: (0, 0)),
        out_shape=jax.ShapeDtypeStruct((G, C), jnp.float32),
        scratch_shapes=[
            pltpu.VMEM((G, H), jnp.float32),
            pltpu.VMEM((G, 1), jnp.float32),
        ],
    )(x_c, agg2, dinv_col, dinv_row, batch_row, p3,
      W1, b1, W2, b2, Wl, bl)


def kernel(x_o, x_c, edge_index_o, edge_index_c, batch_o,
           W1o, b1o, W2o, b2o, W1c, b1c, W2c, b2c, Wl, bl):
    src = edge_index_c[0]
    dst = edge_index_c[1]
    ar = jnp.arange(PADE, dtype=jnp.int32)
    srcp = jnp.concatenate([src, (ar * 13) % N]).reshape(NT, CH, 128)
    dstp = jnp.concatenate([dst, N + (ar % 128)]).reshape(NT, CH, 128)
    ones_row = jnp.ones((1, 128), jnp.float32)
    zd = jnp.zeros((640,), jnp.float32)

    x_pad = jnp.pad(x_c, ((0, NPAD - N), (0, 0)))
    deg_parts = _sc_deg_built()(dstp, ones_row, zd)
    dinv_col, xs = _tc_scale(deg_parts.T, x_pad)

    dinv_flat = dinv_col.reshape(NPAD)
    batch_flat = jnp.pad(batch_o, (0, NPAD - N))
    za = jnp.zeros((AROWS, DF), jnp.float32)
    zp = jnp.zeros((PROWS,), jnp.float32)
    agg_parts = _sc_agg_built()(srcp, dstp, xs, za)
    p_parts = _sc_p_built()(srcp, dstp, dinv_flat, batch_flat, zp)

    p3 = p_parts.reshape(2, G, NPAD)
    dinv_row = dinv_col.reshape(1, NPAD)
    batch_row = jnp.pad(batch_o, (0, NPAD - N),
                        constant_values=-1).reshape(1, NPAD)
    return _tc_final(x_pad, agg_parts, dinv_col, dinv_row, batch_row, p3,
                     W1c, b1c.reshape(1, H), W2c, b2c.reshape(1, H),
                     Wl, bl.reshape(1, C))

# --- scband reference (transcript-rebuilt; emitter-appended) ---
"""Pipeline reference for scband-clcomplement-23665269801374 (READ-ONLY COPY).

The authoritative reference and input builder live on the scoring server;
editing this copy changes nothing except your own understanding.
"""

import jax, jax.numpy as jnp
import numpy as np

N = 10000
E = 320000
DF = 128
H = 256
C = 10
G = 64


def gcn_conv(x, edge_index, W, b):
    num_nodes = x.shape[0]
    src = edge_index[0]
    dst = edge_index[1]
    loop = jnp.arange(num_nodes, dtype=src.dtype)
    src = jnp.concatenate([src, loop])
    dst = jnp.concatenate([dst, loop])
    deg = jnp.zeros((num_nodes,), dtype=x.dtype).at[dst].add(1.0)
    dinv = jnp.where(deg > 0, 1.0 / jnp.sqrt(deg), 0.0)
    norm = dinv[src] * dinv[dst]
    xw = x @ W
    msg = xw[src] * norm[:, None]
    out = jnp.zeros((num_nodes, W.shape[1]), dtype=x.dtype).at[dst].add(msg)
    return out + b


def setup_inputs(seed: int = 0):
    key = jax.random.key(seed)
    ks = jax.random.split(key, 16)
    inp = {}
    inp["x_o"] = jax.random.normal(ks[0], (N, DF), dtype=jnp.float32)
    inp["x_c"] = jax.random.normal(ks[1], (N, DF), dtype=jnp.float32)
    inp["edge_index_o"] = jax.random.randint(ks[2], (2, E), 0, N, dtype=jnp.int32)
    inp["edge_index_c"] = jax.random.randint(ks[3], (2, E), 0, N, dtype=jnp.int32)
    inp["batch_o"] = jnp.sort(jax.random.randint(ks[4], (N,), 0, G, dtype=jnp.int32))
    inp["W1o"] = jax.random.normal(ks[5], (DF, H), dtype=jnp.float32) * 0.05
    inp["b1o"] = jnp.zeros((H,), dtype=jnp.float32)
    inp["W2o"] = jax.random.normal(ks[6], (H, H), dtype=jnp.float32) * 0.05
    inp["b2o"] = jnp.zeros((H,), dtype=jnp.float32)
    inp["W1c"] = jax.random.normal(ks[7], (DF, H), dtype=jnp.float32) * 0.05
    inp["b1c"] = jnp.zeros((H,), dtype=jnp.float32)
    inp["W2c"] = jax.random.normal(ks[8], (H, H), dtype=jnp.float32) * 0.05
    inp["b2c"] = jnp.zeros((H,), dtype=jnp.float32)
    inp["Wl"] = jax.random.normal(ks[9], (H, C), dtype=jnp.float32) * 0.05
    inp["bl"] = jnp.zeros((C,), dtype=jnp.float32)
    return inp


def reference(x_o, x_c, edge_index_o, edge_index_c, batch_o,
              W1o, b1o, W2o, b2o, W1c, b1c, W2c, b2c, Wl, bl):
    # original branch
    h_o = gcn_conv(x_o, edge_index_o, W1o, b1o)
    h_o = jax.nn.relu(h_o)
    h_o = gcn_conv(h_o, edge_index_o, W2o, b2o)
    # complement branch
    h_c = gcn_conv(x_c, edge_index_c, W1c, b1c)
    h_c = jax.nn.relu(h_c)
    h_c = gcn_conv(h_c, edge_index_c, W2c, b2c)
    # merging_type == 'o' -> h = x_c branch output
    h = h_c
    pooled = jax.ops.segment_sum(h, batch_o, num_segments=G)
    out = pooled @ Wl + bl
    return out

if __name__ == "__main__":
    import jax
    _d = setup_inputs()
    print(jax.jit(kernel)(*tuple(_d.values())))

</pallas_src>

<mosaic_0001>
#map = affine_map<(d0, d1) -> (0, 0, 0)>
#map1 = affine_map<(d0, d1) -> (0, 0)>
#map2 = affine_map<(d0, d1) -> (0)>
module attributes {stable_mosaic.version = 14 : i64} {
  func.func @_sc_deg(%arg0: i32, %arg1: i32, %arg2: memref<32x80x128xi32, #tpu.memory_space<hbm>>, %arg3: memref<1x128xf32, #tpu.memory_space<hbm>>, %arg4: memref<640xf32, #tpu.memory_space<hbm>>, %arg5: memref<2x10240xf32, #tpu.memory_space<hbm>>, %arg6: memref<80x128xi32, #tpu.memory_space<vmem>>, %arg7: memref<1x128xf32, #tpu.memory_space<vmem>>, %arg8: memref<10240xf32, #tpu.memory_space<vmem_shared>>, %arg9: memref<!tpu.dma_semaphore, #tpu.memory_space<semaphore_mem>>) attributes {dimension_semantics = [#tpu.dimension_semantics<core_parallel>, #tpu.dimension_semantics<subcore_parallel>], iteration_bounds = array<i64: 2, 16>, scalar_prefetch = 0 : i64, scratch_operands = 4 : i64, tpu.core_type = #tpu.core_type<sc_vector_subcore>, window_params = [{transform_indices = #map}, {transform_indices = #map1}, {transform_indices = #map2}, {transform_indices = #map1}]} {
    %mul3A = arith.constant 2 : i32
    %mul3A_0 = arith.muli %arg1, %mul3A : i32
    %add3A = arith.addi %mul3A_0, %arg0 : i32
    %mul3A_1 = arith.constant 640 : i32
    %mul3A_2 = arith.muli %arg1, %mul3A_1 : i32
    "tpu.region"() ({
      %run_scoped3A = tpu.sem_alloc : memref<!tpu.dma_semaphore, #tpu.memory_space<semaphore_mem>>
      %dma_start3A_203 = tpu.memref_slice %arg8[%mul3A_2] : memref<10240xf32, #tpu.memory_space<vmem_shared>> -> memref<640xf32, #tpu.memory_space<vmem_shared>>
      tpu.enqueue_dma source(%arg4 : memref<640xf32, #tpu.memory_space<hbm>>) target(%dma_start3A_203 : memref<640xf32, #tpu.memory_space<vmem_shared>>) target_semaphore(%run_scoped3A : memref<!tpu.dma_semaphore, #tpu.memory_space<semaphore_mem>>)
      %dma_wait3A_204 = tpu.memref_slice %arg8[%mul3A_2] : memref<10240xf32, #tpu.memory_space<vmem_shared>> -> memref<640xf32, #tpu.memory_space<vmem_shared>>
      tpu.wait_dma2 semaphore(%run_scoped3A : memref<!tpu.dma_semaphore, #tpu.memory_space<semaphore_mem>>) src(%arg4 : memref<640xf32, #tpu.memory_space<hbm>>) dst(%dma_wait3A_204 : memref<640xf32, #tpu.memory_space<vmem_shared>>)
      tpu.yield
    }) : () -> ()
    "tpu.region"() ({
      %run_scoped3A = tpu.sem_alloc : memref<!tpu.dma_semaphore, #tpu.memory_space<semaphore_mem>>
      %dma_start3A_203 = arith.constant 0 : i32
      %dma_start3A_204 = arith.constant 0 : i32
      %dma_start3A_205 = tpu.memref_slice %arg2[%add3A, %dma_start3A_203, %dma_start3A_204] : memref<32x80x128xi32, #tpu.memory_space<hbm>> -> memref<1x80x128xi32, #tpu.memory_space<hbm>>
      %dma_start3A_206 = tpu.memref_squeeze %dma_start3A_205 : memref<1x80x128xi32, #tpu.memory_space<hbm>> -> memref<80x128xi32, #tpu.memory_space<hbm>>
      %dma_start3A_207 = arith.constant 0 : i32
      %dma_start3A_208 = arith.constant 0 : i32
      %dma_start3A_209 = tpu.memref_slice %arg2[%add3A, %dma_start3A_207, %dma_start3A_208] : memref<32x80x128xi32, #tpu.memory_space<hbm>> -> memref<1x80x128xi32, #tpu.memory_space<hbm>>
      %dma_start3A_210 = tpu.memref_squeeze %dma_start3A_209 : memref<1x80x128xi32, #tpu.memory_space<hbm>> -> memref<80x128xi32, #tpu.memory_space<hbm>>
      tpu.enqueue_dma source(%dma_start3A_210 : memref<80x128xi32, #tpu.memory_space<hbm>>) target(%arg6 : memref<80x128xi32, #tpu.memory_space<vmem>>) target_semaphore(%run_scoped3A : memref<!tpu.dma_semaphore, #tpu.memory_space<semaphore_mem>>)
      %dma_wait3A_211 = arith.constant 0 : i32
      %dma_wait3A_212 = arith.constant 0 : i32
      %dma_wait3A_213 = tpu.memref_slice %arg2[%add3A, %dma_wait3A_211, %dma_wait3A_212] : memref<32x80x128xi32, #tpu.memory_space<hbm>> -> memref<1x80x128xi32, #tpu.memory_space<hbm>>
      %dma_wait3A_214 = tpu.memref_squeeze %dma_wait3A_213 : memref<1x80x128xi32, #tpu.memory_space<hbm>> -> memref<80x128xi32, #tpu.memory_space<hbm>>
      %dma_wait3A_215 = arith.constant 0 : i32
      %dma_wait3A_216 = arith.constant 0 : i32
      %dma_wait3A_217 = tpu.memref_slice %arg2[%add3A, %dma_wait3A_215, %dma_wait3A_216] : memref<32x80x128xi32, #tpu.memory_space<hbm>> -> memref<1x80x128xi32, #tpu.memory_space<hbm>>
      %dma_wait3A_218 = tpu.memref_squeeze %dma_wait3A_217 : memref<1x80x128xi32, #tpu.memory_space<hbm>> -> memref<80x128xi32, #tpu.memory_space<hbm>>
      tpu.wait_dma2 semaphore(%run_scoped3A : memref<!tpu.dma_semaphore, #tpu.memory_space<semaphore_mem>>) src(%dma_wait3A_218 : memref<80x128xi32, #tpu.memory_space<hbm>>) dst(%arg6 : memref<80x128xi32, #tpu.memory_space<vmem>>)
      tpu.yield
    }) : () -> ()
    "tpu.region"() ({
      %run_scoped3A = tpu.sem_alloc : memref<!tpu.dma_semaphore, #tpu.memory_space<semaphore_mem>>
      tpu.enqueue_dma source(%arg3 : memref<1x128xf32, #tpu.memory_space<hbm>>) target(%arg7 : memref<1x128xf32, #tpu.memory_space<vmem>>) target_semaphore(%run_scoped3A : memref<!tpu.dma_semaphore, #tpu.memory_space<semaphore_mem>>)
      tpu.wait_dma2 semaphore(%run_scoped3A : memref<!tpu.dma_semaphore, #tpu.memory_space<semaphore_mem>>) src(%arg3 : memref<1x128xf32, #tpu.memory_space<hbm>>) dst(%arg7 : memref<1x128xf32, #tpu.memory_space<vmem>>)
      tpu.yield
    }) : () -> ()
    %barrier3A = arith.constant 0 : index
    tpu.barrier barrier_id(%barrier3A)
    %dma_start3A = arith.constant 0 : i32
    %dma_start3A_3 = arith.constant 0 : i32
    %dma_start3A_4 = arith.constant 0 : i32
    %dma_start3A_5 = tpu.memref_slice %arg7[%dma_start3A, %dma_start3A_4] : memref<1x128xf32, #tpu.memory_space<vmem>> -> memref<1x128xf32, #tpu.memory_space<vmem>>
    %dma_start3A_6 = tpu.memref_squeeze %dma_start3A_5 : memref<1x128xf32, #tpu.memory_space<vmem>> -> memref<128xf32, #tpu.memory_space<vmem>>
    %dma_start3A_7 = arith.constant 0 : i32
    %dma_start3A_8 = tpu.memref_slice %arg6[%dma_start3A_3, %dma_start3A_7] : memref<80x128xi32, #tpu.memory_space<vmem>> -> memref<1x128xi32, #tpu.memory_space<vmem>>
    %dma_start3A_9 = tpu.memref_squeeze %dma_start3A_8 : memref<1x128xi32, #tpu.memory_space<vmem>> -> memref<128xi32, #tpu.memory_space<vmem>>
    %dma_start3A_10 = arith.constant 0 : i32
    %dma_start3A_11 = tpu.memref_slice %arg8[%dma_start3A_10] : memref<10240xf32, #tpu.memory_space<vmem_shared>> -> memref<10240xf32, #tpu.memory_space<vmem_shared>>
    tpu.enqueue_indirect_dma source(%dma_start3A_6 : memref<128xf32, #tpu.memory_space<vmem>>) target(%dma_start3A_11 : memref<10240xf32, #tpu.memory_space<vmem_shared>>) offsets(%dma_start3A_9 : memref<128xi32, #tpu.memory_space<vmem>>) semaphore(%arg9 : memref<!tpu.dma_semaphore, #tpu.memory_space<semaphore_mem>>) {add = true}
    %dma_start3A_12 = arith.constant 0 : i32
    %dma_start3A_13 = arith.constant 1 : i32
    %dma_start3A_14 = arith.constant 0 : i32
    %dma_start3A_15 = tpu.memref_slice %arg7[%dma_start3A_12, %dma_start3A_14] : memref<1x128xf32, #tpu.memory_space<vmem>> -> memref<1x128xf32, #tpu.memory_space<vmem>>
    %dma_start3A_16 = tpu.memref_squeeze %dma_start3A_15 : memref<1x128xf32, #tpu.memory_space<vmem>> -> memref<128xf32, #tpu.memory_space<vmem>>
    %dma_start3A_17 = arith.constant 0 : i32
    %dma_start3A_18 = tpu.memref_slice %arg6[%dma_start3A_13, %dma_start3A_17] : memref<80x128xi32, #tpu.memory_space<vmem>> -> memref<1x128xi32, #tpu.memory_space<vmem>>
    %dma_start3A_19 = tpu.memref_squeeze %dma_start3A_18 : memref<1x128xi32, #tpu.memory_space<vmem>> -> memref<128xi32, #tpu.memory_space<vmem>>
    %dma_start3A_20 = arith.constant 0 : i32
    %dma_start3A_21 = tpu.memref_slice %arg8[%dma_start3A_20] : memref<10240xf32, #tpu.memory_space<vmem_shared>> -> memref<10240xf32, #tpu.memory_space<vmem_shared>>
    tpu.enqueue_indirect_dma source(%dma_start3A_16 : memref<128xf32, #tpu.memory_space<vmem>>) target(%dma_start3A_21 : memref<10240xf32, #tpu.memory_space<vmem_shared>>) offsets(%dma_start3A_19 : memref<128xi32, #tpu.memory_space<vmem>>) semaphore(%arg9 : memref<!tpu.dma_semaphore, #tpu.memory_space<semaphore_mem>>) {add = true}
    %dma_start3A_22 = arith.constant 0 : i32
    %dma_start3A_23 = arith.constant 2 : i32
    %dma_start3A_24 = arith.constant 0 : i32
    %dma_start3A_25 = tpu.memref_slice %arg7[%dma_start3A_22, %dma_start3A_24] : memref<1x128xf32, #tpu.memory_space<vmem>> -> memref<1x128xf32, #tpu.memory_space<vmem>>
    %dma_start3A_26 = tpu.memref_squeeze %dma_start3A_25 : memref<1x128xf32, #tpu.memory_space<vmem>> -> memref<128xf32, #tpu.memory_space<vmem>>
    %dma_start3A_27 = arith.constant 0 : i32
    %dma_start3A_28 = tpu.memref_slice %arg6[%dma_start3A_23, %dma_start3A_27] : memref<80x128xi32, #tpu.memory_space<vmem>> -> memref<1x128xi32, #tpu.memory_space<vmem>>
    %dma_start3A_29 = tpu.memref_squeeze %dma_start3A_28 : memref<1x128xi32, #tpu.memory_space<vmem>> -> memref<128xi32, #tpu.memory_space<vmem>>
    %dma_start3A_30 = arith.constant 0 : i32
    %dma_start3A_31 = tpu.memref_slice %arg8[%dma_start3A_30] : memref<10240xf32, #tpu.memory_space<vmem_shared>> -> memref<10240xf32, #tpu.memory_space<vmem_shared>>
    tpu.enqueue_indirect_dma source(%dma_start3A_26 : memref<128xf32, #tpu.memory_space<vmem>>) target(%dma_start3A_31 : memref<10240xf32, #tpu.memory_space<vmem_shared>>) offsets(%dma_start3A_29 : memref<128xi32, #tpu.memory_space<vmem>>) semaphore(%arg9 : memref<!tpu.dma_semaphore, #tpu.memory_space<semaphore_mem>>) {add = true}
    %dma_start3A_32 = arith.constant 0 : i32
    %dma_start3A_33 = arith.constant 3 : i32
    %dma_start3A_34 = arith.constant 0 : i32
    %dma_start3A_35 = tpu.memref_slice %arg7[%dma_start3A_32, %dma_start3A_34] : memref<1x128xf32, #tpu.memory_space<vmem>> -> memref<1x128xf32, #tpu.memory_space<vmem>>
    %dma_start3A_36 = tpu.memref_squeeze %dma_start3A_35 : memref<1x128xf32, #tpu.memory_space<vmem>> -> memref<128xf32, #tpu.memory_space<vmem>>
    %dma_start3A_37 = arith.constant 0 : i32
    %dma_start3A_38 = tpu.memref_slice %arg6[%dma_start3A_33, %dma_start3A_37] : memref<80x128xi32, #tpu.memory_space<vmem>> -> memref<1x128xi32, #tpu.memory_space<vmem>>
    %dma_start3A_39 = tpu.memref_squeeze %dma_start3A_38 : memref<1x128xi32, #tpu.memory_space<vmem>> -> memref<128xi32, #tpu.memory_space<vmem>>
    %dma_start3A_40 = arith.constant 0 : i32
    %dma_start3A_41 = tpu.memref_slice %arg8[%dma_start3A_40] : memref<10240xf32, #tpu.memory_space<vmem_shared>> -> memref<10240xf32, #tpu.memory_space<vmem_shared>>
    tpu.enqueue_indirect_dma source(%dma_start3A_36 : memref<128xf32, #tpu.memory_space<vmem>>) target(%dma_start3A_41 : memref<10240xf32, #tpu.memory_space<vmem_shared>>) offsets(%dma_start3A_39 : memref<128xi32, #tpu.memory_space<vmem>>) semaphore(%arg9 : memref<!tpu.dma_semaphore, #tpu.memory_space<semaphore_mem>>) {add = true}
    %dma_start3A_42 = arith.constant 0 : i32
    %dma_start3A_43 = arith.constant 4 : i32
    %dma_start3A_44 = arith.constant 0 : i32
    %dma_start3A_45 = tpu.memref_slice %arg7[%dma_start3A_42, %dma_start3A_44] : memref<1x128xf32, #tpu.memory_space<vmem>> -> memref<1x128xf32, #tpu.memory_space<vmem>>
    %dma_start3A_46 = tpu.memref_squeeze %dma_start3A_45 : memref<1x128xf32, #tpu.memory_space<vmem>> -> memref<128xf32, #tpu.memory_space<vmem>>
    %dma_start3A_47 = arith.constant 0 : i32
    %dma_start3A_48 = tpu.memref_slice %arg6[%dma_start3A_43, %dma_start3A_47] : memref<80x128xi32, #tpu.memory_space<vmem>> -> memref<1x128xi32, #tpu.memory_space<vmem>>
    %dma_start3A_49 = tpu.memref_squeeze %dma_start3A_48 : memref<1x128xi32, #tpu.memory_space<vmem>> -> memref<128xi32, #tpu.memory_space<vmem>>
    %dma_start3A_50 = arith.constant 0 : i32
    %dma_start3A_51 = tpu.memref_slice %arg8[%dma_start3A_50] : memref<10240xf32, #tpu.memory_space<vmem_shared>> -> memref<10240xf32, #tpu.memory_space<vmem_shared>>
    tpu.enqueue_indirect_dma source(%dma_start3A_46 : memref<128xf32, #tpu.memory_space<vmem>>) target(%dma_start3A_51 : memref<10240xf32, #tpu.memory_space<vmem_shared>>) offsets(%dma_start3A_49 : memref<128xi32, #tpu.memory_space<vmem>>) semaphore(%arg9 : memref<!tpu.dma_semaphore, #tpu.memory_space<semaphore_mem>>) {add = true}
    %dma_start3A_52 = arith.constant 0 : i32
    %dma_start3A_53 = arith.constant 5 : i32
    %dma_start3A_54 = arith.constant 0 : i32
    %dma_start3A_55 = tpu.memref_slice %arg7[%dma_start3A_52, %dma_start3A_54] : memref<1x128xf32, #tpu.memory_space<vmem>> -> memref<1x128xf32, #tpu.memory_space<vmem>>
    %dma_start3A_56 = tpu.memref_squeeze %dma_start3A_55 : memref<1x128xf32, #tpu.memory_space<vmem>> -> memref<128xf32, #tpu.memory_space<vmem>>
    %dma_start3A_57 = arith.constant 0 : i32
    %dma_start3A_58 = tpu.memref_slice %arg6[%dma_start3A_53, %dma_start3A_57] : memref<80x128xi32, #tpu.memory_space<vmem>> -> memref<1x128xi32, #tpu.memory_space<vmem>>
    %dma_start3A_59 = tpu.memref_squeeze %dma_start3A_58 : memref<1x128xi32, #tpu.memory_space<vmem>> -> memref<128xi32, #tpu.memory_space<vmem>>
    %dma_start3A_60 = arith.constant 0 : i32
    %dma_start3A_61 = tpu.memref_slice %arg8[%dma_start3A_60] : memref<10240xf32, #tpu.memory_space<vmem_shared>> -> memref<10240xf32, #tpu.memory_space<vmem_shared>>
    tpu.enqueue_indirect_dma source(%dma_start3A_56 : memref<128xf32, #tpu.memory_space<vmem>>) target(%dma_start3A_61 : memref<10240xf32, #tpu.memory_space<vmem_shared>>) offsets(%dma_start3A_59 : memref<128xi32, #tpu.memory_space<vmem>>) semaphore(%arg9 : memref<!tpu.dma_semaphore, #tpu.memory_space<semaphore_mem>>) {add = true}
    %dma_start3A_62 = arith.constant 0 : i32
    %dma_start3A_63 = arith.constant 6 : i32
    %dma_start3A_64 = arith.constant 0 : i32
    %dma_start3A_65 = tpu.memref_slice %arg7[%dma_start3A_62, %dma_start3A_64] : memref<1x128xf32, #tpu.memory_space<vmem>> -> memref<1x128xf32, #tpu.memory_space<vmem>>
    %dma_start3A_66 = tpu.memref_squeeze %dma_start3A_65 : memref<1x128xf32, #tpu.memory_space<vmem>> -> memref<128xf32, #tpu.memory_space<vmem>>
    %dma_start3A_67 = arith.constant 0 : i32
    %dma_start3A_68 = tpu.memref_slice %arg6[%dma_start3A_63, %dma_start3A_67] : memref<80x128xi32, #tpu.memory_space<vmem>> -> memref<1x128xi32, #tpu.memory_space<vmem>>
    %dma_start3A_69 = tpu.memref_squeeze %dma_start3A_68 : memref<1x128xi32, #tpu.memory_space<vmem>> -> memref<128xi32, #tpu.memory_space<vmem>>
    %dma_start3A_70 = arith.constant 0 : i32
    %dma_start3A_71 = tpu.memref_slice %arg8[%dma_start3A_70] : memref<10240xf32, #tpu.memory_space<vmem_shared>> -> memref<10240xf32, #tpu.memory_space<vmem_shared>>
    tpu.enqueue_indirect_dma source(%dma_start3A_66 : memref<128xf32, #tpu.memory_space<vmem>>) target(%dma_start3A_71 : memref<10240xf32, #tpu.memory_space<vmem_shared>>) offsets(%dma_start3A_69 : memref<128xi32, #tpu.memory_space<vmem>>) semaphore(%arg9 : memref<!tpu.dma_semaphore, #tpu.memory_space<semaphore_mem>>) {add = true}
    %dma_start3A_72 = arith.constant 0 : i32
    %dma_start3A_73 = arith.constant 7 : i32
    %dma_start3A_74 = arith.constant 0 : i32
    %dma_start3A_75 = tpu.memref_slice %arg7[%dma_start3A_72, %dma_start3A_74] : memref<1x128xf32, #tpu.memory_space<vmem>> -> memref<1x128xf32, #tpu.memory_space<vmem>>
    %dma_start3A_76 = tpu.memref_squeeze %dma_start3A_75 : memref<1x128xf32, #tpu.memory_space<vmem>> -> memref<128xf32, #tpu.memory_space<vmem>>
    %dma_start3A_77 = arith.constant 0 : i32
    %dma_start3A_78 = tpu.memref_slice %arg6[%dma_start3A_73, %dma_start3A_77] : memref<80x128xi32, #tpu.memory_space<vmem>> -> memref<1x128xi32, #tpu.memory_space<vmem>>
    %dma_start3A_79 = tpu.memref_squeeze %dma_start3A_78 : memref<1x128xi32, #tpu.memory_space<vmem>> -> memref<128xi32, #tpu.memory_space<vmem>>
    %dma_start3A_80 = arith.constant 0 : i32
    %dma_start3A_81 = tpu.memref_slice %arg8[%dma_start3A_80] : memref<10240xf32, #tpu.memory_space<vmem_shared>> -> memref<10240xf32, #tpu.memory_space<vmem_shared>>
    tpu.enqueue_indirect_dma source(%dma_start3A_76 : memref<128xf32, #tpu.memory_space<vmem>>) target(%dma_start3A_81 : memref<10240xf32, #tpu.memory_space<vmem_shared>>) offsets(%dma_start3A_79 : memref<128xi32, #tpu.memory_space<vmem>>) semaphore(%arg9 : memref<!tpu.dma_semaphore, #tpu.memory_space<semaphore_mem>>) {add = true}
    %scan3A = arith.constant 0 : i32
    %scan3A_82 = arith.constant 8 : i32
    %scan3A_83 = arith.constant 72 : i32
    %scan3A_84 = arith.addi %scan3A_82, %scan3A_83 : i32
    %scan3A_85 = arith.constant 1 : i32
    scf.for %scan3A_203 = %scan3A_82 to %scan3A_84 step %scan3A_85  : i32 {
      %dma_wait3A_204 = arith.constant 0 : i32
      %dma_wait3A_205 = arith.constant 0 : i32
      %dma_wait3A_206 = arith.constant 0 : i32
      %dma_wait3A_207 = tpu.memref_slice %arg7[%dma_wait3A_205, %dma_wait3A_206] : memref<1x128xf32, #tpu.memory_space<vmem>> -> memref<1x128xf32, #tpu.memory_space<vmem>>
      %dma_wait3A_208 = tpu.memref_squeeze %dma_wait3A_207 : memref<1x128xf32, #tpu.memory_space<vmem>> -> memref<128xf32, #tpu.memory_space<vmem>>
      %dma_wait3A_209 = arith.constant 0 : i32
      %dma_wait3A_210 = tpu.memref_slice %arg3[%dma_wait3A_204, %dma_wait3A_209] : memref<1x128xf32, #tpu.memory_space<hbm>> -> memref<1x128xf32, #tpu.memory_space<hbm>>
      %dma_wait3A_211 = tpu.memref_squeeze %dma_wait3A_210 : memref<1x128xf32, #tpu.memory_space<hbm>> -> memref<128xf32, #tpu.memory_space<hbm>>
      %dma_wait3A_212 = arith.constant 0 : i32
      %dma_wait3A_213 = tpu.memref_slice %arg7[%dma_wait3A_205, %dma_wait3A_212] : memref<1x128xf32, #tpu.memory_space<vmem>> -> memref<1x128xf32, #tpu.memory_space<vmem>>
      %dma_wait3A_214 = tpu.memref_squeeze %dma_wait3A_213 : memref<1x128xf32, #tpu.memory_space<vmem>> -> memref<128xf32, #tpu.memory_space<vmem>>
      %dma_wait3A_215 = arith.constant 0 : i32
      %dma_wait3A_216 = tpu.memref_slice %arg3[%dma_wait3A_204, %dma_wait3A_215] : memref<1x128xf32, #tpu.memory_space<hbm>> -> memref<1x128xf32, #tpu.memory_space<hbm>>
      %dma_wait3A_217 = tpu.memref_squeeze %dma_wait3A_216 : memref<1x128xf32, #tpu.memory_space<hbm>> -> memref<128xf32, #tpu.memory_space<hbm>>
      tpu.wait_dma2 semaphore(%arg9 : memref<!tpu.dma_semaphore, #tpu.memory_space<semaphore_mem>>) src(%dma_wait3A_217 : memref<128xf32, #tpu.memory_space<hbm>>) dst(%dma_wait3A_214 : memref<128xf32, #tpu.memory_space<vmem>>)
      %dma_start3A_218 = arith.constant 0 : i32
      %dma_start3A_219 = arith.constant 0 : i32
      %dma_start3A_220 = tpu.memref_slice %arg7[%dma_start3A_218, %dma_start3A_219] : memref<1x128xf32, #tpu.memory_space<vmem>> -> memref<1x128xf32, #tpu.memory_space<vmem>>
      %dma_start3A_221 = tpu.memref_squeeze %dma_start3A_220 : memref<1x128xf32, #tpu.memory_space<vmem>> -> memref<128xf32, #tpu.memory_space<vmem>>
      %dma_start3A_222 = arith.constant 0 : i32
      %dma_start3A_223 = tpu.memref_slice %arg6[%scan3A_203, %dma_start3A_222] : memref<80x128xi32, #tpu.memory_space<vmem>> -> memref<1x128xi32, #tpu.memory_space<vmem>>
      %dma_start3A_224 = tpu.memref_squeeze %dma_start3A_223 : memref<1x128xi32, #tpu.memory_space<vmem>> -> memref<128xi32, #tpu.memory_space<vmem>>
      %dma_start3A_225 = arith.constant 0 : i32
      %dma_start3A_226 = tpu.memref_slice %arg8[%dma_start3A_225] : memref<10240xf32, #tpu.memory_space<vmem_shared>> -> memref<10240xf32, #tpu.memory_space<vmem_shared>>
      tpu.enqueue_indirect_dma source(%dma_start3A_221 : memref<128xf32, #tpu.memory_space<vmem>>) target(%dma_start3A_226 : memref<10240xf32, #tpu.memory_space<vmem_shared>>) offsets(%dma_start3A_224 : memref<128xi32, #tpu.memory_space<vmem>>) semaphore(%arg9 : memref<!tpu.dma_semaphore, #tpu.memory_space<semaphore_mem>>) {add = true}
    }
    %scan3A_86 = arith.constant 72 : i32
    %dma_wait3A = arith.constant 0 : i32
    %dma_wait3A_87 = arith.constant 0 : i32
    %dma_wait3A_88 = arith.constant 0 : i32
    %dma_wait3A_89 = tpu.memref_slice %arg7[%dma_wait3A_87, %dma_wait3A_88] : memref<1x128xf32, #tpu.memory_space<vmem>> -> memref<1x128xf32, #tpu.memory_space<vmem>>
    %dma_wait3A_90 = tpu.memref_squeeze %dma_wait3A_89 : memref<1x128xf32, #tpu.memory_space<vmem>> -> memref<128xf32, #tpu.memory_space<vmem>>
    %dma_wait3A_91 = arith.constant 0 : i32
    %dma_wait3A_92 = tpu.memref_slice %arg3[%dma_wait3A, %dma_wait3A_91] : memref<1x128xf32, #tpu.memory_space<hbm>> -> memref<1x128xf32, #tpu.memory_space<hbm>>
    %dma_wait3A_93 = tpu.memref_squeeze %dma_wait3A_92 : memref<1x128xf32, #tpu.memory_space<hbm>> -> memref<128xf32, #tpu.memory_space<hbm>>
    %dma_wait3A_94 = arith.constant 0 : i32
    %dma_wait3A_95 = tpu.memref_slice %arg7[%dma_wait3A_87, %dma_wait3A_94] : memref<1x128xf32, #tpu.memory_space<vmem>> -> memref<1x128xf32, #tpu.memory_space<vmem>>
    %dma_wait3A_96 = tpu.memref_squeeze %dma_wait3A_95 : memref<1x128xf32, #tpu.memory_space<vmem>> -> memref<128xf32, #tpu.memory_space<vmem>>
    %dma_wait3A_97 = arith.constant 0 : i32
    %dma_wait3A_98 = tpu.memref_slice %arg3[%dma_wait3A, %dma_wait3A_97] : memref<1x128xf32, #tpu.memory_space<hbm>> -> memref<1x128xf32, #tpu.memory_space<hbm>>
    %dma_wait3A_99 = tpu.memref_squeeze %dma_wait3A_98 : memref<1x128xf32, #tpu.memory_space<hbm>> -> memref<128xf32, #tpu.memory_space<hbm>>
    tpu.wait_dma2 semaphore(%arg9 : memref<!tpu.dma_semaphore, #tpu.memory_space<semaphore_mem>>) src(%dma_wait3A_99 : memref<128xf32, #tpu.memory_space<hbm>>) dst(%dma_wait3A_96 : memref<128xf32, #tpu.memory_space<vmem>>)
    %dma_wait3A_100 = arith.constant 0 : i32
    %dma_wait3A_101 = arith.constant 0 : i32
    %dma_wait3A_102 = arith.constant 0 : i32
    %dma_wait3A_103 = tpu.memref_slice %arg7[%dma_wait3A_101, %dma_wait3A_102] : memref<1x128xf32, #tpu.memory_space<vmem>> -> memref<1x128xf32, #tpu.memory_space<vmem>>
    %dma_wait3A_104 = tpu.memref_squeeze %dma_wait3A_103 : memref<1x128xf32, #tpu.memory_space<vmem>> -> memref<128xf32, #tpu.memory_space<vmem>>
    %dma_wait3A_105 = arith.constant 0 : i32
    %dma_wait3A_106 = tpu.memref_slice %arg3[%dma_wait3A_100, %dma_wait3A_105] : memref<1x128xf32, #tpu.memory_space<hbm>> -> memref<1x128xf32, #tpu.memory_space<hbm>>
    %dma_wait3A_107 = tpu.memref_squeeze %dma_wait3A_106 : memref<1x128xf32, #tpu.memory_space<hbm>> -> memref<128xf32, #tpu.memory_space<hbm>>
    %dma_wait3A_108 = arith.constant 0 : i32
    %dma_wait3A_109 = tpu.memref_slice %arg7[%dma_wait3A_101, %dma_wait3A_108] : memref<1x128xf32, #tpu.memory_space<vmem>> -> memref<1x128xf32, #tpu.memory_space<vmem>>
    %dma_wait3A_110 = tpu.memref_squeeze %dma_wait3A_109 : memref<1x128xf32, #tpu.memory_space<vmem>> -> memref<128xf32, #tpu.memory_space<vmem>>
    %dma_wait3A_111 = arith.constant 0 : i32
    %dma_wait3A_112 = tpu.memref_slice %arg3[%dma_wait3A_100, %dma_wait3A_111] : memref<1x128xf32, #tpu.memory_space<hbm>> -> memref<1x128xf32, #tpu.memory_space<hbm>>
    %dma_wait3A_113 = tpu.memref_squeeze %dma_wait3A_112 : memref<1x128xf32, #tpu.memory_space<hbm>> -> memref<128xf32, #tpu.memory_space<hbm>>
    tpu.wait_dma2 semaphore(%arg9 : memref<!tpu.dma_semaphore, #tpu.memory_space<semaphore_mem>>) src(%dma_wait3A_113 : memref<128xf32, #tpu.memory_space<hbm>>) dst(%dma_wait3A_110 : memref<128xf32, #tpu.memory_space<vmem>>)
    %dma_wait3A_114 = arith.constant 0 : i32
    %dma_wait3A_115 = arith.constant 0 : i32
    %dma_wait3A_116 = arith.constant 0 : i32
    %dma_wait3A_117 = tpu.memref_slice %arg7[%dma_wait3A_115, %dma_wait3A_116] : memref<1x128xf32, #tpu.memory_space<vmem>> -> memref<1x128xf32, #tpu.memory_space<vmem>>
    %dma_wait3A_118 = tpu.memref_squeeze %dma_wait3A_117 : memref<1x128xf32, #tpu.memory_space<vmem>> -> memref<128xf32, #tpu.memory_space<vmem>>
    %dma_wait3A_119 = arith.constant 0 : i32
    %dma_wait3A_120 = tpu.memref_slice %arg3[%dma_wait3A_114, %dma_wait3A_119] : memref<1x128xf32, #tpu.memory_space<hbm>> -> memref<1x128xf32, #tpu.memory_space<hbm>>
    %dma_wait3A_121 = tpu.memref_squeeze %dma_wait3A_120 : memref<1x128xf32, #tpu.memory_space<hbm>> -> memref<128xf32, #tpu.memory_space<hbm>>
    %dma_wait3A_122 = arith.constant 0 : i32
    %dma_wait3A_123 = tpu.memref_slice %arg7[%dma_wait3A_115, %dma_wait3A_122] : memref<1x128xf32, #tpu.memory_space<vmem>> -> memref<1x128xf32, #tpu.memory_space<vmem>>
    %dma_wait3A_124 = tpu.memref_squeeze %dma_wait3A_123 : memref<1x128xf32, #tpu.memory_space<vmem>> -> memref<128xf32, #tpu.memory_space<vmem>>
    %dma_wait3A_125 = arith.constant 0 : i32
    %dma_wait3A_126 = tpu.memref_slice %arg3[%dma_wait3A_114, %dma_wait3A_125] : memref<1x128xf32, #tpu.memory_space<hbm>> -> memref<1x128xf32, #tpu.memory_space<hbm>>
    %dma_wait3A_127 = tpu.memref_squeeze %dma_wait3A_126 : memref<1x128xf32, #tpu.memory_space<hbm>> -> memref<128xf32, #tpu.memory_space<hbm>>
    tpu.wait_dma2 semaphore(%arg9 : memref<!tpu.dma_semaphore, #tpu.memory_space<semaphore_mem>>) src(%dma_wait3A_127 : memref<128xf32, #tpu.memory_space<hbm>>) dst(%dma_wait3A_124 : memref<128xf32, #tpu.memory_space<vmem>>)
    %dma_wait3A_128 = arith.constant 0 : i32
    %dma_wait3A_129 = arith.constant 0 : i32
    %dma_wait3A_130 = arith.constant 0 : i32
    %dma_wait3A_131 = tpu.memref_slice %arg7[%dma_wait3A_129, %dma_wait3A_130] : memref<1x128xf32, #tpu.memory_space<vmem>> -> memref<1x128xf32, #tpu.memory_space<vmem>>
    %dma_wait3A_132 = tpu.memref_squeeze %dma_wait3A_131 : memref<1x128xf32, #tpu.memory_space<vmem>> -> memref<128xf32, #tpu.memory_space<vmem>>
    %dma_wait3A_133 = arith.constant 0 : i32
    %dma_wait3A_134 = tpu.memref_slice %arg3[%dma_wait3A_128, %dma_wait3A_133] : memref<1x128xf32, #tpu.memory_space<hbm>> -> memref<1x128xf32, #tpu.memory_space<hbm>>
    %dma_wait3A_135 = tpu.memref_squeeze %dma_wait3A_134 : memref<1x128xf32, #tpu.memory_space<hbm>> -> memref<128xf32, #tpu.memory_space<hbm>>
    %dma_wait3A_136 = arith.constant 0 : i32
    %dma_wait3A_137 = tpu.memref_slice %arg7[%dma_wait3A_129, %dma_wait3A_136] : memref<1x128xf32, #tpu.memory_space<vmem>> -> memref<1x128xf32, #tpu.memory_space<vmem>>
    %dma_wait3A_138 = tpu.memref_squeeze %dma_wait3A_137 : memref<1x128xf32, #tpu.memory_space<vmem>> -> memref<128xf32, #tpu.memory_space<vmem>>
    %dma_wait3A_139 = arith.constant 0 : i32
    %dma_wait3A_140 = tpu.memref_slice %arg3[%dma_wait3A_128, %dma_wait3A_139] : memref<1x128xf32, #tpu.memory_space<hbm>> -> memref<1x128xf32, #tpu.memory_space<hbm>>
    %dma_wait3A_141 = tpu.memref_squeeze %dma_wait3A_140 : memref<1x128xf32, #tpu.memory_space<hbm>> -> memref<128xf32, #tpu.memory_space<hbm>>
    tpu.wait_dma2 semaphore(%arg9 : memref<!tpu.dma_semaphore, #tpu.memory_space<semaphore_mem>>) src(%dma_wait3A_141 : memref<128xf32, #tpu.memory_space<hbm>>) dst(%dma_wait3A_138 : memref<128xf32, #tpu.memory_space<vmem>>)
    %dma_wait3A_142 = arith.constant 0 : i32
    %dma_wait3A_143 = arith.constant 0 : i32
    %dma_wait3A_144 = arith.constant 0 : i32
    %dma_wait3A_145 = tpu.memref_slice %arg7[%dma_wait3A_143, %dma_wait3A_144] : memref<1x128xf32, #tpu.memory_space<vmem>> -> memref<1x128xf32, #tpu.memory_space<vmem>>
    %dma_wait3A_146 = tpu.memref_squeeze %dma_wait3A_145 : memref<1x128xf32, #tpu.memory_space<vmem>> -> memref<128xf32, #tpu.memory_space<vmem>>
    %dma_wait3A_147 = arith.constant 0 : i32
    %dma_wait3A_148 = tpu.memref_slice %arg3[%dma_wait3A_142, %dma_wait3A_147] : memref<1x128xf32, #tpu.memory_space<hbm>> -> memref<1x128xf32, #tpu.memory_space<hbm>>
    %dma_wait3A_149 = tpu.memref_squeeze %dma_wait3A_148 : memref<1x128xf32, #tpu.memory_space<hbm>> -> memref<128xf32, #tpu.memory_space<hbm>>
    %dma_wait3A_150 = arith.constant 0 : i32
    %dma_wait3A_151 = tpu.memref_slice %arg7[%dma_wait3A_143, %dma_wait3A_150] : memref<1x128xf32, #tpu.memory_space<vmem>> -> memref<1x128xf32, #tpu.memory_space<vmem>>
    %dma_wait3A_152 = tpu.memref_squeeze %dma_wait3A_151 : memref<1x128xf32, #tpu.memory_space<vmem>> -> memref<128xf32, #tpu.memory_space<vmem>>
    %dma_wait3A_153 = arith.constant 0 : i32
    %dma_wait3A_154 = tpu.memref_slice %arg3[%dma_wait3A_142, %dma_wait3A_153] : memref<1x128xf32, #tpu.memory_space<hbm>> -> memref<1x128xf32, #tpu.memory_space<hbm>>
    %dma_wait3A_155 = tpu.memref_squeeze %dma_wait3A_154 : memref<1x128xf32, #tpu.memory_space<hbm>> -> memref<128xf32, #tpu.memory_space<hbm>>
    tpu.wait_dma2 semaphore(%arg9 : memref<!tpu.dma_semaphore, #tpu.memory_space<semaphore_mem>>) src(%dma_wait3A_155 : memref<128xf32, #tpu.memory_space<hbm>>) dst(%dma_wait3A_152 : memref<128xf32, #tpu.memory_space<vmem>>)
    %dma_wait3A_156 = arith.constant 0 : i32
    %dma_wait3A_157 = arith.constant 0 : i32
    %dma_wait3A_158 = arith.constant 0 : i32
    %dma_wait3A_159 = tpu.memref_slice %arg7[%dma_wait3A_157, %dma_wait3A_158] : memref<1x128xf32, #tpu.memory_space<vmem>> -> memref<1x128xf32, #tpu.memory_space<vmem>>
    %dma_wait3A_160 = tpu.memref_squeeze %dma_wait3A_159 : memref<1x128xf32, #tpu.memory_space<vmem>> -> memref<128xf32, #tpu.memory_space<vmem>>
    %dma_wait3A_161 = arith.constant 0 : i32
    %dma_wait3A_162 = tpu.memref_slice %arg3[%dma_wait3A_156, %dma_wait3A_161] : memref<1x128xf32, #tpu.memory_space<hbm>> -> memref<1x128xf32, #tpu.memory_space<hbm>>
    %dma_wait3A_163 = tpu.memref_squeeze %dma_wait3A_162 : memref<1x128xf32, #tpu.memory_space<hbm>> -> memref<128xf32, #tpu.memory_space<hbm>>
    %dma_wait3A_164 = arith.constant 0 : i32
    %dma_wait3A_165 = tpu.memref_slice %arg7[%dma_wait3A_157, %dma_wait3A_164] : memref<1x128xf32, #tpu.memory_space<vmem>> -> memref<1x128xf32, #tpu.memory_space<vmem>>
    %dma_wait3A_166 = tpu.memref_squeeze %dma_wait3A_165 : memref<1x128xf32, #tpu.memory_space<vmem>> -> memref<128xf32, #tpu.memory_space<vmem>>
    %dma_wait3A_167 = arith.constant 0 : i32
    %dma_wait3A_168 = tpu.memref_slice %arg3[%dma_wait3A_156, %dma_wait3A_167] : memref<1x128xf32, #tpu.memory_space<hbm>> -> memref<1x128xf32, #tpu.memory_space<hbm>>
    %dma_wait3A_169 = tpu.memref_squeeze %dma_wait3A_168 : memref<1x128xf32, #tpu.memory_space<hbm>> -> memref<128xf32, #tpu.memory_space<hbm>>
    tpu.wait_dma2 semaphore(%arg9 : memref<!tpu.dma_semaphore, #tpu.memory_space<semaphore_mem>>) src(%dma_wait3A_169 : memref<128xf32, #tpu.memory_space<hbm>>) dst(%dma_wait3A_166 : memref<128xf32, #tpu.memory_space<vmem>>)
    %dma_wait3A_170 = arith.constant 0 : i32
    %dma_wait3A_171 = arith.constant 0 : i32
    %dma_wait3A_172 = arith.constant 0 : i32
    %dma_wait3A_173 = tpu.memref_slice %arg7[%dma_wait3A_171, %dma_wait3A_172] : memref<1x128xf32, #tpu.memory_space<vmem>> -> memref<1x128xf32, #tpu.memory_space<vmem>>
    %dma_wait3A_174 = tpu.memref_squeeze %dma_wait3A_173 : memref<1x128xf32, #tpu.memory_space<vmem>> -> memref<128xf32, #tpu.memory_space<vmem>>
    %dma_wait3A_175 = arith.constant 0 : i32
    %dma_wait3A_176 = tpu.memref_slice %arg3[%dma_wait3A_170, %dma_wait3A_175] : memref<1x128xf32, #tpu.memory_space<hbm>> -> memref<1x128xf32, #tpu.memory_space<hbm>>
    %dma_wait3A_177 = tpu.memref_squeeze %dma_wait3A_176 : memref<1x128xf32, #tpu.memory_space<hbm>> -> memref<128xf32, #tpu.memory_space<hbm>>
    %dma_wait3A_178 = arith.constant 0 : i32
    %dma_wait3A_179 = tpu.memref_slice %arg7[%dma_wait3A_171, %dma_wait3A_178] : memref<1x128xf32, #tpu.memory_space<vmem>> -> memref<1x128xf32, #tpu.memory_space<vmem>>
    %dma_wait3A_180 = tpu.memref_squeeze %dma_wait3A_179 : memref<1x128xf32, #tpu.memory_space<vmem>> -> memref<128xf32, #tpu.memory_space<vmem>>
    %dma_wait3A_181 = arith.constant 0 : i32
    %dma_wait3A_182 = tpu.memref_slice %arg3[%dma_wait3A_170, %dma_wait3A_181] : memref<1x128xf32, #tpu.memory_space<hbm>> -> memref<1x128xf32, #tpu.memory_space<hbm>>
    %dma_wait3A_183 = tpu.memref_squeeze %dma_wait3A_182 : memref<1x128xf32, #tpu.memory_space<hbm>> -> memref<128xf32, #tpu.memory_space<hbm>>
    tpu.wait_dma2 semaphore(%arg9 : memref<!tpu.dma_semaphore, #tpu.memory_space<semaphore_mem>>) src(%dma_wait3A_183 : memref<128xf32, #tpu.memory_space<hbm>>) dst(%dma_wait3A_180 : memref<128xf32, #tpu.memory_space<vmem>>)
    %dma_wait3A_184 = arith.constant 0 : i32
    %dma_wait3A_185 = arith.constant 0 : i32
    %dma_wait3A_186 = arith.constant 0 : i32
    %dma_wait3A_187 = tpu.memref_slice %arg7[%dma_wait3A_185, %dma_wait3A_186] : memref<1x128xf32, #tpu.memory_space<vmem>> -> memref<1x128xf32, #tpu.memory_space<vmem>>
    %dma_wait3A_188 = tpu.memref_squeeze %dma_wait3A_187 : memref<1x128xf32, #tpu.memory_space<vmem>> -> memref<128xf32, #tpu.memory_space<vmem>>
    %dma_wait3A_189 = arith.constant 0 : i32
    %dma_wait3A_190 = tpu.memref_slice %arg3[%dma_wait3A_184, %dma_wait3A_189] : memref<1x128xf32, #tpu.memory_space<hbm>> -> memref<1x128xf32, #tpu.memory_space<hbm>>
    %dma_wait3A_191 = tpu.memref_squeeze %dma_wait3A_190 : memref<1x128xf32, #tpu.memory_space<hbm>> -> memref<128xf32, #tpu.memory_space<hbm>>
    %dma_wait3A_192 = arith.constant 0 : i32
    %dma_wait3A_193 = tpu.memref_slice %arg7[%dma_wait3A_185, %dma_wait3A_192] : memref<1x128xf32, #tpu.memory_space<vmem>> -> memref<1x128xf32, #tpu.memory_space<vmem>>
    %dma_wait3A_194 = tpu.memref_squeeze %dma_wait3A_193 : memref<1x128xf32, #tpu.memory_space<vmem>> -> memref<128xf32, #tpu.memory_space<vmem>>
    %dma_wait3A_195 = arith.constant 0 : i32
    %dma_wait3A_196 = tpu.memref_slice %arg3[%dma_wait3A_184, %dma_wait3A_195] : memref<1x128xf32, #tpu.memory_space<hbm>> -> memref<1x128xf32, #tpu.memory_space<hbm>>
    %dma_wait3A_197 = tpu.memref_squeeze %dma_wait3A_196 : memref<1x128xf32, #tpu.memory_space<hbm>> -> memref<128xf32, #tpu.memory_space<hbm>>
    tpu.wait_dma2 semaphore(%arg9 : memref<!tpu.dma_semaphore, #tpu.memory_space<semaphore_mem>>) src(%dma_wait3A_197 : memref<128xf32, #tpu.memory_space<hbm>>) dst(%dma_wait3A_194 : memref<128xf32, #tpu.memory_space<vmem>>)
    %barrier3A_198 = arith.constant 0 : index
    tpu.barrier barrier_id(%barrier3A_198)
    %mul3A_199 = arith.constant 640 : i32
    %mul3A_200 = arith.muli %arg1, %mul3A_199 : i32
    %mul3A_201 = arith.constant 640 : i32
    %mul3A_202 = arith.muli %arg1, %mul3A_201 : i32
    "tpu.region"() ({
      %run_scoped3A = tpu.sem_alloc : memref<!tpu.dma_semaphore, #tpu.memory_space<semaphore_mem>>
      %dma_start3A_203 = tpu.memref_slice %arg5[%arg0, %mul3A_202] : memref<2x10240xf32, #tpu.memory_space<hbm>> -> memref<1x640xf32, #tpu.memory_space<hbm>>
      %dma_start3A_204 = tpu.memref_squeeze %dma_start3A_203 : memref<1x640xf32, #tpu.memory_space<hbm>> -> memref<640xf32, #tpu.memory_space<hbm>>
      %dma_start3A_205 = tpu.memref_slice %arg8[%mul3A_200] : memref<10240xf32, #tpu.memory_space<vmem_shared>> -> memref<640xf32, #tpu.memory_space<vmem_shared>>
      tpu.enqueue_dma source(%dma_start3A_205 : memref<640xf32, #tpu.memory_space<vmem_shared>>) target(%dma_start3A_204 : memref<640xf32, #tpu.memory_space<hbm>>) target_semaphore(%run_scoped3A : memref<!tpu.dma_semaphore, #tpu.memory_space<semaphore_mem>>)
      %dma_wait3A_206 = tpu.memref_slice %arg5[%arg0, %mul3A_202] : memref<2x10240xf32, #tpu.memory_space<hbm>> -> memref<1x640xf32, #tpu.memory_space<hbm>>
      %dma_wait3A_207 = tpu.memref_squeeze %dma_wait3A_206 : memref<1x640xf32, #tpu.memory_space<hbm>> -> memref<640xf32, #tpu.memory_space<hbm>>
      %dma_wait3A_208 = tpu.memref_slice %arg8[%mul3A_200] : memref<10240xf32, #tpu.memory_space<vmem_shared>> -> memref<640xf32, #tpu.memory_space<vmem_shared>>
      tpu.wait_dma2 semaphore(%run_scoped3A : memref<!tpu.dma_semaphore, #tpu.memory_space<semaphore_mem>>) src(%dma_wait3A_208 : memref<640xf32, #tpu.memory_space<vmem_shared>>) dst(%dma_wait3A_207 : memref<640xf32, #tpu.memory_space<hbm>>)
      tpu.yield
    }) : () -> ()
    return
  }
}

#map = affine_map<(d0, d1) -> (0, 0, 0)>
#map1 = affine_map<(d0, d1) -> (0, 0)>
module attributes {stable_mosaic.version = 14 : i64} {
  func.func @_sc_agg(%arg0: i32, %arg1: i32, %arg2: memref<32x80x128xi32, #tpu.memory_space<hbm>>, %arg3: memref<32x80x128xi32, #tpu.memory_space<hbm>>, %arg4: memref<10240x128xf32, #tpu.memory_space<hbm>>, %arg5: memref<640x128xf32, #tpu.memory_space<hbm>>, %arg6: memref<2x10240x128xf32, #tpu.memory_space<hbm>>, %arg7: memref<2x128xi32, #tpu.memory_space<vmem>>, %arg8: memref<80x128xi32, #tpu.memory_space<vmem>>, %arg9: memref<128x128xf32, #tpu.memory_space<vmem>>, %arg10: memref<128x128xf32, #tpu.memory_space<vmem>>, %arg11: memref<!tpu.dma_semaphore, #tpu.memory_space<semaphore_mem>>, %arg12: memref<!tpu.dma_semaphore, #tpu.memory_space<semaphore_mem>>, %arg13: memref<!tpu.dma_semaphore, #tpu.memory_space<semaphore_mem>>, %arg14: memref<!tpu.dma_semaphore, #tpu.memory_space<semaphore_mem>>, %arg15: memref<10240x128xf32, #tpu.memory_space<vmem_shared>>) attributes {dimension_semantics = [#tpu.dimension_semantics<core_parallel>, #tpu.dimension_semantics<subcore_parallel>], iteration_bounds = array<i64: 2, 16>, scalar_prefetch = 0 : i64, scratch_operands = 9 : i64, tpu.core_type = #tpu.core_type<sc_vector_subcore>, window_params = [{transform_indices = #map}, {transform_indices = #map}, {transform_indices = #map1}, {transform_indices = #map1}, {transform_indices = #map}]} {
    %mul3A = arith.constant 2 : i32
    %mul3A_0 = arith.muli %arg1, %mul3A : i32
    %add3A = arith.addi %mul3A_0, %arg0 : i32
    "tpu.region"() ({
      %run_scoped3A_40 = tpu.sem_alloc : memref<!tpu.dma_semaphore, #tpu.memory_space<semaphore_mem>>
      %dma_start3A_41 = arith.constant 0 : i32
      %dma_start3A_42 = arith.constant 0 : i32
      %dma_start3A_43 = tpu.memref_slice %arg3[%add3A, %dma_start3A_41, %dma_start3A_42] : memref<32x80x128xi32, #tpu.memory_space<hbm>> -> memref<1x80x128xi32, #tpu.memory_space<hbm>>
      %dma_start3A_44 = tpu.memref_squeeze %dma_start3A_43 : memref<1x80x128xi32, #tpu.memory_space<hbm>> -> memref<80x128xi32, #tpu.memory_space<hbm>>
      %dma_start3A_45 = arith.constant 0 : i32
      %dma_start3A_46 = arith.constant 0 : i32
      %dma_start3A_47 = tpu.memref_slice %arg3[%add3A, %dma_start3A_45, %dma_start3A_46] : memref<32x80x128xi32, #tpu.memory_space<hbm>> -> memref<1x80x128xi32, #tpu.memory_space<hbm>>
      %dma_start3A_48 = tpu.memref_squeeze %dma_start3A_47 : memref<1x80x128xi32, #tpu.memory_space<hbm>> -> memref<80x128xi32, #tpu.memory_space<hbm>>
      tpu.enqueue_dma source(%dma_start3A_48 : memref<80x128xi32, #tpu.memory_space<hbm>>) target(%arg8 : memref<80x128xi32, #tpu.memory_space<vmem>>) target_semaphore(%run_scoped3A_40 : memref<!tpu.dma_semaphore, #tpu.memory_space<semaphore_mem>>)
      %dma_wait3A_49 = arith.constant 0 : i32
      %dma_wait3A_50 = arith.constant 0 : i32
      %dma_wait3A_51 = tpu.memref_slice %arg3[%add3A, %dma_wait3A_49, %dma_wait3A_50] : memref<32x80x128xi32, #tpu.memory_space<hbm>> -> memref<1x80x128xi32, #tpu.memory_space<hbm>>
      %dma_wait3A_52 = tpu.memref_squeeze %dma_wait3A_51 : memref<1x80x128xi32, #tpu.memory_space<hbm>> -> memref<80x128xi32, #tpu.memory_space<hbm>>
      %dma_wait3A_53 = arith.constant 0 : i32
      %dma_wait3A_54 = arith.constant 0 : i32
      %dma_wait3A_55 = tpu.memref_slice %arg3[%add3A, %dma_wait3A_53, %dma_wait3A_54] : memref<32x80x128xi32, #tpu.memory_space<hbm>> -> memref<1x80x128xi32, #tpu.memory_space<hbm>>
      %dma_wait3A_56 = tpu.memref_squeeze %dma_wait3A_55 : memref<1x80x128xi32, #tpu.memory_space<hbm>> -> memref<80x128xi32, #tpu.memory_space<hbm>>
      tpu.wait_dma2 semaphore(%run_scoped3A_40 : memref<!tpu.dma_semaphore, #tpu.memory_space<semaphore_mem>>) src(%dma_wait3A_56 : memref<80x128xi32, #tpu.memory_space<hbm>>) dst(%arg8 : memref<80x128xi32, #tpu.memory_space<vmem>>)
      tpu.yield
    }) : () -> ()
    %mul3A_1 = arith.constant 640 : i32
    %mul3A_2 = arith.muli %arg1, %mul3A_1 : i32
    "tpu.region"() ({
      %run_scoped3A_40 = tpu.sem_alloc : memref<!tpu.dma_semaphore, #tpu.memory_space<semaphore_mem>>
      %dma_start3A_41 = arith.constant 0 : i32
      %dma_start3A_42 = tpu.memref_slice %arg15[%mul3A_2, %dma_start3A_41] : memref<10240x128xf32, #tpu.memory_space<vmem_shared>> -> memref<640x128xf32, #tpu.memory_space<vmem_shared>>
      tpu.enqueue_dma source(%arg5 : memref<640x128xf32, #tpu.memory_space<hbm>>) target(%dma_start3A_42 : memref<640x128xf32, #tpu.memory_space<vmem_shared>>) target_semaphore(%run_scoped3A_40 : memref<!tpu.dma_semaphore, #tpu.memory_space<semaphore_mem>>)
      %dma_wait3A_43 = arith.constant 0 : i32
      %dma_wait3A_44 = tpu.memref_slice %arg15[%mul3A_2, %dma_wait3A_43] : memref<10240x128xf32, #tpu.memory_space<vmem_shared>> -> memref<640x128xf32, #tpu.memory_space<vmem_shared>>
      tpu.wait_dma2 semaphore(%run_scoped3A_40 : memref<!tpu.dma_semaphore, #tpu.memory_space<semaphore_mem>>) src(%arg5 : memref<640x128xf32, #tpu.memory_space<hbm>>) dst(%dma_wait3A_44 : memref<640x128xf32, #tpu.memory_space<vmem_shared>>)
      tpu.yield
    }) : () -> ()
    %barrier3A = arith.constant 0 : index
    tpu.barrier barrier_id(%barrier3A)
    %run_scoped3A = arith.constant 0 : i32
    %run_scoped3A_3 = arith.constant 0 : i32
    "tpu.region"() ({
      %run_scoped3A_40 = tpu.sem_alloc : memref<!tpu.dma_semaphore, #tpu.memory_space<semaphore_mem>>
      %dma_start3A_41 = arith.constant 0 : i32
      %dma_start3A_42 = tpu.memref_slice %arg7[%run_scoped3A_3, %dma_start3A_41] : memref<2x128xi32, #tpu.memory_space<vmem>> -> memref<1x128xi32, #tpu.memory_space<vmem>>
      %dma_start3A_43 = tpu.memref_squeeze %dma_start3A_42 : memref<1x128xi32, #tpu.memory_space<vmem>> -> memref<128xi32, #tpu.memory_space<vmem>>
      %dma_start3A_44 = arith.constant 0 : i32
      %dma_start3A_45 = tpu.memref_slice %arg2[%add3A, %run_scoped3A, %dma_start3A_44] : memref<32x80x128xi32, #tpu.memory_space<hbm>> -> memref<1x1x128xi32, #tpu.memory_space<hbm>>
      %dma_start3A_46 = tpu.memref_squeeze %dma_start3A_45 : memref<1x1x128xi32, #tpu.memory_space<hbm>> -> memref<128xi32, #tpu.memory_space<hbm>>
      %dma_start3A_47 = arith.constant 0 : i32
      %dma_start3A_48 = tpu.memref_slice %arg7[%run_scoped3A_3, %dma_start3A_47] : memref<2x128xi32, #tpu.memory_space<vmem>> -> memref<1x128xi32, #tpu.memory_space<vmem>>
      %dma_start3A_49 = tpu.memref_squeeze %dma_start3A_48 : memref<1x128xi32, #tpu.memory_space<vmem>> -> memref<128xi32, #tpu.memory_space<vmem>>
      %dma_start3A_50 = arith.constant 0 : i32
      %dma_start3A_51 = tpu.memref_slice %arg2[%add3A, %run_scoped3A, %dma_start3A_50] : memref<32x80x128xi32, #tpu.memory_space<hbm>> -> memref<1x1x128xi32, #tpu.memory_space<hbm>>
      %dma_start3A_52 = tpu.memref_squeeze %dma_start3A_51 : memref<1x1x128xi32, #tpu.memory_space<hbm>> -> memref<128xi32, #tpu.memory_space<hbm>>
      tpu.enqueue_dma source(%dma_start3A_52 : memref<128xi32, #tpu.memory_space<hbm>>) target(%dma_start3A_49 : memref<128xi32, #tpu.memory_space<vmem>>) target_semaphore(%run_scoped3A_40 : memref<!tpu.dma_semaphore, #tpu.memory_space<semaphore_mem>>)
      %dma_wait3A_53 = arith.constant 0 : i32
      %dma_wait3A_54 = tpu.memref_slice %arg7[%run_scoped3A_3, %dma_wait3A_53] : memref<2x128xi32, #tpu.memory_space<vmem>> -> memref<1x128xi32, #tpu.memory_space<vmem>>
      %dma_wait3A_55 = tpu.memref_squeeze %dma_wait3A_54 : memref<1x128xi32, #tpu.memory_space<vmem>> -> memref<128xi32, #tpu.memory_space<vmem>>
      %dma_wait3A_56 = arith.constant 0 : i32
      %dma_wait3A_57 = tpu.memref_slice %arg2[%add3A, %run_scoped3A, %dma_wait3A_56] : memref<32x80x128xi32, #tpu.memory_space<hbm>> -> memref<1x1x128xi32, #tpu.memory_space<hbm>>
      %dma_wait3A_58 = tpu.memref_squeeze %dma_wait3A_57 : memref<1x1x128xi32, #tpu.memory_space<hbm>> -> memref<128xi32, #tpu.memory_space<hbm>>
      %dma_wait3A_59 = arith.constant 0 : i32
      %dma_wait3A_60 = tpu.memref_slice %arg7[%run_scoped3A_3, %dma_wait3A_59] : memref<2x128xi32, #tpu.memory_space<vmem>> -> memref<1x128xi32, #tpu.memory_space<vmem>>
      %dma_wait3A_61 = tpu.memref_squeeze %dma_wait3A_60 : memref<1x128xi32, #tpu.memory_space<vmem>> -> memref<128xi32, #tpu.memory_space<vmem>>
      %dma_wait3A_62 = arith.constant 0 : i32
      %dma_wait3A_63 = tpu.memref_slice %arg2[%add3A, %run_scoped3A, %dma_wait3A_62] : memref<32x80x128xi32, #tpu.memory_space<hbm>> -> memref<1x1x128xi32, #tpu.memory_space<hbm>>
      %dma_wait3A_64 = tpu.memref_squeeze %dma_wait3A_63 : memref<1x1x128xi32, #tpu.memory_space<hbm>> -> memref<128xi32, #tpu.memory_space<hbm>>
      tpu.wait_dma2 semaphore(%run_scoped3A_40 : memref<!tpu.dma_semaphore, #tpu.memory_space<semaphore_mem>>) src(%dma_wait3A_64 : memref<128xi32, #tpu.memory_space<hbm>>) dst(%dma_wait3A_61 : memref<128xi32, #tpu.memory_space<vmem>>)
      tpu.yield
    }) : () -> ()
    %dma_start3A = arith.constant 0 : i32
    %dma_start3A_4 = arith.constant 0 : i32
    %dma_start3A_5 = tpu.memref_slice %arg7[%dma_start3A, %dma_start3A_4] : memref<2x128xi32, #tpu.memory_space<vmem>> -> memref<1x128xi32, #tpu.memory_space<vmem>>
    %dma_start3A_6 = tpu.memref_squeeze %dma_start3A_5 : memref<1x128xi32, #tpu.memory_space<vmem>> -> memref<128xi32, #tpu.memory_space<vmem>>
    %dma_start3A_7 = arith.constant 0 : i32
    %dma_start3A_8 = arith.constant 0 : i32
    %dma_start3A_9 = tpu.memref_slice %arg4[%dma_start3A_7, %dma_start3A_8] : memref<10240x128xf32, #tpu.memory_space<hbm>> -> memref<10240x128xf32, #tpu.memory_space<hbm>>
    tpu.enqueue_indirect_dma source(%dma_start3A_9 : memref<10240x128xf32, #tpu.memory_space<hbm>>) target(%arg9 : memref<128x128xf32, #tpu.memory_space<vmem>>) offsets(%dma_start3A_6 : memref<128xi32, #tpu.memory_space<vmem>>) semaphore(%arg12 : memref<!tpu.dma_semaphore, #tpu.memory_space<semaphore_mem>>)
    %run_scoped3A_10 = arith.constant 1 : i32
    %run_scoped3A_11 = arith.constant 1 : i32
    "tpu.region"() ({
      %run_scoped3A_40 = tpu.sem_alloc : memref<!tpu.dma_semaphore, #tpu.memory_space<semaphore_mem>>
      %dma_start3A_41 = arith.constant 0 : i32
      %dma_start3A_42 = tpu.memref_slice %arg7[%run_scoped3A_11, %dma_start3A_41] : memref<2x128xi32, #tpu.memory_space<vmem>> -> memref<1x128xi32, #tpu.memory_space<vmem>>
      %dma_start3A_43 = tpu.memref_squeeze %dma_start3A_42 : memref<1x128xi32, #tpu.memory_space<vmem>> -> memref<128xi32, #tpu.memory_space<vmem>>
      %dma_start3A_44 = arith.constant 0 : i32
      %dma_start3A_45 = tpu.memref_slice %arg2[%add3A, %run_scoped3A_10, %dma_start3A_44] : memref<32x80x128xi32, #tpu.memory_space<hbm>> -> memref<1x1x128xi32, #tpu.memory_space<hbm>>
      %dma_start3A_46 = tpu.memref_squeeze %dma_start3A_45 : memref<1x1x128xi32, #tpu.memory_space<hbm>> -> memref<128xi32, #tpu.memory_space<hbm>>
      %dma_start3A_47 = arith.constant 0 : i32
      %dma_start3A_48 = tpu.memref_slice %arg7[%run_scoped3A_11, %dma_start3A_47] : memref<2x128xi32, #tpu.memory_space<vmem>> -> memref<1x128xi32, #tpu.memory_space<vmem>>
      %dma_start3A_49 = tpu.memref_squeeze %dma_start3A_48 : memref<1x128xi32, #tpu.memory_space<vmem>> -> memref<128xi32, #tpu.memory_space<vmem>>
      %dma_start3A_50 = arith.constant 0 : i32
      %dma_start3A_51 = tpu.memref_slice %arg2[%add3A, %run_scoped3A_10, %dma_start3A_50] : memref<32x80x128xi32, #tpu.memory_space<hbm>> -> memref<1x1x128xi32, #tpu.memory_space<hbm>>
      %dma_start3A_52 = tpu.memref_squeeze %dma_start3A_51 : memref<1x1x128xi32, #tpu.memory_space<hbm>> -> memref<128xi32, #tpu.memory_space<hbm>>
      tpu.enqueue_dma source(%dma_start3A_52 : memref<128xi32, #tpu.memory_space<hbm>>) target(%dma_start3A_49 : memref<128xi32, #tpu.memory_space<vmem>>) target_semaphore(%run_scoped3A_40 : memref<!tpu.dma_semaphore, #tpu.memory_space<semaphore_mem>>)
      %dma_wait3A_53 = arith.constant 0 : i32
      %dma_wait3A_54 = tpu.memref_slice %arg7[%run_scoped3A_11, %dma_wait3A_53] : memref<2x128xi32, #tpu.memory_space<vmem>> -> memref<1x128xi32, #tpu.memory_space<vmem>>
      %dma_wait3A_55 = tpu.memref_squeeze %dma_wait3A_54 : memref<1x128xi32, #tpu.memory_space<vmem>> -> memref<128xi32, #tpu.memory_space<vmem>>
      %dma_wait3A_56 = arith.constant 0 : i32
      %dma_wait3A_57 = tpu.memref_slice %arg2[%add3A, %run_scoped3A_10, %dma_wait3A_56] : memref<32x80x128xi32, #tpu.memory_space<hbm>> -> memref<1x1x128xi32, #tpu.memory_space<hbm>>
      %dma_wait3A_58 = tpu.memref_squeeze %dma_wait3A_57 : memref<1x1x128xi32, #tpu.memory_space<hbm>> -> memref<128xi32, #tpu.memory_space<hbm>>
      %dma_wait3A_59 = arith.constant 0 : i32
      %dma_wait3A_60 = tpu.memref_slice %arg7[%run_scoped3A_11, %dma_wait3A_59] : memref<2x128xi32, #tpu.memory_space<vmem>> -> memref<1x128xi32, #tpu.memory_space<vmem>>
      %dma_wait3A_61 = tpu.memref_squeeze %dma_wait3A_60 : memref<1x128xi32, #tpu.memory_space<vmem>> -> memref<128xi32, #tpu.memory_space<vmem>>
      %dma_wait3A_62 = arith.constant 0 : i32
      %dma_wait3A_63 = tpu.memref_slice %arg2[%add3A, %run_scoped3A_10, %dma_wait3A_62] : memref<32x80x128xi32, #tpu.memory_space<hbm>> -> memref<1x1x128xi32, #tpu.memory_space<hbm>>
      %dma_wait3A_64 = tpu.memref_squeeze %dma_wait3A_63 : memref<1x1x128xi32, #tpu.memory_space<hbm>> -> memref<128xi32, #tpu.memory_space<hbm>>
      tpu.wait_dma2 semaphore(%run_scoped3A_40 : memref<!tpu.dma_semaphore, #tpu.memory_space<semaphore_mem>>) src(%dma_wait3A_64 : memref<128xi32, #tpu.memory_space<hbm>>) dst(%dma_wait3A_61 : memref<128xi32, #tpu.memory_space<vmem>>)
      tpu.yield
    }) : () -> ()
    %dma_start3A_12 = arith.constant 1 : i32
    %dma_start3A_13 = arith.constant 0 : i32
    %dma_start3A_14 = tpu.memref_slice %arg7[%dma_start3A_12, %dma_start3A_13] : memref<2x128xi32, #tpu.memory_space<vmem>> -> memref<1x128xi32, #tpu.memory_space<vmem>>
    %dma_start3A_15 = tpu.memref_squeeze %dma_start3A_14 : memref<1x128xi32, #tpu.memory_space<vmem>> -> memref<128xi32, #tpu.memory_space<vmem>>
    %dma_start3A_16 = arith.constant 0 : i32
    %dma_start3A_17 = arith.constant 0 : i32
    %dma_start3A_18 = tpu.memref_slice %arg4[%dma_start3A_16, %dma_start3A_17] : memref<10240x128xf32, #tpu.memory_space<hbm>> -> memref<10240x128xf32, #tpu.memory_space<hbm>>
    tpu.enqueue_indirect_dma source(%dma_start3A_18 : memref<10240x128xf32, #tpu.memory_space<hbm>>) target(%arg10 : memref<128x128xf32, #tpu.memory_space<vmem>>) offsets(%dma_start3A_15 : memref<128xi32, #tpu.memory_space<vmem>>) semaphore(%arg13 : memref<!tpu.dma_semaphore, #tpu.memory_space<semaphore_mem>>)
    %scan3A = arith.constant 0 : i32
    %scan3A_19 = arith.constant 0 : i32
    %scan3A_20 = arith.constant 40 : i32
    %scan3A_21 = arith.addi %scan3A_19, %scan3A_20 : i32
    %scan3A_22 = arith.constant 1 : i32
    scf.for %scan3A_40 = %scan3A_19 to %scan3A_21 step %scan3A_22  : i32 {
      %mul3A_41 = arith.constant 2 : i32
      %mul3A_42 = arith.muli %mul3A_41, %scan3A_40 : i32
      %add3A_43 = arith.constant 2 : i32
      %add3A_44 = arith.addi %mul3A_42, %add3A_43 : i32
      %rem3A = arith.constant 80 : i32
      %rem3A_45 = arith.remsi %add3A_44, %rem3A : i32
      %dma_wait3A_46 = arith.constant 0 : i32
      %dma_wait3A_47 = arith.constant 0 : i32
      %dma_wait3A_48 = tpu.memref_slice %arg4[%dma_wait3A_46, %dma_wait3A_47] : memref<10240x128xf32, #tpu.memory_space<hbm>> -> memref<128x128xf32, #tpu.memory_space<hbm>>
      %dma_wait3A_49 = arith.constant 0 : i32
      %dma_wait3A_50 = arith.constant 0 : i32
      %dma_wait3A_51 = tpu.memref_slice %arg4[%dma_wait3A_49, %dma_wait3A_50] : memref<10240x128xf32, #tpu.memory_space<hbm>> -> memref<128x128xf32, #tpu.memory_space<hbm>>
      tpu.wait_dma2 semaphore(%arg12 : memref<!tpu.dma_semaphore, #tpu.memory_space<semaphore_mem>>) src(%dma_wait3A_51 : memref<128x128xf32, #tpu.memory_space<hbm>>) dst(%arg9 : memref<128x128xf32, #tpu.memory_space<vmem>>)
      %dma_start3A_52 = arith.constant 0 : i32
      %dma_start3A_53 = arith.constant 0 : i32
      %dma_start3A_54 = tpu.memref_slice %arg7[%dma_start3A_52, %dma_start3A_53] : memref<2x128xi32, #tpu.memory_space<vmem>> -> memref<1x128xi32, #tpu.memory_space<vmem>>
      %dma_start3A_55 = tpu.memref_squeeze %dma_start3A_54 : memref<1x128xi32, #tpu.memory_space<vmem>> -> memref<128xi32, #tpu.memory_space<vmem>>
      %dma_start3A_56 = arith.constant 0 : i32
      %dma_start3A_57 = tpu.memref_slice %arg2[%add3A, %rem3A_45, %dma_start3A_56] : memref<32x80x128xi32, #tpu.memory_space<hbm>> -> memref<1x1x128xi32, #tpu.memory_space<hbm>>
      %dma_start3A_58 = tpu.memref_squeeze %dma_start3A_57 : memref<1x1x128xi32, #tpu.memory_space<hbm>> -> memref<128xi32, #tpu.memory_space<hbm>>
      %dma_start3A_59 = arith.constant 0 : i32
      %dma_start3A_60 = tpu.memref_slice %arg7[%dma_start3A_52, %dma_start3A_59] : memref<2x128xi32, #tpu.memory_space<vmem>> -> memref<1x128xi32, #tpu.memory_space<vmem>>
      %dma_start3A_61 = tpu.memref_squeeze %dma_start3A_60 : memref<1x128xi32, #tpu.memory_space<vmem>> -> memref<128xi32, #tpu.memory_space<vmem>>
      %dma_start3A_62 = arith.constant 0 : i32
      %dma_start3A_63 = tpu.memref_slice %arg2[%add3A, %rem3A_45, %dma_start3A_62] : memref<32x80x128xi32, #tpu.memory_space<hbm>> -> memref<1x1x128xi32, #tpu.memory_space<hbm>>
      %dma_start3A_64 = tpu.memref_squeeze %dma_start3A_63 : memref<1x1x128xi32, #tpu.memory_space<hbm>> -> memref<128xi32, #tpu.memory_space<hbm>>
      tpu.enqueue_dma source(%dma_start3A_64 : memref<128xi32, #tpu.memory_space<hbm>>) target(%dma_start3A_61 : memref<128xi32, #tpu.memory_space<vmem>>) target_semaphore(%arg11 : memref<!tpu.dma_semaphore, #tpu.memory_space<semaphore_mem>>)
      %dma_start3A_65 = arith.constant 0 : i32
      %dma_start3A_66 = tpu.memref_slice %arg8[%mul3A_42, %dma_start3A_65] : memref<80x128xi32, #tpu.memory_space<vmem>> -> memref<1x128xi32, #tpu.memory_space<vmem>>
      %dma_start3A_67 = tpu.memref_squeeze %dma_start3A_66 : memref<1x128xi32, #tpu.memory_space<vmem>> -> memref<128xi32, #tpu.memory_space<vmem>>
      %dma_start3A_68 = arith.constant 0 : i32
      %dma_start3A_69 = arith.constant 0 : i32
      %dma_start3A_70 = tpu.memref_slice %arg15[%dma_start3A_68, %dma_start3A_69] : memref<10240x128xf32, #tpu.memory_space<vmem_shared>> -> memref<10240x128xf32, #tpu.memory_space<vmem_shared>>
      tpu.enqueue_indirect_dma source(%arg9 : memref<128x128xf32, #tpu.memory_space<vmem>>) target(%dma_start3A_70 : memref<10240x128xf32, #tpu.memory_space<vmem_shared>>) offsets(%dma_start3A_67 : memref<128xi32, #tpu.memory_space<vmem>>) semaphore(%arg14 : memref<!tpu.dma_semaphore, #tpu.memory_space<semaphore_mem>>) {add = true}
      %dma_wait3A_71 = arith.constant 0 : i32
      %dma_wait3A_72 = arith.constant 0 : i32
      %dma_wait3A_73 = tpu.memref_slice %arg4[%dma_wait3A_71, %dma_wait3A_72] : memref<10240x128xf32, #tpu.memory_space<hbm>> -> memref<128x128xf32, #tpu.memory_space<hbm>>
      %dma_wait3A_74 = arith.constant 0 : i32
      %dma_wait3A_75 = arith.constant 0 : i32
      %dma_wait3A_76 = tpu.memref_slice %arg4[%dma_wait3A_74, %dma_wait3A_75] : memref<10240x128xf32, #tpu.memory_space<hbm>> -> memref<128x128xf32, #tpu.memory_space<hbm>>
      tpu.wait_dma2 semaphore(%arg14 : memref<!tpu.dma_semaphore, #tpu.memory_space<semaphore_mem>>) src(%dma_wait3A_76 : memref<128x128xf32, #tpu.memory_space<hbm>>) dst(%arg9 : memref<128x128xf32, #tpu.memory_space<vmem>>)
      %dma_wait3A_77 = arith.constant 0 : i32
      %dma_wait3A_78 = arith.constant 0 : i32
      %dma_wait3A_79 = arith.constant 0 : i32
      %dma_wait3A_80 = tpu.memref_slice %arg7[%dma_wait3A_78, %dma_wait3A_79] : memref<2x128xi32, #tpu.memory_space<vmem>> -> memref<1x128xi32, #tpu.memory_space<vmem>>
      %dma_wait3A_81 = tpu.memref_squeeze %dma_wait3A_80 : memref<1x128xi32, #tpu.memory_space<vmem>> -> memref<128xi32, #tpu.memory_space<vmem>>
      %dma_wait3A_82 = arith.constant 0 : i32
      %dma_wait3A_83 = tpu.memref_slice %arg2[%add3A, %dma_wait3A_77, %dma_wait3A_82] : memref<32x80x128xi32, #tpu.memory_space<hbm>> -> memref<1x1x128xi32, #tpu.memory_space<hbm>>
      %dma_wait3A_84 = tpu.memref_squeeze %dma_wait3A_83 : memref<1x1x128xi32, #tpu.memory_space<hbm>> -> memref<128xi32, #tpu.memory_space<hbm>>
      %dma_wait3A_85 = arith.constant 0 : i32
      %dma_wait3A_86 = tpu.memref_slice %arg7[%dma_wait3A_78, %dma_wait3A_85] : memref<2x128xi32, #tpu.memory_space<vmem>> -> memref<1x128xi32, #tpu.memory_space<vmem>>
      %dma_wait3A_87 = tpu.memref_squeeze %dma_wait3A_86 : memref<1x128xi32, #tpu.memory_space<vmem>> -> memref<128xi32, #tpu.memory_space<vmem>>
      %dma_wait3A_88 = arith.constant 0 : i32
      %dma_wait3A_89 = tpu.memref_slice %arg2[%add3A, %dma_wait3A_77, %dma_wait3A_88] : memref<32x80x128xi32, #tpu.memory_space<hbm>> -> memref<1x1x128xi32, #tpu.memory_space<hbm>>
      %dma_wait3A_90 = tpu.memref_squeeze %dma_wait3A_89 : memref<1x1x128xi32, #tpu.memory_space<hbm>> -> memref<128xi32, #tpu.memory_space<hbm>>
      tpu.wait_dma2 semaphore(%arg11 : memref<!tpu.dma_semaphore, #tpu.memory_space<semaphore_mem>>) src(%dma_wait3A_90 : memref<128xi32, #tpu.memory_space<hbm>>) dst(%dma_wait3A_87 : memref<128xi32, #tpu.memory_space<vmem>>)
      %dma_start3A_91 = arith.constant 0 : i32
      %dma_start3A_92 = arith.constant 0 : i32
      %dma_start3A_93 = tpu.memref_slice %arg7[%dma_start3A_91, %dma_start3A_92] : memref<2x128xi32, #tpu.memory_space<vmem>> -> memref<1x128xi32, #tpu.memory_space<vmem>>
      %dma_start3A_94 = tpu.memref_squeeze %dma_start3A_93 : memref<1x128xi32, #tpu.memory_space<vmem>> -> memref<128xi32, #tpu.memory_space<vmem>>
      %dma_start3A_95 = arith.constant 0 : i32
      %dma_start3A_96 = arith.constant 0 : i32
      %dma_start3A_97 = tpu.memref_slice %arg4[%dma_start3A_95, %dma_start3A_96] : memref<10240x128xf32, #tpu.memory_space<hbm>> -> memref<10240x128xf32, #tpu.memory_space<hbm>>
      tpu.enqueue_indirect_dma source(%dma_start3A_97 : memref<10240x128xf32, #tpu.memory_space<hbm>>) target(%arg9 : memref<128x128xf32, #tpu.memory_space<vmem>>) offsets(%dma_start3A_94 : memref<128xi32, #tpu.memory_space<vmem>>) semaphore(%arg12 : memref<!tpu.dma_semaphore, #tpu.memory_space<semaphore_mem>>)
      %mul3A_98 = arith.constant 2 : i32
      %mul3A_99 = arith.muli %mul3A_98, %scan3A_40 : i32
      %add3A_100 = arith.constant 1 : i32
      %add3A_101 = arith.addi %mul3A_99, %add3A_100 : i32
      %add3A_102 = arith.constant 2 : i32
      %add3A_103 = arith.addi %add3A_101, %add3A_102 : i32
      %rem3A_104 = arith.constant 80 : i32
      %rem3A_105 = arith.remsi %add3A_103, %rem3A_104 : i32
      %dma_wait3A_106 = arith.constant 0 : i32
      %dma_wait3A_107 = arith.constant 0 : i32
      %dma_wait3A_108 = tpu.memref_slice %arg4[%dma_wait3A_106, %dma_wait3A_107] : memref<10240x128xf32, #tpu.memory_space<hbm>> -> memref<128x128xf32, #tpu.memory_space<hbm>>
      %dma_wait3A_109 = arith.constant 0 : i32
      %dma_wait3A_110 = arith.constant 0 : i32
      %dma_wait3A_111 = tpu.memref_slice %arg4[%dma_wait3A_109, %dma_wait3A_110] : memref<10240x128xf32, #tpu.memory_space<hbm>> -> memref<128x128xf32, #tpu.memory_space<hbm>>
      tpu.wait_dma2 semaphore(%arg13 : memref<!tpu.dma_semaphore, #tpu.memory_space<semaphore_mem>>) src(%dma_wait3A_111 : memref<128x128xf32, #tpu.memory_space<hbm>>) dst(%arg10 : memref<128x128xf32, #tpu.memory_space<vmem>>)
      %dma_start3A_112 = arith.constant 1 : i32
      %dma_start3A_113 = arith.constant 0 : i32
      %dma_start3A_114 = tpu.memref_slice %arg7[%dma_start3A_112, %dma_start3A_113] : memref<2x128xi32, #tpu.memory_space<vmem>> -> memref<1x128xi32, #tpu.memory_space<vmem>>
      %dma_start3A_115 = tpu.memref_squeeze %dma_start3A_114 : memref<1x128xi32, #tpu.memory_space<vmem>> -> memref<128xi32, #tpu.memory_space<vmem>>
      %dma_start3A_116 = arith.constant 0 : i32
      %dma_start3A_117 = tpu.memref_slice %arg2[%add3A, %rem3A_105, %dma_start3A_116] : memref<32x80x128xi32, #tpu.memory_space<hbm>> -> memref<1x1x128xi32, #tpu.memory_space<hbm>>
      %dma_start3A_118 = tpu.memref_squeeze %dma_start3A_117 : memref<1x1x128xi32, #tpu.memory_space<hbm>> -> memref<128xi32, #tpu.memory_space<hbm>>
      %dma_start3A_119 = arith.constant 0 : i32
      %dma_start3A_120 = tpu.memref_slice %arg7[%dma_start3A_112, %dma_start3A_119] : memref<2x128xi32, #tpu.memory_space<vmem>> -> memref<1x128xi32, #tpu.memory_space<vmem>>
      %dma_start3A_121 = tpu.memref_squeeze %dma_start3A_120 : memref<1x128xi32, #tpu.memory_space<vmem>> -> memref<128xi32, #tpu.memory_space<vmem>>
      %dma_start3A_122 = arith.constant 0 : i32
      %dma_start3A_123 = tpu.memref_slice %arg2[%add3A, %rem3A_105, %dma_start3A_122] : memref<32x80x128xi32, #tpu.memory_space<hbm>> -> memref<1x1x128xi32, #tpu.memory_space<hbm>>
      %dma_start3A_124 = tpu.memref_squeeze %dma_start3A_123 : memref<1x1x128xi32, #tpu.memory_space<hbm>> -> memref<128xi32, #tpu.memory_space<hbm>>
      tpu.enqueue_dma source(%dma_start3A_124 : memref<128xi32, #tpu.memory_space<hbm>>) target(%dma_start3A_121 : memref<128xi32, #tpu.memory_space<vmem>>) target_semaphore(%arg11 : memref<!tpu.dma_semaphore, #tpu.memory_space<semaphore_mem>>)
      %dma_start3A_125 = arith.constant 0 : i32
      %dma_start3A_126 = tpu.memref_slice %arg8[%add3A_101, %dma_start3A_125] : memref<80x128xi32, #tpu.memory_space<vmem>> -> memref<1x128xi32, #tpu.memory_space<vmem>>
      %dma_start3A_127 = tpu.memref_squeeze %dma_start3A_126 : memref<1x128xi32, #tpu.memory_space<vmem>> -> memref<128xi32, #tpu.memory_space<vmem>>
      %dma_start3A_128 = arith.constant 0 : i32
      %dma_start3A_129 = arith.constant 0 : i32
      %dma_start3A_130 = tpu.memref_slice %arg15[%dma_start3A_128, %dma_start3A_129] : memref<10240x128xf32, #tpu.memory_space<vmem_shared>> -> memref<10240x128xf32, #tpu.memory_space<vmem_shared>>
      tpu.enqueue_indirect_dma source(%arg10 : memref<128x128xf32, #tpu.memory_space<vmem>>) target(%dma_start3A_130 : memref<10240x128xf32, #tpu.memory_space<vmem_shared>>) offsets(%dma_start3A_127 : memref<128xi32, #tpu.memory_space<vmem>>) semaphore(%arg14 : memref<!tpu.dma_semaphore, #tpu.memory_space<semaphore_mem>>) {add = true}
      %dma_wait3A_131 = arith.constant 0 : i32
      %dma_wait3A_132 = arith.constant 0 : i32
      %dma_wait3A_133 = tpu.memref_slice %arg4[%dma_wait3A_131, %dma_wait3A_132] : memref<10240x128xf32, #tpu.memory_space<hbm>> -> memref<128x128xf32, #tpu.memory_space<hbm>>
      %dma_wait3A_134 = arith.constant 0 : i32
      %dma_wait3A_135 = arith.constant 0 : i32
      %dma_wait3A_136 = tpu.memref_slice %arg4[%dma_wait3A_134, %dma_wait3A_135] : memref<10240x128xf32, #tpu.memory_space<hbm>> -> memref<128x128xf32, #tpu.memory_space<hbm>>
      tpu.wait_dma2 semaphore(%arg14 : memref<!tpu.dma_semaphore, #tpu.memory_space<semaphore_mem>>) src(%dma_wait3A_136 : memref<128x128xf32, #tpu.memory_space<hbm>>) dst(%arg10 : memref<128x128xf32, #tpu.memory_space<vmem>>)
      %dma_wait3A_137 = arith.constant 0 : i32
      %dma_wait3A_138 = arith.constant 1 : i32
      %dma_wait3A_139 = arith.constant 0 : i32
      %dma_wait3A_140 = tpu.memref_slice %arg7[%dma_wait3A_138, %dma_wait3A_139] : memref<2x128xi32, #tpu.memory_space<vmem>> -> memref<1x128xi32, #tpu.memory_space<vmem>>
      %dma_wait3A_141 = tpu.memref_squeeze %dma_wait3A_140 : memref<1x128xi32, #tpu.memory_space<vmem>> -> memref<128xi32, #tpu.memory_space<vmem>>
      %dma_wait3A_142 = arith.constant 0 : i32
      %dma_wait3A_143 = tpu.memref_slice %arg2[%add3A, %dma_wait3A_137, %dma_wait3A_142] : memref<32x80x128xi32, #tpu.memory_space<hbm>> -> memref<1x1x128xi32, #tpu.memory_space<hbm>>
      %dma_wait3A_144 = tpu.memref_squeeze %dma_wait3A_143 : memref<1x1x128xi32, #tpu.memory_space<hbm>> -> memref<128xi32, #tpu.memory_space<hbm>>
      %dma_wait3A_145 = arith.constant 0 : i32
      %dma_wait3A_146 = tpu.memref_slice %arg7[%dma_wait3A_138, %dma_wait3A_145] : memref<2x128xi32, #tpu.memory_space<vmem>> -> memref<1x128xi32, #tpu.memory_space<vmem>>
      %dma_wait3A_147 = tpu.memref_squeeze %dma_wait3A_146 : memref<1x128xi32, #tpu.memory_space<vmem>> -> memref<128xi32, #tpu.memory_space<vmem>>
      %dma_wait3A_148 = arith.constant 0 : i32
      %dma_wait3A_149 = tpu.memref_slice %arg2[%add3A, %dma_wait3A_137, %dma_wait3A_148] : memref<32x80x128xi32, #tpu.memory_space<hbm>> -> memref<1x1x128xi32, #tpu.memory_space<hbm>>
      %dma_wait3A_150 = tpu.memref_squeeze %dma_wait3A_149 : memref<1x1x128xi32, #tpu.memory_space<hbm>> -> memref<128xi32, #tpu.memory_space<hbm>>
      tpu.wait_dma2 semaphore(%arg11 : memref<!tpu.dma_semaphore, #tpu.memory_space<semaphore_mem>>) src(%dma_wait3A_150 : memref<128xi32, #tpu.memory_space<hbm>>) dst(%dma_wait3A_147 : memref<128xi32, #tpu.memory_space<vmem>>)
      %dma_start3A_151 = arith.constant 1 : i32
      %dma_start3A_152 = arith.constant 0 : i32
      %dma_start3A_153 = tpu.memref_slice %arg7[%dma_start3A_151, %dma_start3A_152] : memref<2x128xi32, #tpu.memory_space<vmem>> -> memref<1x128xi32, #tpu.memory_space<vmem>>
      %dma_start3A_154 = tpu.memref_squeeze %dma_start3A_153 : memref<1x128xi32, #tpu.memory_space<vmem>> -> memref<128xi32, #tpu.memory_space<vmem>>
      %dma_start3A_155 = arith.constant 0 : i32
      %dma_start3A_156 = arith.constant 0 : i32
      %dma_start3A_157 = tpu.memref_slice %arg4[%dma_start3A_155, %dma_start3A_156] : memref<10240x128xf32, #tpu.memory_space<hbm>> -> memref<10240x128xf32, #tpu.memory_space<hbm>>
      tpu.enqueue_indirect_dma source(%dma_start3A_157 : memref<10240x128xf32, #tpu.memory_space<hbm>>) target(%arg10 : memref<128x128xf32, #tpu.memory_space<vmem>>) offsets(%dma_start3A_154 : memref<128xi32, #tpu.memory_space<vmem>>) semaphore(%arg13 : memref<!tpu.dma_semaphore, #tpu.memory_space<semaphore_mem>>)
    }
    %scan3A_23 = arith.constant 40 : i32
    %dma_wait3A = arith.constant 0 : i32
    %dma_wait3A_24 = arith.constant 0 : i32
    %dma_wait3A_25 = tpu.memref_slice %arg4[%dma_wait3A, %dma_wait3A_24] : memref<10240x128xf32, #tpu.memory_space<hbm>> -> memref<128x128xf32, #tpu.memory_space<hbm>>
    %dma_wait3A_26 = arith.constant 0 : i32
    %dma_wait3A_27 = arith.constant 0 : i32
    %dma_wait3A_28 = tpu.memref_slice %arg4[%dma_wait3A_26, %dma_wait3A_27] : memref<10240x128xf32, #tpu.memory_space<hbm>> -> memref<128x128xf32, #tpu.memory_space<hbm>>
    tpu.wait_dma2 semaphore(%arg12 : memref<!tpu.dma_semaphore, #tpu.memory_space<semaphore_mem>>) src(%dma_wait3A_28 : memref<128x128xf32, #tpu.memory_space<hbm>>) dst(%arg9 : memref<128x128xf32, #tpu.memory_space<vmem>>)
    %dma_wait3A_29 = arith.constant 0 : i32
    %dma_wait3A_30 = arith.constant 0 : i32
    %dma_wait3A_31 = tpu.memref_slice %arg4[%dma_wait3A_29, %dma_wait3A_30] : memref<10240x128xf32, #tpu.memory_space<hbm>> -> memref<128x128xf32, #tpu.memory_space<hbm>>
    %dma_wait3A_32 = arith.constant 0 : i32
    %dma_wait3A_33 = arith.constant 0 : i32
    %dma_wait3A_34 = tpu.memref_slice %arg4[%dma_wait3A_32, %dma_wait3A_33] : memref<10240x128xf32, #tpu.memory_space<hbm>> -> memref<128x128xf32, #tpu.memory_space<hbm>>
    tpu.wait_dma2 semaphore(%arg13 : memref<!tpu.dma_semaphore, #tpu.memory_space<semaphore_mem>>) src(%dma_wait3A_34 : memref<128x128xf32, #tpu.memory_space<hbm>>) dst(%arg10 : memref<128x128xf32, #tpu.memory_space<vmem>>)
    %barrier3A_35 = arith.constant 0 : index
    tpu.barrier barrier_id(%barrier3A_35)
    %mul3A_36 = arith.constant 640 : i32
    %mul3A_37 = arith.muli %arg1, %mul3A_36 : i32
    %mul3A_38 = arith.constant 640 : i32
    %mul3A_39 = arith.muli %arg1, %mul3A_38 : i32
    "tpu.region"() ({
      %run_scoped3A_40 = tpu.sem_alloc : memref<!tpu.dma_semaphore, #tpu.memory_space<semaphore_mem>>
      %dma_start3A_41 = arith.constant 0 : i32
      %dma_start3A_42 = tpu.memref_slice %arg6[%arg0, %mul3A_39, %dma_start3A_41] : memref<2x10240x128xf32, #tpu.memory_space<hbm>> -> memref<1x640x128xf32, #tpu.memory_space<hbm>>
      %dma_start3A_43 = tpu.memref_squeeze %dma_start3A_42 : memref<1x640x128xf32, #tpu.memory_space<hbm>> -> memref<640x128xf32, #tpu.memory_space<hbm>>
      %dma_start3A_44 = arith.constant 0 : i32
      %dma_start3A_45 = tpu.memref_slice %arg15[%mul3A_37, %dma_start3A_44] : memref<10240x128xf32, #tpu.memory_space<vmem_shared>> -> memref<640x128xf32, #tpu.memory_space<vmem_shared>>
      tpu.enqueue_dma source(%dma_start3A_45 : memref<640x128xf32, #tpu.memory_space<vmem_shared>>) target(%dma_start3A_43 : memref<640x128xf32, #tpu.memory_space<hbm>>) target_semaphore(%run_scoped3A_40 : memref<!tpu.dma_semaphore, #tpu.memory_space<semaphore_mem>>)
      %dma_wait3A_46 = arith.constant 0 : i32
      %dma_wait3A_47 = tpu.memref_slice %arg6[%arg0, %mul3A_39, %dma_wait3A_46] : memref<2x10240x128xf32, #tpu.memory_space<hbm>> -> memref<1x640x128xf32, #tpu.memory_space<hbm>>
      %dma_wait3A_48 = tpu.memref_squeeze %dma_wait3A_47 : memref<1x640x128xf32, #tpu.memory_space<hbm>> -> memref<640x128xf32, #tpu.memory_space<hbm>>
      %dma_wait3A_49 = arith.constant 0 : i32
      %dma_wait3A_50 = tpu.memref_slice %arg15[%mul3A_37, %dma_wait3A_49] : memref<10240x128xf32, #tpu.memory_space<vmem_shared>> -> memref<640x128xf32, #tpu.memory_space<vmem_shared>>
      tpu.wait_dma2 semaphore(%run_scoped3A_40 : memref<!tpu.dma_semaphore, #tpu.memory_space<semaphore_mem>>) src(%dma_wait3A_50 : memref<640x128xf32, #tpu.memory_space<vmem_shared>>) dst(%dma_wait3A_48 : memref<640x128xf32, #tpu.memory_space<hbm>>)
      tpu.yield
    }) : () -> ()
    return
  }
}

#map = affine_map<(d0, d1) -> (0, 0, 0)>
#map1 = affine_map<(d0, d1) -> (0)>
#map2 = affine_map<(d0, d1) -> (0, 0)>
module attributes {stable_mosaic.version = 14 : i64} {
  func.func @_sc_p(%arg0: i32, %arg1: i32, %arg2: memref<32x80x128xi32, #tpu.memory_space<hbm>>, %arg3: memref<32x80x128xi32, #tpu.memory_space<hbm>>, %arg4: memref<10240xf32, #tpu.memory_space<hbm>>, %arg5: memref<10240xi32, #tpu.memory_space<hbm>>, %arg6: memref<40960xf32, #tpu.memory_space<hbm>>, %arg7: memref<2x655360xf32, #tpu.memory_space<hbm>>, %arg8: memref<80x128xi32, #tpu.memory_space<vmem>>, %arg9: memref<80x128xi32, #tpu.memory_space<vmem>>, %arg10: memref<10240xf32, #tpu.memory_space<vmem>>, %arg11: memref<10240xi32, #tpu.memory_space<vmem>>, %arg12: memref<80x128xf32, #tpu.memory_space<vmem>>, %arg13: memref<80x128xi32, #tpu.memory_space<vmem>>, %arg14: memref<655360xf32, #tpu.memory_space<vmem_shared>>, %arg15: memref<!tpu.dma_semaphore, #tpu.memory_space<semaphore_mem>>) attributes {dimension_semantics = [#tpu.dimension_semantics<core_parallel>, #tpu.dimension_semantics<subcore_parallel>], iteration_bounds = array<i64: 2, 16>, scalar_prefetch = 0 : i64, scratch_operands = 8 : i64, tpu.core_type = #tpu.core_type<sc_vector_subcore>, window_params = [{transform_indices = #map}, {transform_indices = #map}, {transform_indices = #map1}, {transform_indices = #map1}, {transform_indices = #map1}, {transform_indices = #map2}]} {
    %mul3A = arith.constant 2 : i32
    %mul3A_0 = arith.muli %arg1, %mul3A : i32
    %add3A = arith.addi %mul3A_0, %arg0 : i32
    "tpu.region"() ({
      %run_scoped3A = tpu.sem_alloc : memref<!tpu.dma_semaphore, #tpu.memory_space<semaphore_mem>>
      %dma_start3A = arith.constant 0 : i32
      %dma_start3A_194 = arith.constant 0 : i32
      %dma_start3A_195 = tpu.memref_slice %arg2[%add3A, %dma_start3A, %dma_start3A_194] : memref<32x80x128xi32, #tpu.memory_space<hbm>> -> memref<1x80x128xi32, #tpu.memory_space<hbm>>
      %dma_start3A_196 = tpu.memref_squeeze %dma_start3A_195 : memref<1x80x128xi32, #tpu.memory_space<hbm>> -> memref<80x128xi32, #tpu.memory_space<hbm>>
      %dma_start3A_197 = arith.constant 0 : i32
      %dma_start3A_198 = arith.constant 0 : i32
      %dma_start3A_199 = tpu.memref_slice %arg2[%add3A, %dma_start3A_197, %dma_start3A_198] : memref<32x80x128xi32, #tpu.memory_space<hbm>> -> memref<1x80x128xi32, #tpu.memory_space<hbm>>
      %dma_start3A_200 = tpu.memref_squeeze %dma_start3A_199 : memref<1x80x128xi32, #tpu.memory_space<hbm>> -> memref<80x128xi32, #tpu.memory_space<hbm>>
      tpu.enqueue_dma source(%dma_start3A_200 : memref<80x128xi32, #tpu.memory_space<hbm>>) target(%arg8 : memref<80x128xi32, #tpu.memory_space<vmem>>) target_semaphore(%run_scoped3A : memref<!tpu.dma_semaphore, #tpu.memory_space<semaphore_mem>>)
      %dma_wait3A_201 = arith.constant 0 : i32
      %dma_wait3A_202 = arith.constant 0 : i32
      %dma_wait3A_203 = tpu.memref_slice %arg2[%add3A, %dma_wait3A_201, %dma_wait3A_202] : memref<32x80x128xi32, #tpu.memory_space<hbm>> -> memref<1x80x128xi32, #tpu.memory_space<hbm>>
      %dma_wait3A_204 = tpu.memref_squeeze %dma_wait3A_203 : memref<1x80x128xi32, #tpu.memory_space<hbm>> -> memref<80x128xi32, #tpu.memory_space<hbm>>
      %dma_wait3A_205 = arith.constant 0 : i32
      %dma_wait3A_206 = arith.constant 0 : i32
      %dma_wait3A_207 = tpu.memref_slice %arg2[%add3A, %dma_wait3A_205, %dma_wait3A_206] : memref<32x80x128xi32, #tpu.memory_space<hbm>> -> memref<1x80x128xi32, #tpu.memory_space<hbm>>
      %dma_wait3A_208 = tpu.memref_squeeze %dma_wait3A_207 : memref<1x80x128xi32, #tpu.memory_space<hbm>> -> memref<80x128xi32, #tpu.memory_space<hbm>>
      tpu.wait_dma2 semaphore(%run_scoped3A : memref<!tpu.dma_semaphore, #tpu.memory_space<semaphore_mem>>) src(%dma_wait3A_208 : memref<80x128xi32, #tpu.memory_space<hbm>>) dst(%arg8 : memref<80x128xi32, #tpu.memory_space<vmem>>)
      tpu.yield
    }) : () -> ()
    "tpu.region"() ({
      %run_scoped3A = tpu.sem_alloc : memref<!tpu.dma_semaphore, #tpu.memory_space<semaphore_mem>>
      %dma_start3A = arith.constant 0 : i32
      %dma_start3A_194 = arith.constant 0 : i32
      %dma_start3A_195 = tpu.memref_slice %arg3[%add3A, %dma_start3A, %dma_start3A_194] : memref<32x80x128xi32, #tpu.memory_space<hbm>> -> memref<1x80x128xi32, #tpu.memory_space<hbm>>
      %dma_start3A_196 = tpu.memref_squeeze %dma_start3A_195 : memref<1x80x128xi32, #tpu.memory_space<hbm>> -> memref<80x128xi32, #tpu.memory_space<hbm>>
      %dma_start3A_197 = arith.constant 0 : i32
      %dma_start3A_198 = arith.constant 0 : i32
      %dma_start3A_199 = tpu.memref_slice %arg3[%add3A, %dma_start3A_197, %dma_start3A_198] : memref<32x80x128xi32, #tpu.memory_space<hbm>> -> memref<1x80x128xi32, #tpu.memory_space<hbm>>
      %dma_start3A_200 = tpu.memref_squeeze %dma_start3A_199 : memref<1x80x128xi32, #tpu.memory_space<hbm>> -> memref<80x128xi32, #tpu.memory_space<hbm>>
      tpu.enqueue_dma source(%dma_start3A_200 : memref<80x128xi32, #tpu.memory_space<hbm>>) target(%arg9 : memref<80x128xi32, #tpu.memory_space<vmem>>) target_semaphore(%run_scoped3A : memref<!tpu.dma_semaphore, #tpu.memory_space<semaphore_mem>>)
      %dma_wait3A_201 = arith.constant 0 : i32
      %dma_wait3A_202 = arith.constant 0 : i32
      %dma_wait3A_203 = tpu.memref_slice %arg3[%add3A, %dma_wait3A_201, %dma_wait3A_202] : memref<32x80x128xi32, #tpu.memory_space<hbm>> -> memref<1x80x128xi32, #tpu.memory_space<hbm>>
      %dma_wait3A_204 = tpu.memref_squeeze %dma_wait3A_203 : memref<1x80x128xi32, #tpu.memory_space<hbm>> -> memref<80x128xi32, #tpu.memory_space<hbm>>
      %dma_wait3A_205 = arith.constant 0 : i32
      %dma_wait3A_206 = arith.constant 0 : i32
      %dma_wait3A_207 = tpu.memref_slice %arg3[%add3A, %dma_wait3A_205, %dma_wait3A_206] : memref<32x80x128xi32, #tpu.memory_space<hbm>> -> memref<1x80x128xi32, #tpu.memory_space<hbm>>
      %dma_wait3A_208 = tpu.memref_squeeze %dma_wait3A_207 : memref<1x80x128xi32, #tpu.memory_space<hbm>> -> memref<80x128xi32, #tpu.memory_space<hbm>>
      tpu.wait_dma2 semaphore(%run_scoped3A : memref<!tpu.dma_semaphore, #tpu.memory_space<semaphore_mem>>) src(%dma_wait3A_208 : memref<80x128xi32, #tpu.memory_space<hbm>>) dst(%arg9 : memref<80x128xi32, #tpu.memory_space<vmem>>)
      tpu.yield
    }) : () -> ()
    "tpu.region"() ({
      %run_scoped3A = tpu.sem_alloc : memref<!tpu.dma_semaphore, #tpu.memory_space<semaphore_mem>>
      tpu.enqueue_dma source(%arg4 : memref<10240xf32, #tpu.memory_space<hbm>>) target(%arg10 : memref<10240xf32, #tpu.memory_space<vmem>>) target_semaphore(%run_scoped3A : memref<!tpu.dma_semaphore, #tpu.memory_space<semaphore_mem>>)
      tpu.wait_dma2 semaphore(%run_scoped3A : memref<!tpu.dma_semaphore, #tpu.memory_space<semaphore_mem>>) src(%arg4 : memref<10240xf32, #tpu.memory_space<hbm>>) dst(%arg10 : memref<10240xf32, #tpu.memory_space<vmem>>)
      tpu.yield
    }) : () -> ()
    "tpu.region"() ({
      %run_scoped3A = tpu.sem_alloc : memref<!tpu.dma_semaphore, #tpu.memory_space<semaphore_mem>>
      tpu.enqueue_dma source(%arg5 : memref<10240xi32, #tpu.memory_space<hbm>>) target(%arg11 : memref<10240xi32, #tpu.memory_space<vmem>>) target_semaphore(%run_scoped3A : memref<!tpu.dma_semaphore, #tpu.memory_space<semaphore_mem>>)
      tpu.wait_dma2 semaphore(%run_scoped3A : memref<!tpu.dma_semaphore, #tpu.memory_space<semaphore_mem>>) src(%arg5 : memref<10240xi32, #tpu.memory_space<hbm>>) dst(%arg11 : memref<10240xi32, #tpu.memory_space<vmem>>)
      tpu.yield
    }) : () -> ()
    %mul3A_1 = arith.constant 40960 : i32
    %mul3A_2 = arith.muli %arg1, %mul3A_1 : i32
    "tpu.region"() ({
      %run_scoped3A = tpu.sem_alloc : memref<!tpu.dma_semaphore, #tpu.memory_space<semaphore_mem>>
      %dma_start3A = tpu.memref_slice %arg14[%mul3A_2] : memref<655360xf32, #tpu.memory_space<vmem_shared>> -> memref<40960xf32, #tpu.memory_space<vmem_shared>>
      tpu.enqueue_dma source(%arg6 : memref<40960xf32, #tpu.memory_space<hbm>>) target(%dma_start3A : memref<40960xf32, #tpu.memory_space<vmem_shared>>) target_semaphore(%run_scoped3A : memref<!tpu.dma_semaphore, #tpu.memory_space<semaphore_mem>>)
      %dma_wait3A_194 = tpu.memref_slice %arg14[%mul3A_2] : memref<655360xf32, #tpu.memory_space<vmem_shared>> -> memref<40960xf32, #tpu.memory_space<vmem_shared>>
      tpu.wait_dma2 semaphore(%run_scoped3A : memref<!tpu.dma_semaphore, #tpu.memory_space<semaphore_mem>>) src(%arg6 : memref<40960xf32, #tpu.memory_space<hbm>>) dst(%dma_wait3A_194 : memref<40960xf32, #tpu.memory_space<vmem_shared>>)
      tpu.yield
    }) : () -> ()
    %barrier3A = arith.constant 0 : index
    tpu.barrier barrier_id(%barrier3A)
    %scan3A = arith.constant 0 : i32
    %scan3A_3 = arith.constant 0 : i32
    %scan3A_4 = arith.constant 16 : i32
    %scan3A_5 = arith.addi %scan3A_3, %scan3A_4 : i32
    %scan3A_6 = arith.constant 1 : i32
    scf.for %scan3A_194 = %scan3A_3 to %scan3A_5 step %scan3A_6  : i32 {
      %get3A = arith.index_cast %scan3A_194 : i32 to index
      %get3A_195 = arith.constant 0 : index
      %get3A_196 = tpu.vector_load %arg8[%get3A, %get3A_195] {strides = array<i32>} : memref<80x128xi32, #tpu.memory_space<vmem>>, vector<16xi32>,
      %get3A_197 = arith.index_cast %scan3A_194 : i32 to index
      %get3A_198 = arith.constant 0 : index
      %get3A_199 = tpu.vector_load %arg9[%get3A_197, %get3A_198] {strides = array<i32>} : memref<80x128xi32, #tpu.memory_space<vmem>>, vector<16xi32>,
      %gather3A = tpu.vector_load_idx %arg10[%get3A_196] : memref<10240xf32, #tpu.memory_space<vmem>>[vector<16xi32>], vector<16xf32>,
      %gather3A_200 = tpu.vector_load_idx %arg10[%get3A_199] : memref<10240xf32, #tpu.memory_space<vmem>>[vector<16xi32>], vector<16xf32>,
      %gather3A_201 = tpu.vector_load_idx %arg11[%get3A_199] : memref<10240xi32, #tpu.memory_space<vmem>>[vector<16xi32>], vector<16xi32>,
      %mul3A_202 = arith.mulf %gather3A, %gather3A_200 : vector<16xf32>
      %swap3A = arith.index_cast %scan3A_194 : i32 to index
      %swap3A_203 = arith.constant 0 : index
      %swap3A_204 = tpu.vector_load %arg12[%swap3A, %swap3A_203] {strides = array<i32>} : memref<80x128xf32, #tpu.memory_space<vmem>>, vector<16xf32>,
      tpu.vector_store %arg12[%swap3A, %swap3A_203], %mul3A_202 {strides = array<i32>} : memref<80x128xf32, #tpu.memory_space<vmem>>, vector<16xf32>,
      %mul3A_205 = arith.constant 10240 : i32
      %mul3A_206 = vector.broadcast %mul3A_205 : i32 to vector<16xi32>
      %mul3A_207 = arith.muli %gather3A_201, %mul3A_206 : vector<16xi32>
      %add3A_208 = arith.addi %mul3A_207, %get3A_196 : vector<16xi32>
      %swap3A_209 = arith.index_cast %scan3A_194 : i32 to index
      %swap3A_210 = arith.constant 0 : index
      %swap3A_211 = tpu.vector_load %arg13[%swap3A_209, %swap3A_210] {strides = array<i32>} : memref<80x128xi32, #tpu.memory_space<vmem>>, vector<16xi32>,
      tpu.vector_store %arg13[%swap3A_209, %swap3A_210], %add3A_208 {strides = array<i32>} : memref<80x128xi32, #tpu.memory_space<vmem>>, vector<16xi32>,
      %get3A_212 = arith.index_cast %scan3A_194 : i32 to index
      %get3A_213 = arith.constant 16 : index
      %get3A_214 = tpu.vector_load %arg8[%get3A_212, %get3A_213] {strides = array<i32>} : memref<80x128xi32, #tpu.memory_space<vmem>>, vector<16xi32>,
      %get3A_215 = arith.index_cast %scan3A_194 : i32 to index
      %get3A_216 = arith.constant 16 : index
      %get3A_217 = tpu.vector_load %arg9[%get3A_215, %get3A_216] {strides = array<i32>} : memref<80x128xi32, #tpu.memory_space<vmem>>, vector<16xi32>,
      %gather3A_218 = tpu.vector_load_idx %arg10[%get3A_214] : memref<10240xf32, #tpu.memory_space<vmem>>[vector<16xi32>], vector<16xf32>,
      %gather3A_219 = tpu.vector_load_idx %arg10[%get3A_217] : memref<10240xf32, #tpu.memory_space<vmem>>[vector<16xi32>], vector<16xf32>,
      %gather3A_220 = tpu.vector_load_idx %arg11[%get3A_217] : memref<10240xi32, #tpu.memory_space<vmem>>[vector<16xi32>], vector<16xi32>,
      %mul3A_221 = arith.mulf %gather3A_218, %gather3A_219 : vector<16xf32>
      %swap3A_222 = arith.index_cast %scan3A_194 : i32 to index
      %swap3A_223 = arith.constant 16 : index
      %swap3A_224 = tpu.vector_load %arg12[%swap3A_222, %swap3A_223] {strides = array<i32>} : memref<80x128xf32, #tpu.memory_space<vmem>>, vector<16xf32>,
      tpu.vector_store %arg12[%swap3A_222, %swap3A_223], %mul3A_221 {strides = array<i32>} : memref<80x128xf32, #tpu.memory_space<vmem>>, vector<16xf32>,
      %mul3A_225 = arith.constant 10240 : i32
      %mul3A_226 = vector.broadcast %mul3A_225 : i32 to vector<16xi32>
      %mul3A_227 = arith.muli %gather3A_220, %mul3A_226 : vector<16xi32>
      %add3A_228 = arith.addi %mul3A_227, %get3A_214 : vector<16xi32>
      %swap3A_229 = arith.index_cast %scan3A_194 : i32 to index
      %swap3A_230 = arith.constant 16 : index
      %swap3A_231 = tpu.vector_load %arg13[%swap3A_229, %swap3A_230] {strides = array<i32>} : memref<80x128xi32, #tpu.memory_space<vmem>>, vector<16xi32>,
      tpu.vector_store %arg13[%swap3A_229, %swap3A_230], %add3A_228 {strides = array<i32>} : memref<80x128xi32, #tpu.memory_space<vmem>>, vector<16xi32>,
      %get3A_232 = arith.index_cast %scan3A_194 : i32 to index
      %get3A_233 = arith.constant 32 : index
      %get3A_234 = tpu.vector_load %arg8[%get3A_232, %get3A_233] {strides = array<i32>} : memref<80x128xi32, #tpu.memory_space<vmem>>, vector<16xi32>,
      %get3A_235 = arith.index_cast %scan3A_194 : i32 to index
      %get3A_236 = arith.constant 32 : index
      %get3A_237 = tpu.vector_load %arg9[%get3A_235, %get3A_236] {strides = array<i32>} : memref<80x128xi32, #tpu.memory_space<vmem>>, vector<16xi32>,
      %gather3A_238 = tpu.vector_load_idx %arg10[%get3A_234] : memref<10240xf32, #tpu.memory_space<vmem>>[vector<16xi32>], vector<16xf32>,
      %gather3A_239 = tpu.vector_load_idx %arg10[%get3A_237] : memref<10240xf32, #tpu.memory_space<vmem>>[vector<16xi32>], vector<16xf32>,
      %gather3A_240 = tpu.vector_load_idx %arg11[%get3A_237] : memref<10240xi32, #tpu.memory_space<vmem>>[vector<16xi32>], vector<16xi32>,
      %mul3A_241 = arith.mulf %gather3A_238, %gather3A_239 : vector<16xf32>
      %swap3A_242 = arith.index_cast %scan3A_194 : i32 to index
      %swap3A_243 = arith.constant 32 : index
      %swap3A_244 = tpu.vector_load %arg12[%swap3A_242, %swap3A_243] {strides = array<i32>} : memref<80x128xf32, #tpu.memory_space<vmem>>, vector<16xf32>,
      tpu.vector_store %arg12[%swap3A_242, %swap3A_243], %mul3A_241 {strides = array<i32>} : memref<80x128xf32, #tpu.memory_space<vmem>>, vector<16xf32>,
      %mul3A_245 = arith.constant 10240 : i32
      %mul3A_246 = vector.broadcast %mul3A_245 : i32 to vector<16xi32>
      %mul3A_247 = arith.muli %gather3A_240, %mul3A_246 : vector<16xi32>
      %add3A_248 = arith.addi %mul3A_247, %get3A_234 : vector<16xi32>
      %swap3A_249 = arith.index_cast %scan3A_194 : i32 to index
      %swap3A_250 = arith.constant 32 : index
      %swap3A_251 = tpu.vector_load %arg13[%swap3A_249, %swap3A_250] {strides = array<i32>} : memref<80x128xi32, #tpu.memory_space<vmem>>, vector<16xi32>,
      tpu.vector_store %arg13[%swap3A_249, %swap3A_250], %add3A_248 {strides = array<i32>} : memref<80x128xi32, #tpu.memory_space<vmem>>, vector<16xi32>,
      %get3A_252 = arith.index_cast %scan3A_194 : i32 to index
      %get3A_253 = arith.constant 48 : index
      %get3A_254 = tpu.vector_load %arg8[%get3A_252, %get3A_253] {strides = array<i32>} : memref<80x128xi32, #tpu.memory_space<vmem>>, vector<16xi32>,
      %get3A_255 = arith.index_cast %scan3A_194 : i32 to index
      %get3A_256 = arith.constant 48 : index
      %get3A_257 = tpu.vector_load %arg9[%get3A_255, %get3A_256] {strides = array<i32>} : memref<80x128xi32, #tpu.memory_space<vmem>>, vector<16xi32>,
      %gather3A_258 = tpu.vector_load_idx %arg10[%get3A_254] : memref<10240xf32, #tpu.memory_space<vmem>>[vector<16xi32>], vector<16xf32>,
      %gather3A_259 = tpu.vector_load_idx %arg10[%get3A_257] : memref<10240xf32, #tpu.memory_space<vmem>>[vector<16xi32>], vector<16xf32>,
      %gather3A_260 = tpu.vector_load_idx %arg11[%get3A_257] : memref<10240xi32, #tpu.memory_space<vmem>>[vector<16xi32>], vector<16xi32>,
      %mul3A_261 = arith.mulf %gather3A_258, %gather3A_259 : vector<16xf32>
      %swap3A_262 = arith.index_cast %scan3A_194 : i32 to index
      %swap3A_263 = arith.constant 48 : index
      %swap3A_264 = tpu.vector_load %arg12[%swap3A_262, %swap3A_263] {strides = array<i32>} : memref<80x128xf32, #tpu.memory_space<vmem>>, vector<16xf32>,
      tpu.vector_store %arg12[%swap3A_262, %swap3A_263], %mul3A_261 {strides = array<i32>} : memref<80x128xf32, #tpu.memory_space<vmem>>, vector<16xf32>,
      %mul3A_265 = arith.constant 10240 : i32
      %mul3A_266 = vector.broadcast %mul3A_265 : i32 to vector<16xi32>
      %mul3A_267 = arith.muli %gather3A_260, %mul3A_266 : vector<16xi32>
      %add3A_268 = arith.addi %mul3A_267, %get3A_254 : vector<16xi32>
      %swap3A_269 = arith.index_cast %scan3A_194 : i32 to index
      %swap3A_270 = arith.constant 48 : index
      %swap3A_271 = tpu.vector_load %arg13[%swap3A_269, %swap3A_270] {strides = array<i32>} : memref<80x128xi32, #tpu.memory_space<vmem>>, vector<16xi32>,
      tpu.vector_store %arg13[%swap3A_269, %swap3A_270], %add3A_268 {strides = array<i32>} : memref<80x128xi32, #tpu.memory_space<vmem>>, vector<16xi32>,
      %get3A_272 = arith.index_cast %scan3A_194 : i32 to index
      %get3A_273 = arith.constant 64 : index
      %get3A_274 = tpu.vector_load %arg8[%get3A_272, %get3A_273] {strides = array<i32>} : memref<80x128xi32, #tpu.memory_space<vmem>>, vector<16xi32>,
      %get3A_275 = arith.index_cast %scan3A_194 : i32 to index
      %get3A_276 = arith.constant 64 : index
      %get3A_277 = tpu.vector_load %arg9[%get3A_275, %get3A_276] {strides = array<i32>} : memref<80x128xi32, #tpu.memory_space<vmem>>, vector<16xi32>,
      %gather3A_278 = tpu.vector_load_idx %arg10[%get3A_274] : memref<10240xf32, #tpu.memory_space<vmem>>[vector<16xi32>], vector<16xf32>,
      %gather3A_279 = tpu.vector_load_idx %arg10[%get3A_277] : memref<10240xf32, #tpu.memory_space<vmem>>[vector<16xi32>], vector<16xf32>,
      %gather3A_280 = tpu.vector_load_idx %arg11[%get3A_277] : memref<10240xi32, #tpu.memory_space<vmem>>[vector<16xi32>], vector<16xi32>,
      %mul3A_281 = arith.mulf %gather3A_278, %gather3A_279 : vector<16xf32>
      %swap3A_282 = arith.index_cast %scan3A_194 : i32 to index
      %swap3A_283 = arith.constant 64 : index
      %swap3A_284 = tpu.vector_load %arg12[%swap3A_282, %swap3A_283] {strides = array<i32>} : memref<80x128xf32, #tpu.memory_space<vmem>>, vector<16xf32>,
      tpu.vector_store %arg12[%swap3A_282, %swap3A_283], %mul3A_281 {strides = array<i32>} : memref<80x128xf32, #tpu.memory_space<vmem>>, vector<16xf32>,
      %mul3A_285 = arith.constant 10240 : i32
      %mul3A_286 = vector.broadcast %mul3A_285 : i32 to vector<16xi32>
      %mul3A_287 = arith.muli %gather3A_280, %mul3A_286 : vector<16xi32>
      %add3A_288 = arith.addi %mul3A_287, %get3A_274 : vector<16xi32>
      %swap3A_289 = arith.index_cast %scan3A_194 : i32 to index
      %swap3A_290 = arith.constant 64 : index
      %swap3A_291 = tpu.vector_load %arg13[%swap3A_289, %swap3A_290] {strides = array<i32>} : memref<80x128xi32, #tpu.memory_space<vmem>>, vector<16xi32>,
      tpu.vector_store %arg13[%swap3A_289, %swap3A_290], %add3A_288 {strides = array<i32>} : memref<80x128xi32, #tpu.memory_space<vmem>>, vector<16xi32>,
      %get3A_292 = arith.index_cast %scan3A_194 : i32 to index
      %get3A_293 = arith.constant 80 : index
      %get3A_294 = tpu.vector_load %arg8[%get3A_292, %get3A_293] {strides = array<i32>} : memref<80x128xi32, #tpu.memory_space<vmem>>, vector<16xi32>,
      %get3A_295 = arith.index_cast %scan3A_194 : i32 to index
      %get3A_296 = arith.constant 80 : index
      %get3A_297 = tpu.vector_load %arg9[%get3A_295, %get3A_296] {strides = array<i32>} : memref<80x128xi32, #tpu.memory_space<vmem>>, vector<16xi32>,
      %gather3A_298 = tpu.vector_load_idx %arg10[%get3A_294] : memref<10240xf32, #tpu.memory_space<vmem>>[vector<16xi32>], vector<16xf32>,
      %gather3A_299 = tpu.vector_load_idx %arg10[%get3A_297] : memref<10240xf32, #tpu.memory_space<vmem>>[vector<16xi32>], vector<16xf32>,
      %gather3A_300 = tpu.vector_load_idx %arg11[%get3A_297] : memref<10240xi32, #tpu.memory_space<vmem>>[vector<16xi32>], vector<16xi32>,
      %mul3A_301 = arith.mulf %gather3A_298, %gather3A_299 : vector<16xf32>
      %swap3A_302 = arith.index_cast %scan3A_194 : i32 to index
      %swap3A_303 = arith.constant 80 : index
      %swap3A_304 = tpu.vector_load %arg12[%swap3A_302, %swap3A_303] {strides = array<i32>} : memref<80x128xf32, #tpu.memory_space<vmem>>, vector<16xf32>,
      tpu.vector_store %arg12[%swap3A_302, %swap3A_303], %mul3A_301 {strides = array<i32>} : memref<80x128xf32, #tpu.memory_space<vmem>>, vector<16xf32>,
      %mul3A_305 = arith.constant 10240 : i32
      %mul3A_306 = vector.broadcast %mul3A_305 : i32 to vector<16xi32>
      %mul3A_307 = arith.muli %gather3A_300, %mul3A_306 : vector<16xi32>
      %add3A_308 = arith.addi %mul3A_307, %get3A_294 : vector<16xi32>
      %swap3A_309 = arith.index_cast %scan3A_194 : i32 to index
      %swap3A_310 = arith.constant 80 : index
      %swap3A_311 = tpu.vector_load %arg13[%swap3A_309, %swap3A_310] {strides = array<i32>} : memref<80x128xi32, #tpu.memory_space<vmem>>, vector<16xi32>,
      tpu.vector_store %arg13[%swap3A_309, %swap3A_310], %add3A_308 {strides = array<i32>} : memref<80x128xi32, #tpu.memory_space<vmem>>, vector<16xi32>,
      %get3A_312 = arith.index_cast %scan3A_194 : i32 to index
      %get3A_313 = arith.constant 96 : index
      %get3A_314 = tpu.vector_load %arg8[%get3A_312, %get3A_313] {strides = array<i32>} : memref<80x128xi32, #tpu.memory_space<vmem>>, vector<16xi32>,
      %get3A_315 = arith.index_cast %scan3A_194 : i32 to index
      %get3A_316 = arith.constant 96 : index
      %get3A_317 = tpu.vector_load %arg9[%get3A_315, %get3A_316] {strides = array<i32>} : memref<80x128xi32, #tpu.memory_space<vmem>>, vector<16xi32>,
      %gather3A_318 = tpu.vector_load_idx %arg10[%get3A_314] : memref<10240xf32, #tpu.memory_space<vmem>>[vector<16xi32>], vector<16xf32>,
      %gather3A_319 = tpu.vector_load_idx %arg10[%get3A_317] : memref<10240xf32, #tpu.memory_space<vmem>>[vector<16xi32>], vector<16xf32>,
      %gather3A_320 = tpu.vector_load_idx %arg11[%get3A_317] : memref<10240xi32, #tpu.memory_space<vmem>>[vector<16xi32>], vector<16xi32>,
      %mul3A_321 = arith.mulf %gather3A_318, %gather3A_319 : vector<16xf32>
      %swap3A_322 = arith.index_cast %scan3A_194 : i32 to index
      %swap3A_323 = arith.constant 96 : index
      %swap3A_324 = tpu.vector_load %arg12[%swap3A_322, %swap3A_323] {strides = array<i32>} : memref<80x128xf32, #tpu.memory_space<vmem>>, vector<16xf32>,
      tpu.vector_store %arg12[%swap3A_322, %swap3A_323], %mul3A_321 {strides = array<i32>} : memref<80x128xf32, #tpu.memory_space<vmem>>, vector<16xf32>,
      %mul3A_325 = arith.constant 10240 : i32
      %mul3A_326 = vector.broadcast %mul3A_325 : i32 to vector<16xi32>
      %mul3A_327 = arith.muli %gather3A_320, %mul3A_326 : vector<16xi32>
      %add3A_328 = arith.addi %mul3A_327, %get3A_314 : vector<16xi32>
      %swap3A_329 = arith.index_cast %scan3A_194 : i32 to index
      %swap3A_330 = arith.constant 96 : index
      %swap3A_331 = tpu.vector_load %arg13[%swap3A_329, %swap3A_330] {strides = array<i32>} : memref<80x128xi32, #tpu.memory_space<vmem>>, vector<16xi32>,
      tpu.vector_store %arg13[%swap3A_329, %swap3A_330], %add3A_328 {strides = array<i32>} : memref<80x128xi32, #tpu.memory_space<vmem>>, vector<16xi32>,
      %get3A_332 = arith.index_cast %scan3A_194 : i32 to index
      %get3A_333 = arith.constant 112 : index
      %get3A_334 = tpu.vector_load %arg8[%get3A_332, %get3A_333] {strides = array<i32>} : memref<80x128xi32, #tpu.memory_space<vmem>>, vector<16xi32>,
      %get3A_335 = arith.index_cast %scan3A_194 : i32 to index
      %get3A_336 = arith.constant 112 : index
      %get3A_337 = tpu.vector_load %arg9[%get3A_335, %get3A_336] {strides = array<i32>} : memref<80x128xi32, #tpu.memory_space<vmem>>, vector<16xi32>,
      %gather3A_338 = tpu.vector_load_idx %arg10[%get3A_334] : memref<10240xf32, #tpu.memory_space<vmem>>[vector<16xi32>], vector<16xf32>,
      %gather3A_339 = tpu.vector_load_idx %arg10[%get3A_337] : memref<10240xf32, #tpu.memory_space<vmem>>[vector<16xi32>], vector<16xf32>,
      %gather3A_340 = tpu.vector_load_idx %arg11[%get3A_337] : memref<10240xi32, #tpu.memory_space<vmem>>[vector<16xi32>], vector<16xi32>,
      %mul3A_341 = arith.mulf %gather3A_338, %gather3A_339 : vector<16xf32>
      %swap3A_342 = arith.index_cast %scan3A_194 : i32 to index
      %swap3A_343 = arith.constant 112 : index
      %swap3A_344 = tpu.vector_load %arg12[%swap3A_342, %swap3A_343] {strides = array<i32>} : memref<80x128xf32, #tpu.memory_space<vmem>>, vector<16xf32>,
      tpu.vector_store %arg12[%swap3A_342, %swap3A_343], %mul3A_341 {strides = array<i32>} : memref<80x128xf32, #tpu.memory_space<vmem>>, vector<16xf32>,
      %mul3A_345 = arith.constant 10240 : i32
      %mul3A_346 = vector.broadcast %mul3A_345 : i32 to vector<16xi32>
      %mul3A_347 = arith.muli %gather3A_340, %mul3A_346 : vector<16xi32>
      %add3A_348 = arith.addi %mul3A_347, %get3A_334 : vector<16xi32>
      %swap3A_349 = arith.index_cast %scan3A_194 : i32 to index
      %swap3A_350 = arith.constant 112 : index
      %swap3A_351 = tpu.vector_load %arg13[%swap3A_349, %swap3A_350] {strides = array<i32>} : memref<80x128xi32, #tpu.memory_space<vmem>>, vector<16xi32>,
      tpu.vector_store %arg13[%swap3A_349, %swap3A_350], %add3A_348 {strides = array<i32>} : memref<80x128xi32, #tpu.memory_space<vmem>>, vector<16xi32>,
      %dma_start3A = arith.constant 0 : i32
      %dma_start3A_352 = tpu.memref_slice %arg12[%scan3A_194, %dma_start3A] : memref<80x128xf32, #tpu.memory_space<vmem>> -> memref<1x128xf32, #tpu.memory_space<vmem>>
      %dma_start3A_353 = tpu.memref_squeeze %dma_start3A_352 : memref<1x128xf32, #tpu.memory_space<vmem>> -> memref<128xf32, #tpu.memory_space<vmem>>
      %dma_start3A_354 = arith.constant 0 : i32
      %dma_start3A_355 = tpu.memref_slice %arg13[%scan3A_194, %dma_start3A_354] : memref<80x128xi32, #tpu.memory_space<vmem>> -> memref<1x128xi32, #tpu.memory_space<vmem>>
      %dma_start3A_356 = tpu.memref_squeeze %dma_start3A_355 : memref<1x128xi32, #tpu.memory_space<vmem>> -> memref<128xi32, #tpu.memory_space<vmem>>
      %dma_start3A_357 = arith.constant 0 : i32
      %dma_start3A_358 = tpu.memref_slice %arg14[%dma_start3A_357] : memref<655360xf32, #tpu.memory_space<vmem_shared>> -> memref<655360xf32, #tpu.memory_space<vmem_shared>>
      tpu.enqueue_indirect_dma source(%dma_start3A_353 : memref<128xf32, #tpu.memory_space<vmem>>) target(%dma_start3A_358 : memref<655360xf32, #tpu.memory_space<vmem_shared>>) offsets(%dma_start3A_356 : memref<128xi32, #tpu.memory_space<vmem>>) semaphore(%arg15 : memref<!tpu.dma_semaphore, #tpu.memory_space<semaphore_mem>>) {add = true}
    }
    %scan3A_7 = arith.constant 16 : i32
    %scan3A_8 = arith.constant 0 : i32
    %scan3A_9 = arith.constant 16 : i32
    %scan3A_10 = arith.constant 64 : i32
    %scan3A_11 = arith.addi %scan3A_9, %scan3A_10 : i32
    %scan3A_12 = arith.constant 1 : i32
    scf.for %scan3A_194 = %scan3A_9 to %scan3A_11 step %scan3A_12  : i32 {
      %get3A = arith.index_cast %scan3A_194 : i32 to index
      %get3A_195 = arith.constant 0 : index
      %get3A_196 = tpu.vector_load %arg8[%get3A, %get3A_195] {strides = array<i32>} : memref<80x128xi32, #tpu.memory_space<vmem>>, vector<16xi32>,
      %get3A_197 = arith.index_cast %scan3A_194 : i32 to index
      %get3A_198 = arith.constant 0 : index
      %get3A_199 = tpu.vector_load %arg9[%get3A_197, %get3A_198] {strides = array<i32>} : memref<80x128xi32, #tpu.memory_space<vmem>>, vector<16xi32>,
      %gather3A = tpu.vector_load_idx %arg10[%get3A_196] : memref<10240xf32, #tpu.memory_space<vmem>>[vector<16xi32>], vector<16xf32>,
      %gather3A_200 = tpu.vector_load_idx %arg10[%get3A_199] : memref<10240xf32, #tpu.memory_space<vmem>>[vector<16xi32>], vector<16xf32>,
      %gather3A_201 = tpu.vector_load_idx %arg11[%get3A_199] : memref<10240xi32, #tpu.memory_space<vmem>>[vector<16xi32>], vector<16xi32>,
      %mul3A_202 = arith.mulf %gather3A, %gather3A_200 : vector<16xf32>
      %swap3A = arith.index_cast %scan3A_194 : i32 to index
      %swap3A_203 = arith.constant 0 : index
      %swap3A_204 = tpu.vector_load %arg12[%swap3A, %swap3A_203] {strides = array<i32>} : memref<80x128xf32, #tpu.memory_space<vmem>>, vector<16xf32>,
      tpu.vector_store %arg12[%swap3A, %swap3A_203], %mul3A_202 {strides = array<i32>} : memref<80x128xf32, #tpu.memory_space<vmem>>, vector<16xf32>,
      %mul3A_205 = arith.constant 10240 : i32
      %mul3A_206 = vector.broadcast %mul3A_205 : i32 to vector<16xi32>
      %mul3A_207 = arith.muli %gather3A_201, %mul3A_206 : vector<16xi32>
      %add3A_208 = arith.addi %mul3A_207, %get3A_196 : vector<16xi32>
      %swap3A_209 = arith.index_cast %scan3A_194 : i32 to index
      %swap3A_210 = arith.constant 0 : index
      %swap3A_211 = tpu.vector_load %arg13[%swap3A_209, %swap3A_210] {strides = array<i32>} : memref<80x128xi32, #tpu.memory_space<vmem>>, vector<16xi32>,
      tpu.vector_store %arg13[%swap3A_209, %swap3A_210], %add3A_208 {strides = array<i32>} : memref<80x128xi32, #tpu.memory_space<vmem>>, vector<16xi32>,
      %get3A_212 = arith.index_cast %scan3A_194 : i32 to index
      %get3A_213 = arith.constant 16 : index
      %get3A_214 = tpu.vector_load %arg8[%get3A_212, %get3A_213] {strides = array<i32>} : memref<80x128xi32, #tpu.memory_space<vmem>>, vector<16xi32>,
      %get3A_215 = arith.index_cast %scan3A_194 : i32 to index
      %get3A_216 = arith.constant 16 : index
      %get3A_217 = tpu.vector_load %arg9[%get3A_215, %get3A_216] {strides = array<i32>} : memref<80x128xi32, #tpu.memory_space<vmem>>, vector<16xi32>,
      %gather3A_218 = tpu.vector_load_idx %arg10[%get3A_214] : memref<10240xf32, #tpu.memory_space<vmem>>[vector<16xi32>], vector<16xf32>,
      %gather3A_219 = tpu.vector_load_idx %arg10[%get3A_217] : memref<10240xf32, #tpu.memory_space<vmem>>[vector<16xi32>], vector<16xf32>,
      %gather3A_220 = tpu.vector_load_idx %arg11[%get3A_217] : memref<10240xi32, #tpu.memory_space<vmem>>[vector<16xi32>], vector<16xi32>,
      %mul3A_221 = arith.mulf %gather3A_218, %gather3A_219 : vector<16xf32>
      %swap3A_222 = arith.index_cast %scan3A_194 : i32 to index
      %swap3A_223 = arith.constant 16 : index
      %swap3A_224 = tpu.vector_load %arg12[%swap3A_222, %swap3A_223] {strides = array<i32>} : memref<80x128xf32, #tpu.memory_space<vmem>>, vector<16xf32>,
      tpu.vector_store %arg12[%swap3A_222, %swap3A_223], %mul3A_221 {strides = array<i32>} : memref<80x128xf32, #tpu.memory_space<vmem>>, vector<16xf32>,
      %mul3A_225 = arith.constant 10240 : i32
      %mul3A_226 = vector.broadcast %mul3A_225 : i32 to vector<16xi32>
      %mul3A_227 = arith.muli %gather3A_220, %mul3A_226 : vector<16xi32>
      %add3A_228 = arith.addi %mul3A_227, %get3A_214 : vector<16xi32>
      %swap3A_229 = arith.index_cast %scan3A_194 : i32 to index
      %swap3A_230 = arith.constant 16 : index
      %swap3A_231 = tpu.vector_load %arg13[%swap3A_229, %swap3A_230] {strides = array<i32>} : memref<80x128xi32, #tpu.memory_space<vmem>>, vector<16xi32>,
      tpu.vector_store %arg13[%swap3A_229, %swap3A_230], %add3A_228 {strides = array<i32>} : memref<80x128xi32, #tpu.memory_space<vmem>>, vector<16xi32>,
      %get3A_232 = arith.index_cast %scan3A_194 : i32 to index
      %get3A_233 = arith.constant 32 : index
      %get3A_234 = tpu.vector_load %arg8[%get3A_232, %get3A_233] {strides = array<i32>} : memref<80x128xi32, #tpu.memory_space<vmem>>, vector<16xi32>,
      %get3A_235 = arith.index_cast %scan3A_194 : i32 to index
      %get3A_236 = arith.constant 32 : index
      %get3A_237 = tpu.vector_load %arg9[%get3A_235, %get3A_236] {strides = array<i32>} : memref<80x128xi32, #tpu.memory_space<vmem>>, vector<16xi32>,
      %gather3A_238 = tpu.vector_load_idx %arg10[%get3A_234] : memref<10240xf32, #tpu.memory_space<vmem>>[vector<16xi32>], vector<16xf32>,
      %gather3A_239 = tpu.vector_load_idx %arg10[%get3A_237] : memref<10240xf32, #tpu.memory_space<vmem>>[vector<16xi32>], vector<16xf32>,
      %gather3A_240 = tpu.vector_load_idx %arg11[%get3A_237] : memref<10240xi32, #tpu.memory_space<vmem>>[vector<16xi32>], vector<16xi32>,
      %mul3A_241 = arith.mulf %gather3A_238, %gather3A_239 : vector<16xf32>
      %swap3A_242 = arith.index_cast %scan3A_194 : i32 to index
      %swap3A_243 = arith.constant 32 : index
      %swap3A_244 = tpu.vector_load %arg12[%swap3A_242, %swap3A_243] {strides = array<i32>} : memref<80x128xf32, #tpu.memory_space<vmem>>, vector<16xf32>,
      tpu.vector_store %arg12[%swap3A_242, %swap3A_243], %mul3A_241 {strides = array<i32>} : memref<80x128xf32, #tpu.memory_space<vmem>>, vector<16xf32>,
      %mul3A_245 = arith.constant 10240 : i32
      %mul3A_246 = vector.broadcast %mul3A_245 : i32 to vector<16xi32>
      %mul3A_247 = arith.muli %gather3A_240, %mul3A_246 : vector<16xi32>
      %add3A_248 = arith.addi %mul3A_247, %get3A_234 : vector<16xi32>
      %swap3A_249 = arith.index_cast %scan3A_194 : i32 to index
      %swap3A_250 = arith.constant 32 : index
      %swap3A_251 = tpu.vector_load %arg13[%swap3A_249, %swap3A_250] {strides = array<i32>} : memref<80x128xi32, #tpu.memory_space<vmem>>, vector<16xi32>,
      tpu.vector_store %arg13[%swap3A_249, %swap3A_250], %add3A_248 {strides = array<i32>} : memref<80x128xi32, #tpu.memory_space<vmem>>, vector<16xi32>,
      %get3A_252 = arith.index_cast %scan3A_194 : i32 to index
      %get3A_253 = arith.constant 48 : index
      %get3A_254 = tpu.vector_load %arg8[%get3A_252, %get3A_253] {strides = array<i32>} : memref<80x128xi32, #tpu.memory_space<vmem>>, vector<16xi32>,
      %get3A_255 = arith.index_cast %scan3A_194 : i32 to index
      %get3A_256 = arith.constant 48 : index
      %get3A_257 = tpu.vector_load %arg9[%get3A_255, %get3A_256] {strides = array<i32>} : memref<80x128xi32, #tpu.memory_space<vmem>>, vector<16xi32>,
      %gather3A_258 = tpu.vector_load_idx %arg10[%get3A_254] : memref<10240xf32, #tpu.memory_space<vmem>>[vector<16xi32>], vector<16xf32>,
      %gather3A_259 = tpu.vector_load_idx %arg10[%get3A_257] : memref<10240xf32, #tpu.memory_space<vmem>>[vector<16xi32>], vector<16xf32>,
      %gather3A_260 = tpu.vector_load_idx %arg11[%get3A_257] : memref<10240xi32, #tpu.memory_space<vmem>>[vector<16xi32>], vector<16xi32>,
      %mul3A_261 = arith.mulf %gather3A_258, %gather3A_259 : vector<16xf32>
      %swap3A_262 = arith.index_cast %scan3A_194 : i32 to index
      %swap3A_263 = arith.constant 48 : index
      %swap3A_264 = tpu.vector_load %arg12[%swap3A_262, %swap3A_263] {strides = array<i32>} : memref<80x128xf32, #tpu.memory_space<vmem>>, vector<16xf32>,
      tpu.vector_store %arg12[%swap3A_262, %swap3A_263], %mul3A_261 {strides = array<i32>} : memref<80x128xf32, #tpu.memory_space<vmem>>, vector<16xf32>,
      %mul3A_265 = arith.constant 10240 : i32
      %mul3A_266 = vector.broadcast %mul3A_265 : i32 to vector<16xi32>
      %mul3A_267 = arith.muli %gather3A_260, %mul3A_266 : vector<16xi32>
      %add3A_268 = arith.addi %mul3A_267, %get3A_254 : vector<16xi32>
      %swap3A_269 = arith.index_cast %scan3A_194 : i32 to index
      %swap3A_270 = arith.constant 48 : index
      %swap3A_271 = tpu.vector_load %arg13[%swap3A_269, %swap3A_270] {strides = array<i32>} : memref<80x128xi32, #tpu.memory_space<vmem>>, vector<16xi32>,
      tpu.vector_store %arg13[%swap3A_269, %swap3A_270], %add3A_268 {strides = array<i32>} : memref<80x128xi32, #tpu.memory_space<vmem>>, vector<16xi32>,
      %get3A_272 = arith.index_cast %scan3A_194 : i32 to index
      %get3A_273 = arith.constant 64 : index
      %get3A_274 = tpu.vector_load %arg8[%get3A_272, %get3A_273] {strides = array<i32>} : memref<80x128xi32, #tpu.memory_space<vmem>>, vector<16xi32>,
      %get3A_275 = arith.index_cast %scan3A_194 : i32 to index
      %get3A_276 = arith.constant 64 : index
      %get3A_277 = tpu.vector_load %arg9[%get3A_275, %get3A_276] {strides = array<i32>} : memref<80x128xi32, #tpu.memory_space<vmem>>, vector<16xi32>,
      %gather3A_278 = tpu.vector_load_idx %arg10[%get3A_274] : memref<10240xf32, #tpu.memory_space<vmem>>[vector<16xi32>], vector<16xf32>,
      %gather3A_279 = tpu.vector_load_idx %arg10[%get3A_277] : memref<10240xf32, #tpu.memory_space<vmem>>[vector<16xi32>], vector<16xf32>,
      %gather3A_280 = tpu.vector_load_idx %arg11[%get3A_277] : memref<10240xi32, #tpu.memory_space<vmem>>[vector<16xi32>], vector<16xi32>,
      %mul3A_281 = arith.mulf %gather3A_278, %gather3A_279 : vector<16xf32>
      %swap3A_282 = arith.index_cast %scan3A_194 : i32 to index
      %swap3A_283 = arith.constant 64 : index
      %swap3A_284 = tpu.vector_load %arg12[%swap3A_282, %swap3A_283] {strides = array<i32>} : memref<80x128xf32, #tpu.memory_space<vmem>>, vector<16xf32>,
      tpu.vector_store %arg12[%swap3A_282, %swap3A_283], %mul3A_281 {strides = array<i32>} : memref<80x128xf32, #tpu.memory_space<vmem>>, vector<16xf32>,
      %mul3A_285 = arith.constant 10240 : i32
      %mul3A_286 = vector.broadcast %mul3A_285 : i32 to vector<16xi32>
      %mul3A_287 = arith.muli %gather3A_280, %mul3A_286 : vector<16xi32>
      %add3A_288 = arith.addi %mul3A_287, %get3A_274 : vector<16xi32>
      %swap3A_289 = arith.index_cast %scan3A_194 : i32 to index
      %swap3A_290 = arith.constant 64 : index
      %swap3A_291 = tpu.vector_load %arg13[%swap3A_289, %swap3A_290] {strides = array<i32>} : memref<80x128xi32, #tpu.memory_space<vmem>>, vector<16xi32>,
      tpu.vector_store %arg13[%swap3A_289, %swap3A_290], %add3A_288 {strides = array<i32>} : memref<80x128xi32, #tpu.memory_space<vmem>>, vector<16xi32>,
      %get3A_292 = arith.index_cast %scan3A_194 : i32 to index
      %get3A_293 = arith.constant 80 : index
      %get3A_294 = tpu.vector_load %arg8[%get3A_292, %get3A_293] {strides = array<i32>} : memref<80x128xi32, #tpu.memory_space<vmem>>, vector<16xi32>,
      %get3A_295 = arith.index_cast %scan3A_194 : i32 to index
      %get3A_296 = arith.constant 80 : index
      %get3A_297 = tpu.vector_load %arg9[%get3A_295, %get3A_296] {strides = array<i32>} : memref<80x128xi32, #tpu.memory_space<vmem>>, vector<16xi32>,
      %gather3A_298 = tpu.vector_load_idx %arg10[%get3A_294] : memref<10240xf32, #tpu.memory_space<vmem>>[vector<16xi32>], vector<16xf32>,
      %gather3A_299 = tpu.vector_load_idx %arg10[%get3A_297] : memref<10240xf32, #tpu.memory_space<vmem>>[vector<16xi32>], vector<16xf32>,
      %gather3A_300 = tpu.vector_load_idx %arg11[%get3A_297] : memref<10240xi32, #tpu.memory_space<vmem>>[vector<16xi32>], vector<16xi32>,
      %mul3A_301 = arith.mulf %gather3A_298, %gather3A_299 : vector<16xf32>
      %swap3A_302 = arith.index_cast %scan3A_194 : i32 to index
      %swap3A_303 = arith.constant 80 : index
      %swap3A_304 = tpu.vector_load %arg12[%swap3A_302, %swap3A_303] {strides = array<i32>} : memref<80x128xf32, #tpu.memory_space<vmem>>, vector<16xf32>,
      tpu.vector_store %arg12[%swap3A_302, %swap3A_303], %mul3A_301 {strides = array<i32>} : memref<80x128xf32, #tpu.memory_space<vmem>>, vector<16xf32>,
      %mul3A_305 = arith.constant 10240 : i32
      %mul3A_306 = vector.broadcast %mul3A_305 : i32 to vector<16xi32>
      %mul3A_307 = arith.muli %gather3A_300, %mul3A_306 : vector<16xi32>
      %add3A_308 = arith.addi %mul3A_307, %get3A_294 : vector<16xi32>
      %swap3A_309 = arith.index_cast %scan3A_194 : i32 to index
      %swap3A_310 = arith.constant 80 : index
      %swap3A_311 = tpu.vector_load %arg13[%swap3A_309, %swap3A_310] {strides = array<i32>} : memref<80x128xi32, #tpu.memory_space<vmem>>, vector<16xi32>,
      tpu.vector_store %arg13[%swap3A_309, %swap3A_310], %add3A_308 {strides = array<i32>} : memref<80x128xi32, #tpu.memory_space<vmem>>, vector<16xi32>,
      %get3A_312 = arith.index_cast %scan3A_194 : i32 to index
      %get3A_313 = arith.constant 96 : index
      %get3A_314 = tpu.vector_load %arg8[%get3A_312, %get3A_313] {strides = array<i32>} : memref<80x128xi32, #tpu.memory_space<vmem>>, vector<16xi32>,
      %get3A_315 = arith.index_cast %scan3A_194 : i32 to index
      %get3A_316 = arith.constant 96 : index
      %get3A_317 = tpu.vector_load %arg9[%get3A_315, %get3A_316] {strides = array<i32>} : memref<80x128xi32, #tpu.memory_space<vmem>>, vector<16xi32>,
      %gather3A_318 = tpu.vector_load_idx %arg10[%get3A_314] : memref<10240xf32, #tpu.memory_space<vmem>>[vector<16xi32>], vector<16xf32>,
      %gather3A_319 = tpu.vector_load_idx %arg10[%get3A_317] : memref<10240xf32, #tpu.memory_space<vmem>>[vector<16xi32>], vector<16xf32>,
      %gather3A_320 = tpu.vector_load_idx %arg11[%get3A_317] : memref<10240xi32, #tpu.memory_space<vmem>>[vector<16xi32>], vector<16xi32>,
      %mul3A_321 = arith.mulf %gather3A_318, %gather3A_319 : vector<16xf32>
      %swap3A_322 = arith.index_cast %scan3A_194 : i32 to index
      %swap3A_323 = arith.constant 96 : index
      %swap3A_324 = tpu.vector_load %arg12[%swap3A_322, %swap3A_323] {strides = array<i32>} : memref<80x128xf32, #tpu.memory_space<vmem>>, vector<16xf32>,
      tpu.vector_store %arg12[%swap3A_322, %swap3A_323], %mul3A_321 {strides = array<i32>} : memref<80x128xf32, #tpu.memory_space<vmem>>, vector<16xf32>,
      %mul3A_325 = arith.constant 10240 : i32
      %mul3A_326 = vector.broadcast %mul3A_325 : i32 to vector<16xi32>
      %mul3A_327 = arith.muli %gather3A_320, %mul3A_326 : vector<16xi32>
      %add3A_328 = arith.addi %mul3A_327, %get3A_314 : vector<16xi32>
      %swap3A_329 = arith.index_cast %scan3A_194 : i32 to index
      %swap3A_330 = arith.constant 96 : index
      %swap3A_331 = tpu.vector_load %arg13[%swap3A_329, %swap3A_330] {strides = array<i32>} : memref<80x128xi32, #tpu.memory_space<vmem>>, vector<16xi32>,
      tpu.vector_store %arg13[%swap3A_329, %swap3A_330], %add3A_328 {strides = array<i32>} : memref<80x128xi32, #tpu.memory_space<vmem>>, vector<16xi32>,
      %get3A_332 = arith.index_cast %scan3A_194 : i32 to index
      %get3A_333 = arith.constant 112 : index
      %get3A_334 = tpu.vector_load %arg8[%get3A_332, %get3A_333] {strides = array<i32>} : memref<80x128xi32, #tpu.memory_space<vmem>>, vector<16xi32>,
      %get3A_335 = arith.index_cast %scan3A_194 : i32 to index
      %get3A_336 = arith.constant 112 : index
      %get3A_337 = tpu.vector_load %arg9[%get3A_335, %get3A_336] {strides = array<i32>} : memref<80x128xi32, #tpu.memory_space<vmem>>, vector<16xi32>,
      %gather3A_338 = tpu.vector_load_idx %arg10[%get3A_334] : memref<10240xf32, #tpu.memory_space<vmem>>[vector<16xi32>], vector<16xf32>,
      %gather3A_339 = tpu.vector_load_idx %arg10[%get3A_337] : memref<10240xf32, #tpu.memory_space<vmem>>[vector<16xi32>], vector<16xf32>,
      %gather3A_340 = tpu.vector_load_idx %arg11[%get3A_337] : memref<10240xi32, #tpu.memory_space<vmem>>[vector<16xi32>], vector<16xi32>,
      %mul3A_341 = arith.mulf %gather3A_338, %gather3A_339 : vector<16xf32>
      %swap3A_342 = arith.index_cast %scan3A_194 : i32 to index
      %swap3A_343 = arith.constant 112 : index
      %swap3A_344 = tpu.vector_load %arg12[%swap3A_342, %swap3A_343] {strides = array<i32>} : memref<80x128xf32, #tpu.memory_space<vmem>>, vector<16xf32>,
      tpu.vector_store %arg12[%swap3A_342, %swap3A_343], %mul3A_341 {strides = array<i32>} : memref<80x128xf32, #tpu.memory_space<vmem>>, vector<16xf32>,
      %mul3A_345 = arith.constant 10240 : i32
      %mul3A_346 = vector.broadcast %mul3A_345 : i32 to vector<16xi32>
      %mul3A_347 = arith.muli %gather3A_340, %mul3A_346 : vector<16xi32>
      %add3A_348 = arith.addi %mul3A_347, %get3A_334 : vector<16xi32>
      %swap3A_349 = arith.index_cast %scan3A_194 : i32 to index
      %swap3A_350 = arith.constant 112 : index
      %swap3A_351 = tpu.vector_load %arg13[%swap3A_349, %swap3A_350] {strides = array<i32>} : memref<80x128xi32, #tpu.memory_space<vmem>>, vector<16xi32>,
      tpu.vector_store %arg13[%swap3A_349, %swap3A_350], %add3A_348 {strides = array<i32>} : memref<80x128xi32, #tpu.memory_space<vmem>>, vector<16xi32>,
      %dma_start3A = arith.constant 0 : i32
      %dma_start3A_352 = tpu.memref_slice %arg12[%scan3A_194, %dma_start3A] : memref<80x128xf32, #tpu.memory_space<vmem>> -> memref<1x128xf32, #tpu.memory_space<vmem>>
      %dma_start3A_353 = tpu.memref_squeeze %dma_start3A_352 : memref<1x128xf32, #tpu.memory_space<vmem>> -> memref<128xf32, #tpu.memory_space<vmem>>
      %dma_start3A_354 = arith.constant 0 : i32
      %dma_start3A_355 = tpu.memref_slice %arg13[%scan3A_194, %dma_start3A_354] : memref<80x128xi32, #tpu.memory_space<vmem>> -> memref<1x128xi32, #tpu.memory_space<vmem>>
      %dma_start3A_356 = tpu.memref_squeeze %dma_start3A_355 : memref<1x128xi32, #tpu.memory_space<vmem>> -> memref<128xi32, #tpu.memory_space<vmem>>
      %dma_start3A_357 = arith.constant 0 : i32
      %dma_start3A_358 = tpu.memref_slice %arg14[%dma_start3A_357] : memref<655360xf32, #tpu.memory_space<vmem_shared>> -> memref<655360xf32, #tpu.memory_space<vmem_shared>>
      tpu.enqueue_indirect_dma source(%dma_start3A_353 : memref<128xf32, #tpu.memory_space<vmem>>) target(%dma_start3A_358 : memref<655360xf32, #tpu.memory_space<vmem_shared>>) offsets(%dma_start3A_356 : memref<128xi32, #tpu.memory_space<vmem>>) semaphore(%arg15 : memref<!tpu.dma_semaphore, #tpu.memory_space<semaphore_mem>>) {add = true}
      %dma_wait3A_359 = arith.constant 0 : i32
      %dma_wait3A_360 = arith.constant 0 : i32
      %dma_wait3A_361 = tpu.memref_slice %arg12[%dma_wait3A_359, %dma_wait3A_360] : memref<80x128xf32, #tpu.memory_space<vmem>> -> memref<1x128xf32, #tpu.memory_space<vmem>>
      %dma_wait3A_362 = tpu.memref_squeeze %dma_wait3A_361 : memref<1x128xf32, #tpu.memory_space<vmem>> -> memref<128xf32, #tpu.memory_space<vmem>>
      %dma_wait3A_363 = arith.constant 0 : i32
      %dma_wait3A_364 = tpu.memref_slice %arg4[%dma_wait3A_363] : memref<10240xf32, #tpu.memory_space<hbm>> -> memref<128xf32, #tpu.memory_space<hbm>>
      %dma_wait3A_365 = arith.constant 0 : i32
      %dma_wait3A_366 = tpu.memref_slice %arg12[%dma_wait3A_359, %dma_wait3A_365] : memref<80x128xf32, #tpu.memory_space<vmem>> -> memref<1x128xf32, #tpu.memory_space<vmem>>
      %dma_wait3A_367 = tpu.memref_squeeze %dma_wait3A_366 : memref<1x128xf32, #tpu.memory_space<vmem>> -> memref<128xf32, #tpu.memory_space<vmem>>
      %dma_wait3A_368 = arith.constant 0 : i32
      %dma_wait3A_369 = tpu.memref_slice %arg4[%dma_wait3A_368] : memref<10240xf32, #tpu.memory_space<hbm>> -> memref<128xf32, #tpu.memory_space<hbm>>
      tpu.wait_dma2 semaphore(%arg15 : memref<!tpu.dma_semaphore, #tpu.memory_space<semaphore_mem>>) src(%dma_wait3A_369 : memref<128xf32, #tpu.memory_space<hbm>>) dst(%dma_wait3A_367 : memref<128xf32, #tpu.memory_space<vmem>>)
    }
    %scan3A_13 = arith.constant 64 : i32
    %dma_wait3A = arith.constant 0 : i32
    %dma_wait3A_14 = arith.constant 0 : i32
    %dma_wait3A_15 = tpu.memref_slice %arg12[%dma_wait3A, %dma_wait3A_14] : memref<80x128xf32, #tpu.memory_space<vmem>> -> memref<1x128xf32, #tpu.memory_space<vmem>>
    %dma_wait3A_16 = tpu.memref_squeeze %dma_wait3A_15 : memref<1x128xf32, #tpu.memory_space<vmem>> -> memref<128xf32, #tpu.memory_space<vmem>>
    %dma_wait3A_17 = arith.constant 0 : i32
    %dma_wait3A_18 = tpu.memref_slice %arg4[%dma_wait3A_17] : memref<10240xf32, #tpu.memory_space<hbm>> -> memref<128xf32, #tpu.memory_space<hbm>>
    %dma_wait3A_19 = arith.constant 0 : i32
    %dma_wait3A_20 = tpu.memref_slice %arg12[%dma_wait3A, %dma_wait3A_19] : memref<80x128xf32, #tpu.memory_space<vmem>> -> memref<1x128xf32, #tpu.memory_space<vmem>>
    %dma_wait3A_21 = tpu.memref_squeeze %dma_wait3A_20 : memref<1x128xf32, #tpu.memory_space<vmem>> -> memref<128xf32, #tpu.memory_space<vmem>>
    %dma_wait3A_22 = arith.constant 0 : i32
    %dma_wait3A_23 = tpu.memref_slice %arg4[%dma_wait3A_22] : memref<10240xf32, #tpu.memory_space<hbm>> -> memref<128xf32, #tpu.memory_space<hbm>>
    tpu.wait_dma2 semaphore(%arg15 : memref<!tpu.dma_semaphore, #tpu.memory_space<semaphore_mem>>) src(%dma_wait3A_23 : memref<128xf32, #tpu.memory_space<hbm>>) dst(%dma_wait3A_21 : memref<128xf32, #tpu.memory_space<vmem>>)
    %dma_wait3A_24 = arith.constant 0 : i32
    %dma_wait3A_25 = arith.constant 0 : i32
    %dma_wait3A_26 = tpu.memref_slice %arg12[%dma_wait3A_24, %dma_wait3A_25] : memref<80x128xf32, #tpu.memory_space<vmem>> -> memref<1x128xf32, #tpu.memory_space<vmem>>
    %dma_wait3A_27 = tpu.memref_squeeze %dma_wait3A_26 : memref<1x128xf32, #tpu.memory_space<vmem>> -> memref<128xf32, #tpu.memory_space<vmem>>
    %dma_wait3A_28 = arith.constant 0 : i32
    %dma_wait3A_29 = tpu.memref_slice %arg4[%dma_wait3A_28] : memref<10240xf32, #tpu.memory_space<hbm>> -> memref<128xf32, #tpu.memory_space<hbm>>
    %dma_wait3A_30 = arith.constant 0 : i32
    %dma_wait3A_31 = tpu.memref_slice %arg12[%dma_wait3A_24, %dma_wait3A_30] : memref<80x128xf32, #tpu.memory_space<vmem>> -> memref<1x128xf32, #tpu.memory_space<vmem>>
    %dma_wait3A_32 = tpu.memref_squeeze %dma_wait3A_31 : memref<1x128xf32, #tpu.memory_space<vmem>> -> memref<128xf32, #tpu.memory_space<vmem>>
    %dma_wait3A_33 = arith.constant 0 : i32
    %dma_wait3A_34 = tpu.memref_slice %arg4[%dma_wait3A_33] : memref<10240xf32, #tpu.memory_space<hbm>> -> memref<128xf32, #tpu.memory_space<hbm>>
    tpu.wait_dma2 semaphore(%arg15 : memref<!tpu.dma_semaphore, #tpu.memory_space<semaphore_mem>>) src(%dma_wait3A_34 : memref<128xf32, #tpu.memory_space<hbm>>) dst(%dma_wait3A_32 : memref<128xf32, #tpu.memory_space<vmem>>)
    %dma_wait3A_35 = arith.constant 0 : i32
    %dma_wait3A_36 = arith.constant 0 : i32
    %dma_wait3A_37 = tpu.memref_slice %arg12[%dma_wait3A_35, %dma_wait3A_36] : memref<80x128xf32, #tpu.memory_space<vmem>> -> memref<1x128xf32, #tpu.memory_space<vmem>>
    %dma_wait3A_38 = tpu.memref_squeeze %dma_wait3A_37 : memref<1x128xf32, #tpu.memory_space<vmem>> -> memref<128xf32, #tpu.memory_space<vmem>>
    %dma_wait3A_39 = arith.constant 0 : i32
    %dma_wait3A_40 = tpu.memref_slice %arg4[%dma_wait3A_39] : memref<10240xf32, #tpu.memory_space<hbm>> -> memref<128xf32, #tpu.memory_space<hbm>>
    %dma_wait3A_41 = arith.constant 0 : i32
    %dma_wait3A_42 = tpu.memref_slice %arg12[%dma_wait3A_35, %dma_wait3A_41] : memref<80x128xf32, #tpu.memory_space<vmem>> -> memref<1x128xf32, #tpu.memory_space<vmem>>
    %dma_wait3A_43 = tpu.memref_squeeze %dma_wait3A_42 : memref<1x128xf32, #tpu.memory_space<vmem>> -> memref<128xf32, #tpu.memory_space<vmem>>
    %dma_wait3A_44 = arith.constant 0 : i32
    %dma_wait3A_45 = tpu.memref_slice %arg4[%dma_wait3A_44] : memref<10240xf32, #tpu.memory_space<hbm>> -> memref<128xf32, #tpu.memory_space<hbm>>
    tpu.wait_dma2 semaphore(%arg15 : memref<!tpu.dma_semaphore, #tpu.memory_space<semaphore_mem>>) src(%dma_wait3A_45 : memref<128xf32, #tpu.memory_space<hbm>>) dst(%dma_wait3A_43 : memref<128xf32, #tpu.memory_space<vmem>>)
    %dma_wait3A_46 = arith.constant 0 : i32
    %dma_wait3A_47 = arith.constant 0 : i32
    %dma_wait3A_48 = tpu.memref_slice %arg12[%dma_wait3A_46, %dma_wait3A_47] : memref<80x128xf32, #tpu.memory_space<vmem>> -> memref<1x128xf32, #tpu.memory_space<vmem>>
    %dma_wait3A_49 = tpu.memref_squeeze %dma_wait3A_48 : memref<1x128xf32, #tpu.memory_space<vmem>> -> memref<128xf32, #tpu.memory_space<vmem>>
    %dma_wait3A_50 = arith.constant 0 : i32
    %dma_wait3A_51 = tpu.memref_slice %arg4[%dma_wait3A_50] : memref<10240xf32, #tpu.memory_space<hbm>> -> memref<128xf32, #tpu.memory_space<hbm>>
    %dma_wait3A_52 = arith.constant 0 : i32
    %dma_wait3A_53 = tpu.memref_slice %arg12[%dma_wait3A_46, %dma_wait3A_52] : memref<80x128xf32, #tpu.memory_space<vmem>> -> memref<1x128xf32, #tpu.memory_space<vmem>>
    %dma_wait3A_54 = tpu.memref_squeeze %dma_wait3A_53 : memref<1x128xf32, #tpu.memory_space<vmem>> -> memref<128xf32, #tpu.memory_space<vmem>>
    %dma_wait3A_55 = arith.constant 0 : i32
    %dma_wait3A_56 = tpu.memref_slice %arg4[%dma_wait3A_55] : memref<10240xf32, #tpu.memory_space<hbm>> -> memref<128xf32, #tpu.memory_space<hbm>>
    tpu.wait_dma2 semaphore(%arg15 : memref<!tpu.dma_semaphore, #tpu.memory_space<semaphore_mem>>) src(%dma_wait3A_56 : memref<128xf32, #tpu.memory_space<hbm>>) dst(%dma_wait3A_54 : memref<128xf32, #tpu.memory_space<vmem>>)
    %dma_wait3A_57 = arith.constant 0 : i32
    %dma_wait3A_58 = arith.constant 0 : i32
    %dma_wait3A_59 = tpu.memref_slice %arg12[%dma_wait3A_57, %dma_wait3A_58] : memref<80x128xf32, #tpu.memory_space<vmem>> -> memref<1x128xf32, #tpu.memory_space<vmem>>
    %dma_wait3A_60 = tpu.memref_squeeze %dma_wait3A_59 : memref<1x128xf32, #tpu.memory_space<vmem>> -> memref<128xf32, #tpu.memory_space<vmem>>
    %dma_wait3A_61 = arith.constant 0 : i32
    %dma_wait3A_62 = tpu.memref_slice %arg4[%dma_wait3A_61] : memref<10240xf32, #tpu.memory_space<hbm>> -> memref<128xf32, #tpu.memory_space<hbm>>
    %dma_wait3A_63 = arith.constant 0 : i32
    %dma_wait3A_64 = tpu.memref_slice %arg12[%dma_wait3A_57, %dma_wait3A_63] : memref<80x128xf32, #tpu.memory_space<vmem>> -> memref<1x128xf32, #tpu.memory_space<vmem>>
    %dma_wait3A_65 = tpu.memref_squeeze %dma_wait3A_64 : memref<1x128xf32, #tpu.memory_space<vmem>> -> memref<128xf32, #tpu.memory_space<vmem>>
    %dma_wait3A_66 = arith.constant 0 : i32
    %dma_wait3A_67 = tpu.memref_slice %arg4[%dma_wait3A_66] : memref<10240xf32, #tpu.memory_space<hbm>> -> memref<128xf32, #tpu.memory_space<hbm>>
    tpu.wait_dma2 semaphore(%arg15 : memref<!tpu.dma_semaphore, #tpu.memory_space<semaphore_mem>>) src(%dma_wait3A_67 : memref<128xf32, #tpu.memory_space<hbm>>) dst(%dma_wait3A_65 : memref<128xf32, #tpu.memory_space<vmem>>)
    %dma_wait3A_68 = arith.constant 0 : i32
    %dma_wait3A_69 = arith.constant 0 : i32
    %dma_wait3A_70 = tpu.memref_slice %arg12[%dma_wait3A_68, %dma_wait3A_69] : memref<80x128xf32, #tpu.memory_space<vmem>> -> memref<1x128xf32, #tpu.memory_space<vmem>>
    %dma_wait3A_71 = tpu.memref_squeeze %dma_wait3A_70 : memref<1x128xf32, #tpu.memory_space<vmem>> -> memref<128xf32, #tpu.memory_space<vmem>>
    %dma_wait3A_72 = arith.constant 0 : i32
    %dma_wait3A_73 = tpu.memref_slice %arg4[%dma_wait3A_72] : memref<10240xf32, #tpu.memory_space<hbm>> -> memref<128xf32, #tpu.memory_space<hbm>>
    %dma_wait3A_74 = arith.constant 0 : i32
    %dma_wait3A_75 = tpu.memref_slice %arg12[%dma_wait3A_68, %dma_wait3A_74] : memref<80x128xf32, #tpu.memory_space<vmem>> -> memref<1x128xf32, #tpu.memory_space<vmem>>
    %dma_wait3A_76 = tpu.memref_squeeze %dma_wait3A_75 : memref<1x128xf32, #tpu.memory_space<vmem>> -> memref<128xf32, #tpu.memory_space<vmem>>
    %dma_wait3A_77 = arith.constant 0 : i32
    %dma_wait3A_78 = tpu.memref_slice %arg4[%dma_wait3A_77] : memref<10240xf32, #tpu.memory_space<hbm>> -> memref<128xf32, #tpu.memory_space<hbm>>
    tpu.wait_dma2 semaphore(%arg15 : memref<!tpu.dma_semaphore, #tpu.memory_space<semaphore_mem>>) src(%dma_wait3A_78 : memref<128xf32, #tpu.memory_space<hbm>>) dst(%dma_wait3A_76 : memref<128xf32, #tpu.memory_space<vmem>>)
    %dma_wait3A_79 = arith.constant 0 : i32
    %dma_wait3A_80 = arith.constant 0 : i32
    %dma_wait3A_81 = tpu.memref_slice %arg12[%dma_wait3A_79, %dma_wait3A_80] : memref<80x128xf32, #tpu.memory_space<vmem>> -> memref<1x128xf32, #tpu.memory_space<vmem>>
    %dma_wait3A_82 = tpu.memref_squeeze %dma_wait3A_81 : memref<1x128xf32, #tpu.memory_space<vmem>> -> memref<128xf32, #tpu.memory_space<vmem>>
    %dma_wait3A_83 = arith.constant 0 : i32
    %dma_wait3A_84 = tpu.memref_slice %arg4[%dma_wait3A_83] : memref<10240xf32, #tpu.memory_space<hbm>> -> memref<128xf32, #tpu.memory_space<hbm>>
    %dma_wait3A_85 = arith.constant 0 : i32
    %dma_wait3A_86 = tpu.memref_slice %arg12[%dma_wait3A_79, %dma_wait3A_85] : memref<80x128xf32, #tpu.memory_space<vmem>> -> memref<1x128xf32, #tpu.memory_space<vmem>>
    %dma_wait3A_87 = tpu.memref_squeeze %dma_wait3A_86 : memref<1x128xf32, #tpu.memory_space<vmem>> -> memref<128xf32, #tpu.memory_space<vmem>>
    %dma_wait3A_88 = arith.constant 0 : i32
    %dma_wait3A_89 = tpu.memref_slice %arg4[%dma_wait3A_88] : memref<10240xf32, #tpu.memory_space<hbm>> -> memref<128xf32, #tpu.memory_space<hbm>>
    tpu.wait_dma2 semaphore(%arg15 : memref<!tpu.dma_semaphore, #tpu.memory_space<semaphore_mem>>) src(%dma_wait3A_89 : memref<128xf32, #tpu.memory_space<hbm>>) dst(%dma_wait3A_87 : memref<128xf32, #tpu.memory_space<vmem>>)
    %dma_wait3A_90 = arith.constant 0 : i32
    %dma_wait3A_91 = arith.constant 0 : i32
    %dma_wait3A_92 = tpu.memref_slice %arg12[%dma_wait3A_90, %dma_wait3A_91] : memref<80x128xf32, #tpu.memory_space<vmem>> -> memref<1x128xf32, #tpu.memory_space<vmem>>
    %dma_wait3A_93 = tpu.memref_squeeze %dma_wait3A_92 : memref<1x128xf32, #tpu.memory_space<vmem>> -> memref<128xf32, #tpu.memory_space<vmem>>
    %dma_wait3A_94 = arith.constant 0 : i32
    %dma_wait3A_95 = tpu.memref_slice %arg4[%dma_wait3A_94] : memref<10240xf32, #tpu.memory_space<hbm>> -> memref<128xf32, #tpu.memory_space<hbm>>
    %dma_wait3A_96 = arith.constant 0 : i32
    %dma_wait3A_97 = tpu.memref_slice %arg12[%dma_wait3A_90, %dma_wait3A_96] : memref<80x128xf32, #tpu.memory_space<vmem>> -> memref<1x128xf32, #tpu.memory_space<vmem>>
    %dma_wait3A_98 = tpu.memref_squeeze %dma_wait3A_97 : memref<1x128xf32, #tpu.memory_space<vmem>> -> memref<128xf32, #tpu.memory_space<vmem>>
    %dma_wait3A_99 = arith.constant 0 : i32
    %dma_wait3A_100 = tpu.memref_slice %arg4[%dma_wait3A_99] : memref<10240xf32, #tpu.memory_space<hbm>> -> memref<128xf32, #tpu.memory_space<hbm>>
    tpu.wait_dma2 semaphore(%arg15 : memref<!tpu.dma_semaphore, #tpu.memory_space<semaphore_mem>>) src(%dma_wait3A_100 : memref<128xf32, #tpu.memory_space<hbm>>) dst(%dma_wait3A_98 : memref<128xf32, #tpu.memory_space<vmem>>)
    %dma_wait3A_101 = arith.constant 0 : i32
    %dma_wait3A_102 = arith.constant 0 : i32
    %dma_wait3A_103 = tpu.memref_slice %arg12[%dma_wait3A_101, %dma_wait3A_102] : memref<80x128xf32, #tpu.memory_space<vmem>> -> memref<1x128xf32, #tpu.memory_space<vmem>>
    %dma_wait3A_104 = tpu.memref_squeeze %dma_wait3A_103 : memref<1x128xf32, #tpu.memory_space<vmem>> -> memref<128xf32, #tpu.memory_space<vmem>>
    %dma_wait3A_105 = arith.constant 0 : i32
    %dma_wait3A_106 = tpu.memref_slice %arg4[%dma_wait3A_105] : memref<10240xf32, #tpu.memory_space<hbm>> -> memref<128xf32, #tpu.memory_space<hbm>>
    %dma_wait3A_107 = arith.constant 0 : i32
    %dma_wait3A_108 = tpu.memref_slice %arg12[%dma_wait3A_101, %dma_wait3A_107] : memref<80x128xf32, #tpu.memory_space<vmem>> -> memref<1x128xf32, #tpu.memory_space<vmem>>
    %dma_wait3A_109 = tpu.memref_squeeze %dma_wait3A_108 : memref<1x128xf32, #tpu.memory_space<vmem>> -> memref<128xf32, #tpu.memory_space<vmem>>
    %dma_wait3A_110 = arith.constant 0 : i32
    %dma_wait3A_111 = tpu.memref_slice %arg4[%dma_wait3A_110] : memref<10240xf32, #tpu.memory_space<hbm>> -> memref<128xf32, #tpu.memory_space<hbm>>
    tpu.wait_dma2 semaphore(%arg15 : memref<!tpu.dma_semaphore, #tpu.memory_space<semaphore_mem>>) src(%dma_wait3A_111 : memref<128xf32, #tpu.memory_space<hbm>>) dst(%dma_wait3A_109 : memref<128xf32, #tpu.memory_space<vmem>>)
    %dma_wait3A_112 = arith.constant 0 : i32
    %dma_wait3A_113 = arith.constant 0 : i32
    %dma_wait3A_114 = tpu.memref_slice %arg12[%dma_wait3A_112, %dma_wait3A_113] : memref<80x128xf32, #tpu.memory_space<vmem>> -> memref<1x128xf32, #tpu.memory_space<vmem>>
    %dma_wait3A_115 = tpu.memref_squeeze %dma_wait3A_114 : memref<1x128xf32, #tpu.memory_space<vmem>> -> memref<128xf32, #tpu.memory_space<vmem>>
    %dma_wait3A_116 = arith.constant 0 : i32
    %dma_wait3A_117 = tpu.memref_slice %arg4[%dma_wait3A_116] : memref<10240xf32, #tpu.memory_space<hbm>> -> memref<128xf32, #tpu.memory_space<hbm>>
    %dma_wait3A_118 = arith.constant 0 : i32
    %dma_wait3A_119 = tpu.memref_slice %arg12[%dma_wait3A_112, %dma_wait3A_118] : memref<80x128xf32, #tpu.memory_space<vmem>> -> memref<1x128xf32, #tpu.memory_space<vmem>>
    %dma_wait3A_120 = tpu.memref_squeeze %dma_wait3A_119 : memref<1x128xf32, #tpu.memory_space<vmem>> -> memref<128xf32, #tpu.memory_space<vmem>>
    %dma_wait3A_121 = arith.constant 0 : i32
    %dma_wait3A_122 = tpu.memref_slice %arg4[%dma_wait3A_121] : memref<10240xf32, #tpu.memory_space<hbm>> -> memref<128xf32, #tpu.memory_space<hbm>>
    tpu.wait_dma2 semaphore(%arg15 : memref<!tpu.dma_semaphore, #tpu.memory_space<semaphore_mem>>) src(%dma_wait3A_122 : memref<128xf32, #tpu.memory_space<hbm>>) dst(%dma_wait3A_120 : memref<128xf32, #tpu.memory_space<vmem>>)
    %dma_wait3A_123 = arith.constant 0 : i32
    %dma_wait3A_124 = arith.constant 0 : i32
    %dma_wait3A_125 = tpu.memref_slice %arg12[%dma_wait3A_123, %dma_wait3A_124] : memref<80x128xf32, #tpu.memory_space<vmem>> -> memref<1x128xf32, #tpu.memory_space<vmem>>
    %dma_wait3A_126 = tpu.memref_squeeze %dma_wait3A_125 : memref<1x128xf32, #tpu.memory_space<vmem>> -> memref<128xf32, #tpu.memory_space<vmem>>
    %dma_wait3A_127 = arith.constant 0 : i32
    %dma_wait3A_128 = tpu.memref_slice %arg4[%dma_wait3A_127] : memref<10240xf32, #tpu.memory_space<hbm>> -> memref<128xf32, #tpu.memory_space<hbm>>
    %dma_wait3A_129 = arith.constant 0 : i32
    %dma_wait3A_130 = tpu.memref_slice %arg12[%dma_wait3A_123, %dma_wait3A_129] : memref<80x128xf32, #tpu.memory_space<vmem>> -> memref<1x128xf32, #tpu.memory_space<vmem>>
    %dma_wait3A_131 = tpu.memref_squeeze %dma_wait3A_130 : memref<1x128xf32, #tpu.memory_space<vmem>> -> memref<128xf32, #tpu.memory_space<vmem>>
    %dma_wait3A_132 = arith.constant 0 : i32
    %dma_wait3A_133 = tpu.memref_slice %arg4[%dma_wait3A_132] : memref<10240xf32, #tpu.memory_space<hbm>> -> memref<128xf32, #tpu.memory_space<hbm>>
    tpu.wait_dma2 semaphore(%arg15 : memref<!tpu.dma_semaphore, #tpu.memory_space<semaphore_mem>>) src(%dma_wait3A_133 : memref<128xf32, #tpu.memory_space<hbm>>) dst(%dma_wait3A_131 : memref<128xf32, #tpu.memory_space<vmem>>)
    %dma_wait3A_134 = arith.constant 0 : i32
    %dma_wait3A_135 = arith.constant 0 : i32
    %dma_wait3A_136 = tpu.memref_slice %arg12[%dma_wait3A_134, %dma_wait3A_135] : memref<80x128xf32, #tpu.memory_space<vmem>> -> memref<1x128xf32, #tpu.memory_space<vmem>>
    %dma_wait3A_137 = tpu.memref_squeeze %dma_wait3A_136 : memref<1x128xf32, #tpu.memory_space<vmem>> -> memref<128xf32, #tpu.memory_space<vmem>>
    %dma_wait3A_138 = arith.constant 0 : i32
    %dma_wait3A_139 = tpu.memref_slice %arg4[%dma_wait3A_138] : memref<10240xf32, #tpu.memory_space<hbm>> -> memref<128xf32, #tpu.memory_space<hbm>>
    %dma_wait3A_140 = arith.constant 0 : i32
    %dma_wait3A_141 = tpu.memref_slice %arg12[%dma_wait3A_134, %dma_wait3A_140] : memref<80x128xf32, #tpu.memory_space<vmem>> -> memref<1x128xf32, #tpu.memory_space<vmem>>
    %dma_wait3A_142 = tpu.memref_squeeze %dma_wait3A_141 : memref<1x128xf32, #tpu.memory_space<vmem>> -> memref<128xf32, #tpu.memory_space<vmem>>
    %dma_wait3A_143 = arith.constant 0 : i32
    %dma_wait3A_144 = tpu.memref_slice %arg4[%dma_wait3A_143] : memref<10240xf32, #tpu.memory_space<hbm>> -> memref<128xf32, #tpu.memory_space<hbm>>
    tpu.wait_dma2 semaphore(%arg15 : memref<!tpu.dma_semaphore, #tpu.memory_space<semaphore_mem>>) src(%dma_wait3A_144 : memref<128xf32, #tpu.memory_space<hbm>>) dst(%dma_wait3A_142 : memref<128xf32, #tpu.memory_space<vmem>>)
    %dma_wait3A_145 = arith.constant 0 : i32
    %dma_wait3A_146 = arith.constant 0 : i32
    %dma_wait3A_147 = tpu.memref_slice %arg12[%dma_wait3A_145, %dma_wait3A_146] : memref<80x128xf32, #tpu.memory_space<vmem>> -> memref<1x128xf32, #tpu.memory_space<vmem>>
    %dma_wait3A_148 = tpu.memref_squeeze %dma_wait3A_147 : memref<1x128xf32, #tpu.memory_space<vmem>> -> memref<128xf32, #tpu.memory_space<vmem>>
    %dma_wait3A_149 = arith.constant 0 : i32
    %dma_wait3A_150 = tpu.memref_slice %arg4[%dma_wait3A_149] : memref<10240xf32, #tpu.memory_space<hbm>> -> memref<128xf32, #tpu.memory_space<hbm>>
    %dma_wait3A_151 = arith.constant 0 : i32
    %dma_wait3A_152 = tpu.memref_slice %arg12[%dma_wait3A_145, %dma_wait3A_151] : memref<80x128xf32, #tpu.memory_space<vmem>> -> memref<1x128xf32, #tpu.memory_space<vmem>>
    %dma_wait3A_153 = tpu.memref_squeeze %dma_wait3A_152 : memref<1x128xf32, #tpu.memory_space<vmem>> -> memref<128xf32, #tpu.memory_space<vmem>>
    %dma_wait3A_154 = arith.constant 0 : i32
    %dma_wait3A_155 = tpu.memref_slice %arg4[%dma_wait3A_154] : memref<10240xf32, #tpu.memory_space<hbm>> -> memref<128xf32, #tpu.memory_space<hbm>>
    tpu.wait_dma2 semaphore(%arg15 : memref<!tpu.dma_semaphore, #tpu.memory_space<semaphore_mem>>) src(%dma_wait3A_155 : memref<128xf32, #tpu.memory_space<hbm>>) dst(%dma_wait3A_153 : memref<128xf32, #tpu.memory_space<vmem>>)
    %dma_wait3A_156 = arith.constant 0 : i32
    %dma_wait3A_157 = arith.constant 0 : i32
    %dma_wait3A_158 = tpu.memref_slice %arg12[%dma_wait3A_156, %dma_wait3A_157] : memref<80x128xf32, #tpu.memory_space<vmem>> -> memref<1x128xf32, #tpu.memory_space<vmem>>
    %dma_wait3A_159 = tpu.memref_squeeze %dma_wait3A_158 : memref<1x128xf32, #tpu.memory_space<vmem>> -> memref<128xf32, #tpu.memory_space<vmem>>
    %dma_wait3A_160 = arith.constant 0 : i32
    %dma_wait3A_161 = tpu.memref_slice %arg4[%dma_wait3A_160] : memref<10240xf32, #tpu.memory_space<hbm>> -> memref<128xf32, #tpu.memory_space<hbm>>
    %dma_wait3A_162 = arith.constant 0 : i32
    %dma_wait3A_163 = tpu.memref_slice %arg12[%dma_wait3A_156, %dma_wait3A_162] : memref<80x128xf32, #tpu.memory_space<vmem>> -> memref<1x128xf32, #tpu.memory_space<vmem>>
    %dma_wait3A_164 = tpu.memref_squeeze %dma_wait3A_163 : memref<1x128xf32, #tpu.memory_space<vmem>> -> memref<128xf32, #tpu.memory_space<vmem>>
    %dma_wait3A_165 = arith.constant 0 : i32
    %dma_wait3A_166 = tpu.memref_slice %arg4[%dma_wait3A_165] : memref<10240xf32, #tpu.memory_space<hbm>> -> memref<128xf32, #tpu.memory_space<hbm>>
    tpu.wait_dma2 semaphore(%arg15 : memref<!tpu.dma_semaphore, #tpu.memory_space<semaphore_mem>>) src(%dma_wait3A_166 : memref<128xf32, #tpu.memory_space<hbm>>) dst(%dma_wait3A_164 : memref<128xf32, #tpu.memory_space<vmem>>)
    %dma_wait3A_167 = arith.constant 0 : i32
    %dma_wait3A_168 = arith.constant 0 : i32
    %dma_wait3A_169 = tpu.memref_slice %arg12[%dma_wait3A_167, %dma_wait3A_168] : memref<80x128xf32, #tpu.memory_space<vmem>> -> memref<1x128xf32, #tpu.memory_space<vmem>>
    %dma_wait3A_170 = tpu.memref_squeeze %dma_wait3A_169 : memref<1x128xf32, #tpu.memory_space<vmem>> -> memref<128xf32, #tpu.memory_space<vmem>>
    %dma_wait3A_171 = arith.constant 0 : i32
    %dma_wait3A_172 = tpu.memref_slice %arg4[%dma_wait3A_171] : memref<10240xf32, #tpu.memory_space<hbm>> -> memref<128xf32, #tpu.memory_space<hbm>>
    %dma_wait3A_173 = arith.constant 0 : i32
    %dma_wait3A_174 = tpu.memref_slice %arg12[%dma_wait3A_167, %dma_wait3A_173] : memref<80x128xf32, #tpu.memory_space<vmem>> -> memref<1x128xf32, #tpu.memory_space<vmem>>
    %dma_wait3A_175 = tpu.memref_squeeze %dma_wait3A_174 : memref<1x128xf32, #tpu.memory_space<vmem>> -> memref<128xf32, #tpu.memory_space<vmem>>
    %dma_wait3A_176 = arith.constant 0 : i32
    %dma_wait3A_177 = tpu.memref_slice %arg4[%dma_wait3A_176] : memref<10240xf32, #tpu.memory_space<hbm>> -> memref<128xf32, #tpu.memory_space<hbm>>
    tpu.wait_dma2 semaphore(%arg15 : memref<!tpu.dma_semaphore, #tpu.memory_space<semaphore_mem>>) src(%dma_wait3A_177 : memref<128xf32, #tpu.memory_space<hbm>>) dst(%dma_wait3A_175 : memref<128xf32, #tpu.memory_space<vmem>>)
    %dma_wait3A_178 = arith.constant 0 : i32
    %dma_wait3A_179 = arith.constant 0 : i32
    %dma_wait3A_180 = tpu.memref_slice %arg12[%dma_wait3A_178, %dma_wait3A_179] : memref<80x128xf32, #tpu.memory_space<vmem>> -> memref<1x128xf32, #tpu.memory_space<vmem>>
    %dma_wait3A_181 = tpu.memref_squeeze %dma_wait3A_180 : memref<1x128xf32, #tpu.memory_space<vmem>> -> memref<128xf32, #tpu.memory_space<vmem>>
    %dma_wait3A_182 = arith.constant 0 : i32
    %dma_wait3A_183 = tpu.memref_slice %arg4[%dma_wait3A_182] : memref<10240xf32, #tpu.memory_space<hbm>> -> memref<128xf32, #tpu.memory_space<hbm>>
    %dma_wait3A_184 = arith.constant 0 : i32
    %dma_wait3A_185 = tpu.memref_slice %arg12[%dma_wait3A_178, %dma_wait3A_184] : memref<80x128xf32, #tpu.memory_space<vmem>> -> memref<1x128xf32, #tpu.memory_space<vmem>>
    %dma_wait3A_186 = tpu.memref_squeeze %dma_wait3A_185 : memref<1x128xf32, #tpu.memory_space<vmem>> -> memref<128xf32, #tpu.memory_space<vmem>>
    %dma_wait3A_187 = arith.constant 0 : i32
    %dma_wait3A_188 = tpu.memref_slice %arg4[%dma_wait3A_187] : memref<10240xf32, #tpu.memory_space<hbm>> -> memref<128xf32, #tpu.memory_space<hbm>>
    tpu.wait_dma2 semaphore(%arg15 : memref<!tpu.dma_semaphore, #tpu.memory_space<semaphore_mem>>) src(%dma_wait3A_188 : memref<128xf32, #tpu.memory_space<hbm>>) dst(%dma_wait3A_186 : memref<128xf32, #tpu.memory_space<vmem>>)
    %barrier3A_189 = arith.constant 0 : index
    tpu.barrier barrier_id(%barrier3A_189)
    %mul3A_190 = arith.constant 40960 : i32
    %mul3A_191 = arith.muli %arg1, %mul3A_190 : i32
    %mul3A_192 = arith.constant 40960 : i32
    %mul3A_193 = arith.muli %arg1, %mul3A_192 : i32
    "tpu.region"() ({
      %run_scoped3A = tpu.sem_alloc : memref<!tpu.dma_semaphore, #tpu.memory_space<semaphore_mem>>
      %dma_start3A = tpu.memref_slice %arg7[%arg0, %mul3A_193] : memref<2x655360xf32, #tpu.memory_space<hbm>> -> memref<1x40960xf32, #tpu.memory_space<hbm>>
      %dma_start3A_194 = tpu.memref_squeeze %dma_start3A : memref<1x40960xf32, #tpu.memory_space<hbm>> -> memref<40960xf32, #tpu.memory_space<hbm>>
      %dma_start3A_195 = tpu.memref_slice %arg14[%mul3A_191] : memref<655360xf32, #tpu.memory_space<vmem_shared>> -> memref<40960xf32, #tpu.memory_space<vmem_shared>>
      tpu.enqueue_dma source(%dma_start3A_195 : memref<40960xf32, #tpu.memory_space<vmem_shared>>) target(%dma_start3A_194 : memref<40960xf32, #tpu.memory_space<hbm>>) target_semaphore(%run_scoped3A : memref<!tpu.dma_semaphore, #tpu.memory_space<semaphore_mem>>)
      %dma_wait3A_196 = tpu.memref_slice %arg7[%arg0, %mul3A_193] : memref<2x655360xf32, #tpu.memory_space<hbm>> -> memref<1x40960xf32, #tpu.memory_space<hbm>>
      %dma_wait3A_197 = tpu.memref_squeeze %dma_wait3A_196 : memref<1x40960xf32, #tpu.memory_space<hbm>> -> memref<40960xf32, #tpu.memory_space<hbm>>
      %dma_wait3A_198 = tpu.memref_slice %arg14[%mul3A_191] : memref<655360xf32, #tpu.memory_space<vmem_shared>> -> memref<40960xf32, #tpu.memory_space<vmem_shared>>
      tpu.wait_dma2 semaphore(%run_scoped3A : memref<!tpu.dma_semaphore, #tpu.memory_space<semaphore_mem>>) src(%dma_wait3A_198 : memref<40960xf32, #tpu.memory_space<vmem_shared>>) dst(%dma_wait3A_197 : memref<40960xf32, #tpu.memory_space<hbm>>)
      tpu.yield
    }) : () -> ()
    return
  }
}

module attributes {stable_mosaic.version = 14 : i64} {
  func.func @_tc_scale_body(%arg0: memref<10240x2xf32, #tpu.memory_space<vmem>>, %arg1: memref<10240x128xf32, #tpu.memory_space<vmem>>, %arg2: memref<10240x1xf32, #tpu.memory_space<vmem>>, %arg3: memref<10240x128xf32, #tpu.memory_space<vmem>>) attributes {dimension_semantics = [], scalar_prefetch = 0 : i64, scratch_operands = 0 : i64, tpu.core_type = #tpu.core_type<tc>} {
    %get3A = arith.constant 0 : index
    %get3A_0 = arith.constant 0 : index
    %get3A_1 = vector.load %arg0[%get3A, %get3A_0] : memref<10240x2xf32, #tpu.memory_space<vmem>>, vector<10240x1xf32>
    %get3A_2 = arith.constant 0 : index
    %get3A_3 = arith.constant 1 : index
    %get3A_4 = vector.load %arg0[%get3A_2, %get3A_3] : memref<10240x2xf32, #tpu.memory_space<vmem>>, vector<10240x1xf32>
    %add3A = arith.addf %get3A_1, %get3A_4 : vector<10240x1xf32>
    %add3A_5 = arith.constant 1.000000e+00 : f32
    %add3A_6 = vector.broadcast %add3A_5 : f32 to vector<10240x1xf32>
    %add3A_7 = arith.addf %add3A, %add3A_6 : vector<10240x1xf32>
    %iota3A = tpu.iota {dimensions = array<i32: 0>} : vector<10240x1xi32>
    %lt3A = arith.constant 10000 : i32
    %lt3A_8 = vector.broadcast %lt3A : i32 to vector<10240x1xi32>
    %lt3A_9 = arith.cmpi slt, %iota3A, %lt3A_8 : vector<10240x1xi32>
    %rsqrt3A = math.rsqrt %add3A_7 : vector<10240x1xf32>
    %jit3A = arith.constant 0.000000e+00 : f32
    %broadcast_in_dim3A = vector.broadcast %jit3A : f32 to vector<10240x1xf32>
    %select_n3A = arith.select %lt3A_9, %rsqrt3A, %broadcast_in_dim3A : vector<10240x1xi1>, vector<10240x1xf32>
    %swap3A = arith.constant 0 : index
    %swap3A_10 = arith.constant 0 : index
    %swap3A_11 = vector.load %arg2[%swap3A, %swap3A_10] : memref<10240x1xf32, #tpu.memory_space<vmem>>, vector<10240x1xf32>
    tpu.vector_store %arg2[%swap3A, %swap3A_10], %select_n3A {strides = array<i32>} : memref<10240x1xf32, #tpu.memory_space<vmem>>, vector<10240x1xf32>,
    %get3A_12 = arith.constant 0 : index
    %get3A_13 = arith.constant 0 : index
    %get3A_14 = vector.load %arg1[%get3A_12, %get3A_13] : memref<10240x128xf32, #tpu.memory_space<vmem>>, vector<10240x128xf32>
    %mul3A = vector.broadcast %select_n3A : vector<10240x1xf32> to vector<10240x128xf32>
    %mul3A_15 = arith.mulf %get3A_14, %mul3A : vector<10240x128xf32>
    %swap3A_16 = arith.constant 0 : index
    %swap3A_17 = arith.constant 0 : index
    %swap3A_18 = vector.load %arg3[%swap3A_16, %swap3A_17] : memref<10240x128xf32, #tpu.memory_space<vmem>>, vector<10240x128xf32>
    tpu.vector_store %arg3[%swap3A_16, %swap3A_17], %mul3A_15 {strides = array<i32>} : memref<10240x128xf32, #tpu.memory_space<vmem>>, vector<10240x128xf32>,
    return
  }
}

module attributes {stable_mosaic.version = 14 : i64} {
  func.func @_tc_final_body(%arg0: i32, %arg1: memref<2048x128xf32, #tpu.memory_space<vmem>>, %arg2: memref<2x2048x128xf32, #tpu.memory_space<vmem>>, %arg3: memref<2048x1xf32, #tpu.memory_space<vmem>>, %arg4: memref<1x2048xf32, #tpu.memory_space<vmem>>, %arg5: memref<1x2048xi32, #tpu.memory_space<vmem>>, %arg6: memref<2x64x2048xf32, #tpu.memory_space<vmem>>, %arg7: memref<128x256xf32, #tpu.memory_space<vmem>>, %arg8: memref<1x256xf32, #tpu.memory_space<vmem>>, %arg9: memref<256x256xf32, #tpu.memory_space<vmem>>, %arg10: memref<1x256xf32, #tpu.memory_space<vmem>>, %arg11: memref<256x10xf32, #tpu.memory_space<vmem>>, %arg12: memref<1x10xf32, #tpu.memory_space<vmem>>, %arg13: memref<64x10xf32, #tpu.memory_space<vmem>>, %arg14: memref<64x256xf32, #tpu.memory_space<vmem>>, %arg15: memref<64x1xf32, #tpu.memory_space<vmem>>) attributes {dimension_semantics = [#tpu.dimension_semantics<arbitrary>], iteration_bounds = array<i64: 5>, scalar_prefetch = 0 : i64, scratch_operands = 2 : i64, tpu.core_type = #tpu.core_type<tc>, window_params = [{transform_indices = @transform_0, window_bounds = array<i64: 2048, 128>}, {transform_indices = @transform_1, window_bounds = array<i64: 2, 2048, 128>}, {transform_indices = @transform_2, window_bounds = array<i64: 2048, 1>}, {transform_indices = @transform_3, window_bounds = array<i64: 1, 2048>}, {transform_indices = @transform_4, window_bounds = array<i64: 1, 2048>}, {transform_indices = @transform_5, window_bounds = array<i64: 2, 64, 2048>}, {pipeline_mode = #tpu.pipeline_mode<synchronous>, transform_indices = @transform_6, window_bounds = array<i64: 128, 256>}, {pipeline_mode = #tpu.pipeline_mode<synchronous>, transform_indices = @transform_7, window_bounds = array<i64: 1, 256>}, {pipeline_mode = #tpu.pipeline_mode<synchronous>, transform_indices = @transform_8, window_bounds = array<i64: 256, 256>}, {pipeline_mode = #tpu.pipeline_mode<synchronous>, transform_indices = @transform_9, window_bounds = array<i64: 1, 256>}, {pipeline_mode = #tpu.pipeline_mode<synchronous>, transform_indices = @transform_10, window_bounds = array<i64: 256, 10>}, {pipeline_mode = #tpu.pipeline_mode<synchronous>, transform_indices = @transform_11, window_bounds = array<i64: 1, 10>}, {pipeline_mode = #tpu.pipeline_mode<synchronous>, transform_indices = @transform_12, window_bounds = array<i64: 64, 10>}]} {
    %eq3A = arith.constant 0 : i32
    %eq3A_0 = arith.cmpi eq, %arg0, %eq3A : i32
    %convert_element_type3A = arith.extui %eq3A_0 : i1 to i32
    %cond3A = arith.constant 0 : i32
    %cond3A_1 = arith.cmpi ne, %convert_element_type3A, %cond3A : i32
    scf.if %cond3A_1 {
      %broadcast_in_dim3A_79 = arith.constant 0.000000e+00 : f32
      %broadcast_in_dim3A_80 = vector.broadcast %broadcast_in_dim3A_79 : f32 to vector<64x256xf32>
      %swap3A_81 = arith.constant 0 : index
      %swap3A_82 = arith.constant 0 : index
      %swap3A_83 = vector.load %arg14[%swap3A_81, %swap3A_82] : memref<64x256xf32, #tpu.memory_space<vmem>>, vector<64x256xf32>
      tpu.vector_store %arg14[%swap3A_81, %swap3A_82], %broadcast_in_dim3A_80 {strides = array<i32>} : memref<64x256xf32, #tpu.memory_space<vmem>>, vector<64x256xf32>,
      %broadcast_in_dim3A_84 = arith.constant 0.000000e+00 : f32
      %broadcast_in_dim3A_85 = vector.broadcast %broadcast_in_dim3A_84 : f32 to vector<64x1xf32>
      %swap3A_86 = arith.constant 0 : index
      %swap3A_87 = arith.constant 0 : index
      %swap3A_88 = vector.load %arg15[%swap3A_86, %swap3A_87] : memref<64x1xf32, #tpu.memory_space<vmem>>, vector<64x1xf32>
      tpu.vector_store %arg15[%swap3A_86, %swap3A_87], %broadcast_in_dim3A_85 {strides = array<i32>} : memref<64x1xf32, #tpu.memory_space<vmem>>, vector<64x1xf32>,
    } else {
    }
    %get3A = arith.constant 0 : index
    %get3A_2 = arith.constant 0 : index
    %get3A_3 = vector.load %arg3[%get3A, %get3A_2] : memref<2048x1xf32, #tpu.memory_space<vmem>>, vector<2048x1xf32>
    %get3A_4 = arith.constant 0 : index
    %get3A_5 = arith.constant 0 : index
    %get3A_6 = arith.constant 0 : index
    %get3A_7 = vector.load %arg2[%get3A_4, %get3A_5, %get3A_6] : memref<2x2048x128xf32, #tpu.memory_space<vmem>>, vector<1x2048x128xf32>
    %get3A_8 = vector.shape_cast %get3A_7 : vector<1x2048x128xf32> to vector<2048x128xf32>
    %get3A_9 = arith.constant 1 : index
    %get3A_10 = arith.constant 0 : index
    %get3A_11 = arith.constant 0 : index
    %get3A_12 = vector.load %arg2[%get3A_9, %get3A_10, %get3A_11] : memref<2x2048x128xf32, #tpu.memory_space<vmem>>, vector<1x2048x128xf32>
    %get3A_13 = vector.shape_cast %get3A_12 : vector<1x2048x128xf32> to vector<2048x128xf32>
    %add3A = arith.addf %get3A_8, %get3A_13 : vector<2048x128xf32>
    %mul3A = vector.broadcast %get3A_3 : vector<2048x1xf32> to vector<2048x128xf32>
    %mul3A_14 = arith.mulf %mul3A, %add3A : vector<2048x128xf32>
    %mul3A_15 = arith.mulf %get3A_3, %get3A_3 : vector<2048x1xf32>
    %get3A_16 = arith.constant 0 : index
    %get3A_17 = arith.constant 0 : index
    %get3A_18 = vector.load %arg1[%get3A_16, %get3A_17] : memref<2048x128xf32, #tpu.memory_space<vmem>>, vector<2048x128xf32>
    %mul3A_19 = vector.broadcast %mul3A_15 : vector<2048x1xf32> to vector<2048x128xf32>
    %mul3A_20 = arith.mulf %mul3A_19, %get3A_18 : vector<2048x128xf32>
    %add3A_21 = arith.addf %mul3A_14, %mul3A_20 : vector<2048x128xf32>
    %get3A_22 = arith.constant 0 : index
    %get3A_23 = arith.constant 0 : index
    %get3A_24 = vector.load %arg7[%get3A_22, %get3A_23] : memref<128x256xf32, #tpu.memory_space<vmem>>, vector<128x256xf32>
    %dot_general3A = arith.constant dense<0.000000e+00> : vector<2048x256xf32>
    %dot_general3A_25 = tpu.matmul %add3A_21, %get3A_24, %dot_general3A {dimension_numbers = #tpu.dot_dimension_numbers<[1], [0], [0], [1], [0, 0, 1, 1], [], []>, transpose_lhs_hint = false} : vector<2048x128xf32>, vector<128x256xf32>, vector<2048x256xf32> -> vector<2048x256xf32>
    %get3A_26 = arith.constant 0 : index
    %get3A_27 = arith.constant 0 : index
    %get3A_28 = vector.load %arg8[%get3A_26, %get3A_27] : memref<1x256xf32, #tpu.memory_space<vmem>>, vector<1x256xf32>
    %add3A_29 = vector.broadcast %get3A_28 : vector<1x256xf32> to vector<2048x256xf32>
    %add3A_30 = arith.addf %dot_general3A_25, %add3A_29 : vector<2048x256xf32>
    %max3A = arith.constant 0.000000e+00 : f32
    %max3A_31 = vector.broadcast %max3A : f32 to vector<2048x256xf32>
    %max3A_32 = arith.maximumf %add3A_30, %max3A_31 : vector<2048x256xf32>
    %get3A_33 = arith.constant 0 : index
    %get3A_34 = arith.constant 0 : index
    %get3A_35 = vector.load %arg5[%get3A_33, %get3A_34] : memref<1x2048xi32, #tpu.memory_space<vmem>>, vector<1x2048xi32>
    %iota3A = tpu.iota {dimensions = array<i32: 0>} : vector<64x2048xi32>
    %eq3A_36 = vector.broadcast %get3A_35 : vector<1x2048xi32> to vector<64x2048xi32>
    %eq3A_37 = arith.cmpi eq, %iota3A, %eq3A_36 : vector<64x2048xi32>
    %convert_element_type3A_38 = arith.extui %eq3A_37 : vector<64x2048xi1> to vector<64x2048xi32>
    %convert_element_type3A_39 = arith.sitofp %convert_element_type3A_38 : vector<64x2048xi32> to vector<64x2048xf32>
    %get3A_40 = arith.constant 0 : index
    %get3A_41 = arith.constant 0 : index
    %get3A_42 = vector.load %arg4[%get3A_40, %get3A_41] : memref<1x2048xf32, #tpu.memory_space<vmem>>, vector<1x2048xf32>
    %get3A_43 = arith.constant 0 : index
    %get3A_44 = arith.constant 0 : index
    %get3A_45 = arith.constant 0 : index
    %get3A_46 = vector.load %arg6[%get3A_43, %get3A_44, %get3A_45] : memref<2x64x2048xf32, #tpu.memory_space<vmem>>, vector<1x64x2048xf32>
    %get3A_47 = vector.shape_cast %get3A_46 : vector<1x64x2048xf32> to vector<64x2048xf32>
    %get3A_48 = arith.constant 1 : index
    %get3A_49 = arith.constant 0 : index
    %get3A_50 = arith.constant 0 : index
    %get3A_51 = vector.load %arg6[%get3A_48, %get3A_49, %get3A_50] : memref<2x64x2048xf32, #tpu.memory_space<vmem>>, vector<1x64x2048xf32>
    %get3A_52 = vector.shape_cast %get3A_51 : vector<1x64x2048xf32> to vector<64x2048xf32>
    %add3A_53 = arith.addf %get3A_47, %get3A_52 : vector<64x2048xf32>
    %mul3A_54 = arith.mulf %get3A_42, %get3A_42 : vector<1x2048xf32>
    %mul3A_55 = vector.broadcast %mul3A_54 : vector<1x2048xf32> to vector<64x2048xf32>
    %mul3A_56 = arith.mulf %convert_element_type3A_39, %mul3A_55 : vector<64x2048xf32>
    %add3A_57 = arith.addf %add3A_53, %mul3A_56 : vector<64x2048xf32>
    %get3A_58 = arith.constant 0 : index
    %get3A_59 = arith.constant 0 : index
    %get3A_60 = vector.load %arg14[%get3A_58, %get3A_59] : memref<64x256xf32, #tpu.memory_space<vmem>>, vector<64x256xf32>
    %dot_general3A_61 = arith.constant dense<0.000000e+00> : vector<64x256xf32>
    %dot_general3A_62 = tpu.matmul %add3A_57, %max3A_32, %dot_general3A_61 {dimension_numbers = #tpu.dot_dimension_numbers<[1], [0], [0], [1], [0, 0, 1, 1], [], []>, transpose_lhs_hint = false} : vector<64x2048xf32>, vector<2048x256xf32>, vector<64x256xf32> -> vector<64x256xf32>
    %add3A_63 = arith.addf %get3A_60, %dot_general3A_62 : vector<64x256xf32>
    %swap3A = arith.constant 0 : index
    %swap3A_64 = arith.constant 0 : index
    %swap3A_65 = vector.load %arg14[%swap3A, %swap3A_64] : memref<64x256xf32, #tpu.memory_space<vmem>>, vector<64x256xf32>
    tpu.vector_store %arg14[%swap3A, %swap3A_64], %add3A_63 {strides = array<i32>} : memref<64x256xf32, #tpu.memory_space<vmem>>, vector<64x256xf32>,
    %get3A_66 = arith.constant 0 : index
    %get3A_67 = arith.constant 0 : index
    %get3A_68 = vector.load %arg15[%get3A_66, %get3A_67] : memref<64x1xf32, #tpu.memory_space<vmem>>, vector<64x1xf32>
    %reduce_sum3A = arith.constant dense<0.000000e+00> : vector<64xf32>
    %reduce_sum3A_69 = vector.multi_reduction <add>, %convert_element_type3A_39, %reduce_sum3A [1] : vector<64x2048xf32> to vector<64xf32>
    %broadcast_in_dim3A = vector.shape_cast %reduce_sum3A_69 : vector<64xf32> to vector<64x1xf32>
    %add3A_70 = arith.addf %get3A_68, %broadcast_in_dim3A : vector<64x1xf32>
    %swap3A_71 = arith.constant 0 : index
    %swap3A_72 = arith.constant 0 : index
    %swap3A_73 = vector.load %arg15[%swap3A_71, %swap3A_72] : memref<64x1xf32, #tpu.memory_space<vmem>>, vector<64x1xf32>
    tpu.vector_store %arg15[%swap3A_71, %swap3A_72], %add3A_70 {strides = array<i32>} : memref<64x1xf32, #tpu.memory_space<vmem>>, vector<64x1xf32>,
    %eq3A_74 = arith.constant 4 : i32
    %eq3A_75 = arith.cmpi eq, %arg0, %eq3A_74 : i32
    %convert_element_type3A_76 = arith.extui %eq3A_75 : i1 to i32
    %cond3A_77 = arith.constant 0 : i32
    %cond3A_78 = arith.cmpi ne, %convert_element_type3A_76, %cond3A_77 : i32
    scf.if %cond3A_78 {
      %get3A_79 = arith.constant 0 : index
      %get3A_80 = arith.constant 0 : index
      %get3A_81 = vector.load %arg14[%get3A_79, %get3A_80] : memref<64x256xf32, #tpu.memory_space<vmem>>, vector<64x256xf32>
      %get3A_82 = arith.constant 0 : index
      %get3A_83 = arith.constant 0 : index
      %get3A_84 = vector.load %arg9[%get3A_82, %get3A_83] : memref<256x256xf32, #tpu.memory_space<vmem>>, vector<256x256xf32>
      %dot_general3A_85 = arith.constant dense<0.000000e+00> : vector<64x256xf32>
      %dot_general3A_86 = tpu.matmul %get3A_81, %get3A_84, %dot_general3A_85 {dimension_numbers = #tpu.dot_dimension_numbers<[1], [0], [0], [1], [0, 0, 1, 1], [], []>, transpose_lhs_hint = false} : vector<64x256xf32>, vector<256x256xf32>, vector<64x256xf32> -> vector<64x256xf32>
      %get3A_87 = arith.constant 0 : index
      %get3A_88 = arith.constant 0 : index
      %get3A_89 = vector.load %arg15[%get3A_87, %get3A_88] : memref<64x1xf32, #tpu.memory_space<vmem>>, vector<64x1xf32>
      %get3A_90 = arith.constant 0 : index
      %get3A_91 = arith.constant 0 : index
      %get3A_92 = vector.load %arg10[%get3A_90, %get3A_91] : memref<1x256xf32, #tpu.memory_space<vmem>>, vector<1x256xf32>
      %dot_general3A_93 = arith.constant dense<0.000000e+00> : vector<64x256xf32>
      %dot_general3A_94 = tpu.matmul %get3A_89, %get3A_92, %dot_general3A_93 {dimension_numbers = #tpu.dot_dimension_numbers<[1], [0], [0], [1], [0, 0, 1, 1], [], []>, transpose_lhs_hint = false} : vector<64x1xf32>, vector<1x256xf32>, vector<64x256xf32> -> vector<64x256xf32>
      %add3A_95 = arith.addf %dot_general3A_86, %dot_general3A_94 : vector<64x256xf32>
      %get3A_96 = arith.constant 0 : index
      %get3A_97 = arith.constant 0 : index
      %get3A_98 = vector.load %arg11[%get3A_96, %get3A_97] : memref<256x10xf32, #tpu.memory_space<vmem>>, vector<256x10xf32>
      %dot_general3A_99 = arith.constant dense<0.000000e+00> : vector<64x10xf32>
      %dot_general3A_100 = tpu.matmul %add3A_95, %get3A_98, %dot_general3A_99 {dimension_numbers = #tpu.dot_dimension_numbers<[1], [0], [0], [1], [0, 0, 1, 1], [], []>, transpose_lhs_hint = false} : vector<64x256xf32>, vector<256x10xf32>, vector<64x10xf32> -> vector<64x10xf32>
      %get3A_101 = arith.constant 0 : index
      %get3A_102 = arith.constant 0 : index
      %get3A_103 = vector.load %arg12[%get3A_101, %get3A_102] : memref<1x10xf32, #tpu.memory_space<vmem>>, vector<1x10xf32>
      %add3A_104 = vector.broadcast %get3A_103 : vector<1x10xf32> to vector<64x10xf32>
      %add3A_105 = arith.addf %dot_general3A_100, %add3A_104 : vector<64x10xf32>
      %swap3A_106 = arith.constant 0 : index
      %swap3A_107 = arith.constant 0 : index
      %swap3A_108 = vector.load %arg13[%swap3A_106, %swap3A_107] : memref<64x10xf32, #tpu.memory_space<vmem>>, vector<64x10xf32>
      tpu.vector_store %arg13[%swap3A_106, %swap3A_107], %add3A_105 {strides = array<i32>} : memref<64x10xf32, #tpu.memory_space<vmem>>, vector<64x10xf32>,
    } else {
    }
    return
  }
  func.func @transform_0(%arg0: i32) -> (i32, i32) {
    %c0_i32 = arith.constant 0 : i32
    %c0_i32_0 = arith.constant 0 : i32
    return %arg0, %c0_i32 : i32, i32
  }
  func.func @transform_1(%arg0: i32) -> (i32, i32, i32) {
    %c0_i32 = arith.constant 0 : i32
    %c0_i32_0 = arith.constant 0 : i32
    %c0_i32_1 = arith.constant 0 : i32
    return %c0_i32, %arg0, %c0_i32_0 : i32, i32, i32
  }
  func.func @transform_2(%arg0: i32) -> (i32, i32) {
    %c0_i32 = arith.constant 0 : i32
    %c0_i32_0 = arith.constant 0 : i32
    return %arg0, %c0_i32 : i32, i32
  }
  func.func @transform_3(%arg0: i32) -> (i32, i32) {
    %c0_i32 = arith.constant 0 : i32
    %c0_i32_0 = arith.constant 0 : i32
    return %c0_i32, %arg0 : i32, i32
  }
  func.func @transform_4(%arg0: i32) -> (i32, i32) {
    %c0_i32 = arith.constant 0 : i32
    %c0_i32_0 = arith.constant 0 : i32
    return %c0_i32, %arg0 : i32, i32
  }
  func.func @transform_5(%arg0: i32) -> (i32, i32, i32) {
    %c0_i32 = arith.constant 0 : i32
    %c0_i32_0 = arith.constant 0 : i32
    %c0_i32_1 = arith.constant 0 : i32
    return %c0_i32, %c0_i32_0, %arg0 : i32, i32, i32
  }
  func.func @transform_6(%arg0: i32) -> (i32, i32) {
    %c0_i32 = arith.constant 0 : i32
    %c0_i32_0 = arith.constant 0 : i32
    %c0_i32_1 = arith.constant 0 : i32
    return %c0_i32, %c0_i32_0 : i32, i32
  }
  func.func @transform_7(%arg0: i32) -> (i32, i32) {
    %c0_i32 = arith.constant 0 : i32
    %c0_i32_0 = arith.constant 0 : i32
    %c0_i32_1 = arith.constant 0 : i32
    return %c0_i32, %c0_i32_0 : i32, i32
  }
  func.func @transform_8(%arg0: i32) -> (i32, i32) {
    %c0_i32 = arith.constant 0 : i32
    %c0_i32_0 = arith.constant 0 : i32
    %c0_i32_1 = arith.constant 0 : i32
    return %c0_i32, %c0_i32_0 : i32, i32
  }
  func.func @transform_9(%arg0: i32) -> (i32, i32) {
    %c0_i32 = arith.constant 0 : i32
    %c0_i32_0 = arith.constant 0 : i32
    %c0_i32_1 = arith.constant 0 : i32
    return %c0_i32, %c0_i32_0 : i32, i32
  }
  func.func @transform_10(%arg0: i32) -> (i32, i32) {
    %c0_i32 = arith.constant 0 : i32
    %c0_i32_0 = arith.constant 0 : i32
    %c0_i32_1 = arith.constant 0 : i32
    return %c0_i32, %c0_i32_0 : i32, i32
  }
  func.func @transform_11(%arg0: i32) -> (i32, i32) {
    %c0_i32 = arith.constant 0 : i32
    %c0_i32_0 = arith.constant 0 : i32
    %c0_i32_1 = arith.constant 0 : i32
    return %c0_i32, %c0_i32_0 : i32, i32
  }
  func.func @transform_12(%arg0: i32) -> (i32, i32) {
    %c0_i32 = arith.constant 0 : i32
    %c0_i32_0 = arith.constant 0 : i32
    %c0_i32_1 = arith.constant 0 : i32
    return %c0_i32, %c0_i32_0 : i32, i32
  }
}

</mosaic_0001>

<sc_bundles>
// kernel: kernel.10.cloned.1.call-start
scs
__scs_entry_jumppad:
0x0: {  	(pc) =	sbr.rel $0x88, $3  }
0x1: {  	(tag) =	ssettag $0x0;
	lr =	simm.s32 $0x1  }
0x2: {  	[smem:$0x3F98] =	sst lr;
	_ =	strace $0xD0000000  }
0x3: {  	_ = 	snop  }
0x4: {  	_ = 	snop  }
0x5: {  	_ = 	snop  }
0x6: {  	_ = 	snop  }
0x7: {  	_ = 	snop  }
__scs_overlays_trampoline_lowered:
0x8: {  	[smem:$0x3FA7] =	sst s0  }
0x9: {  	[smem:$0x3FA8] =	sst s1  }
0xa: {  	[smem:$0x3FA9] =	sst s2  }
0xb: {  	[smem:$0x3FAA] =	sst s3  }
0xc: {  	[smem:$0x3FAB] =	sst s4  }
0xd: {  	[smem:$0x3FAC] =	sst s5  }
0xe: {  	[smem:$0x3FAD] =	sst s6  }
0xf: {  	[smem:$0x3FAE] =	sst s7  }
0x10: {  	[smem:$0x3FAF] =	sst s8  }
0x11: {  	[smem:$0x3FB0] =	sst s9;
	s0 =	simm.s32 @!p0 $0x0  }
0x12: {  	s1 =	sld [smem:$0x3F96];
	s0 =	simm.s32 @p0 $0x1  }
0x13: {  	[smem:$0x3FB1] =	sst s0;
	s0 =	simm.s32 @!p1 $0x0  }
0x14: {  	s2 =	sld [smem:$0x3F95];
	s0 =	simm.s32 @p1 $0x1  }
0x15: {  	[smem:$0x3FB2] =	sst s0;
	s0 =	simm.s32 @!p2 $0x0  }
0x16: {  	s3 =	sld [smem:$0x3FDB];
	s0 =	simm.s32 @p2 $0x1  }
0x17: {  	s4 =	simm.s32 $0x1BF5;
	[smem:$0x3FB4] =	sst s0  }
0x18: {  	s0 =	sld [smem:$0x3F97];
	_ =	swait.ge [sflag:s4], $0x0  }
0x19: {  	s7 =	sld [smem:$0x3F98]  }
0x1a: {  	s8 =	sadd.s32 $0xFFFFE003, lr  }
0x1b: {  	s9 =	sadd.s32 $0xFFFFFEF7, lr;
	s5 =	simm.s32 $0xFFFFFFFF;
	p2 =	slt.u32 s8, $0xFFFFF086  }
0x1c: {  	p1 =	slt.u32 s9, $0xF7A;
	s5 =	simm.s32 @!p2 $0x0  }
0x1d: {  	s5 =	simm.s32 @p1 $0x1;
	p0 =	seq.s32 s7, s2  }
0x1e: {  	s7 =	smul.u32 @!p0 $0xF7A, s2;
	p2 =	seq.s32 @!p0 s5, $0x0  }
0x1f: {  	s9 =	smul.u32 $0xF7A, s1;
	s8 =	simm.s32 @!p0 $0x1BF5;
	p2 =	por !p2, p0  }
0x20: {  	[sflag:s8] =	ssyncset.s32 @!p0 $0xFFFFF086;
	s6 =	sadd.s32 @!p0 s3, s7;
	s7 =	simm.s32 @!p0 $0x108  }
0x21: {  	s3 =	sadd.s32 s3, s9;
	s6 =	sadd.s32 @!p0 $0x88, s6;
	s7 =	simm.s32 @p2 $0x1082  }
0x22: {  	[simem:s7], [sflag:s8] =	dma.local @!p0 [hbm:s6], $0xF7A  }
0x23: {  	s9 =	sor.u32 $0xD0000000, s2;
	s6 =	simm.s32 $0x108;
	_ =	swait.ge @!p0 [sflag:s8], $0x0  }
0x24: {  	s3 =	sadd.s32 $0x88, s3;
	s6 =	simm.s32 @!p1 $0x1082;
	[sflag:s4] =	ssyncset.s32 $0xFFFFF086  }
0x25: {  	[simem:s6], [sflag:s4] =	dma.local [hbm:s3], $0xF7A  }
0x26: {  	[smem:$0x3F98] =	sst s1;
	(tag) =	ssettag s2;
	_ =	strace s9  }
0x27: {  	s1 =	sld [smem:$0x3FA8]  }
0x28: {  	s2 =	sld [smem:$0x3FA9]  }
0x29: {  	s4 =	sld [smem:$0x3FAB]  }
0x2a: {  	p0 =	seq.s32 s5, $0x0;
	s5 =	sld [smem:$0x3FAC]  }
0x2b: {  	s6 =	sld [smem:$0x3FAD]  }
0x2c: {  	s7 =	sld [smem:$0x3FAE]  }
0x2d: {  	s3 =	simm.s32 $0x108;
	s8 =	sld [smem:$0x3FAF]  }
0x2e: {  	s3 =	simm.s32 @!p0 $0x1082;
	s9 =	sld [smem:$0x3FB0]  }
0x2f: {  	lr =	sadd.s32 s0, s3;
	s0 =	sld [smem:$0x3FA7]  }
0x30: {  	s3 =	sld [smem:$0x3FAA]  }
0x31: {  	[smem:$0x3FB3] =	sst s10  }
0x32: {  	s10 =	sld [smem:$0x3FB1];
	_ =	sdelay $0x3  }
0x33: {  	p0 =	seq.s32 s10, $0x1;
	s10 =	sld [smem:$0x3FB3];
	_ =	sdelay $0x3  }
0x34: {  	[smem:$0x3FB3] =	sst s10  }
0x35: {  	s10 =	sld [smem:$0x3FB2];
	_ =	sdelay $0x3  }
0x36: {  	p1 =	seq.s32 s10, $0x1;
	s10 =	sld [smem:$0x3FB3];
	_ =	sdelay $0x3  }
0x37: {  	[smem:$0x3FB3] =	sst s10  }
0x38: {  	s10 =	sld [smem:$0x3FB4]  }
0x39: {  	_ = 	snop;
	(pc) =	sbr.ind lr, $3  }
0x3a: {  	_ = 	snop  }
0x3b: {  	_ = 	snop  }
0x3c: {  	p2 =	seq.s32 s10, $0x1;
	s10 =	sld [smem:$0x3FB3]  }
0x3d: {  	_ =	shalt  }
0x3e: {  	_ =	shalt  }
0x3f: {  	_ =	shalt  }
0x40: {  	_ =	shalt  }
0x41: {  	_ =	shalt  }
0x42: {  	_ =	shalt  }
0x43: {  	_ =	shalt  }
0x44: {  	_ =	shalt  }
0x45: {  	_ =	shalt  }
0x46: {  	_ =	shalt  }
0x47: {  	_ =	shalt  }
0x48: {  	_ =	shalt  }
0x49: {  	_ =	shalt  }
0x4a: {  	_ =	shalt  }
0x4b: {  	_ =	shalt  }
0x4c: {  	_ =	shalt  }
0x4d: {  	_ =	shalt  }
0x4e: {  	_ =	shalt  }
0x4f: {  	_ =	shalt  }
0x50: {  	_ =	shalt  }
0x51: {  	_ =	shalt  }
0x52: {  	_ =	shalt  }
0x53: {  	_ =	shalt  }
0x54: {  	_ =	shalt  }
0x55: {  	_ =	shalt  }
0x56: {  	_ =	shalt  }
0x57: {  	_ =	shalt  }
0x58: {  	_ =	shalt  }
0x59: {  	_ =	shalt  }
0x5a: {  	_ =	shalt  }
0x5b: {  	_ =	shalt  }
0x5c: {  	_ =	shalt  }
0x5d: {  	_ =	shalt  }
0x5e: {  	_ =	shalt  }
0x5f: {  	_ =	shalt  }
0x60: {  	_ =	shalt  }
0x61: {  	_ =	shalt  }
0x62: {  	_ =	shalt  }
0x63: {  	_ =	shalt  }
0x64: {  	_ =	shalt  }
0x65: {  	_ =	shalt  }
0x66: {  	_ =	shalt  }
0x67: {  	_ =	shalt  }
0x68: {  	_ =	shalt  }
0x69: {  	_ =	shalt  }
0x6a: {  	_ =	shalt  }
0x6b: {  	_ =	shalt  }
0x6c: {  	_ =	shalt  }
0x6d: {  	_ =	shalt  }
0x6e: {  	_ =	shalt  }
0x6f: {  	_ =	shalt  }
0x70: {  	_ =	shalt  }
0x71: {  	_ =	shalt  }
0x72: {  	_ =	shalt  }
0x73: {  	_ =	shalt  }
0x74: {  	_ =	shalt  }
0x75: {  	_ =	shalt  }
0x76: {  	_ =	shalt  }
0x77: {  	_ =	shalt  }
0x78: {  	_ =	shalt  }
0x79: {  	_ =	shalt  }
0x7a: {  	_ =	shalt  }
0x7b: {  	_ =	shalt  }
0x7c: {  	_ =	shalt  }
0x7d: {  	_ =	shalt  }
0x7e: {  	_ =	shalt  }
0x7f: {  	_ =	shalt  }
0x80: {  	_ =	shalt  }
0x81: {  	_ =	shalt  }
0x82: {  	_ =	shalt  }
0x83: {  	_ =	shalt  }
0x84: {  	_ =	shalt  }
0x85: {  	_ =	shalt  }
0x86: {  	_ =	shalt  }
0x87: {  	_ =	shalt  }
.Lfunc_end0:
.L_simem_size_0:
called_computation.1_lowered:
.L_overlay_start_0:
0x88: {  	s2 =	sld [smem:$0x3FD9]  }
0x89: {  	s3 =	sld [smem:$0x3FFE];
	_ =	sdelay $0x1  }
0x8a: {  	s1 =	srdreg.scid  }
0x8b: {  	s0 =	sand.u32 $0x1, s1  }
0x8c: {  	s17 =	sshll.u32 s0, $0xA;
	s2 =	sadd.s32 s3, s2  }
0x8d: {  	s2 =	sadd.s32 s2, s17  }
0x8e: {  	[smem:$0x3FBF] =	sst s2  }
0x8f: {  	_ = 	snop  }
0x90: {  	(tm) =	ssettm $0x1  }
0x91: {  	s18 =	sld [smem:$0x3FFB];
	_ =	sdelay $0x3  }
0x92: {  	_ =	strace s18  }
0x93: {  	s2 =	sld [smem:$0x3FFC];
	_ =	sdelay $0x3  }
0x94: {  	_ =	strace s2  }
0x95: {  	s2 =	sld [smem:$0x3FFD];
	_ =	sdelay $0x3  }
0x96: {  	_ =	strace s2  }
0x97: {  	_ =	strace $0x8FFFFFFF  }
0x98: {  	s19 =	sld [smem:$0x3FDB];
	_ =	sdelay $0x1  }
0x99: {  	s20 =	simm.s32 $_scs_section_size  }
0x9a: {  	s4 =	simm.s32 $_size__tile_overlayer_lowered;
	s5 =	simm.s32 $_tile_overlayer_lowered  }
0x9b: {  	s6 =	simm.s32 $0x1BFF;
	s21 =	sshll.u32 s5, $0x1;
	s3 =	sadd.s32 s20, s19  }
0x9c: {  	s22 =	simm.s32 $0x0;
	s4 =	sshll.u32 s4, $0x1;
	s5 =	sadd.s32 s21, s3  }
0x9d: {  	[timem:s22], [sflag:s6] =	dma.local [hbm:s5], s4  }
0x9e: {  	_ =	swait.ge [sflag:s6], s4  }
0x9f: {  	s4 =	ssub.s32 $0x0, s4;
	[sflag:s6] =	ssyncset.done $0x0  }
0xa0: {  	[sflag:s6] =	ssyncadd.s32 s4;
	_ =	sdelay $0x1  }
0xa1: {  	s23 =	simm.s32 $0x1B8B  }
0xa2: {  	_ =	swait.ge [sflag:s23], $0x1  }
0xa3: {  	[sflag:s23] =	ssyncset.done $0x0  }
0xa4: {  	[sflag:s23] =	ssyncadd.s32 $0xFFFFFFFF  }
0xa5: {  	s4 =	sld [smem:$0x0]  }
0xa6: {  	s5 =	sand.u32 $0xFFFFFFFE, s1  }
0xa7: {  	p0 =	sne.s32 s1, s5  }
0xa8: {  	s5 =	sshll.u32 @p0 s5, $0xE  }
0xa9: {  	s5 =	sadd.s32 @p0 $0x11B8D, s5;
	s6 =	sshll.u32 @p0 s4, $0x11  }
0xaa: {  	s5 =	sor.u32 @p0 s6, s5  }
0xab: {  	[sflag:s5] =	ssyncadd.remote.s32 @p0 $0x1;
	_ =	sdelay $0x1  }
0xac: {  	s5 =	simm.s32 @p0 $0x1B8D  }
0xad: {  	_ =	swait.eq @p0 [sflag:s5], $0x1  }
0xae: {  	[sflag:s5] =	ssyncadd.s32 @p0 $0xFFFFFFFF  }
0xaf: {  	s6 =	sshll.u32 @!p0 s1, $0xE  }
0xb0: {  	s6 =	sor.u32 @!p0 $0x4000, s6;
	s5 =	simm.s32 @!p0 $0x1B8D  }
0xb1: {  	s4 =	sshll.u32 @!p0 s4, $0x11;
	s6 =	sadd.s32 @!p0 $0x11B8D, s6;
	_ =	swait.eq @!p0 [sflag:s5], $0x1  }
0xb2: {  	s4 =	sor.u32 @!p0 s4, s6;
	[sflag:s5] =	ssyncadd.s32 @!p0 $0xFFFFFFFF  }
0xb3: {  	s25 =	simm.s32 $0x1B8E;
	s24 =	sld [smem:$0x3FFE];
	[sflag:s4] =	ssyncadd.remote.s32 @!p0 $0x1  }
0xb4: {  	s26 =	simm.s32 $execute0_lowered;
	[smem:$0x3FD2] =	sst s25  }
0xb5: {  	s5 =	sshll.u32 s26, $0x1;
	_ =	strace $0x8000004C;
	[dreg:$0x1] =	wrdreg $0xFFFFFFFF  }
0xb6: {  	s28 =	simm.s32 $_size_execute0_lowered;
	s3 =	sadd.s32 s3, s5;
	[dreg:$0x0] =	wrdreg $0x0  }
0xb7: {  	s5 =	sshll.u32 s28, $0x1;
	[dreg:$0x2] =	wrdreg s3  }
0xb8: {  	[dreg:$0x3] =	wrdreg s5  }
0xb9: {  	[dreg:$0x4] =	wrdreg $0xC0  }
0xba: {  	_ =	task [dreg:s22], $0x5FFFF  }
0xbb: {  	[dreg:$0x1] =	wrdreg $0xFFFFFFFF  }
0xbc: {  	[dreg:$0x0] =	wrdreg $0x60  }
0xbd: {  	[dreg:$0x2] =	wrdreg s24  }
0xbe: {  	[dreg:$0x3] =	wrdreg $0xA9000  }
0xbf: {  	[dreg:$0x4] =	wrdreg $0x9  }
0xc0: {  	_ =	task.clear_ibuf [dreg:s22], $0x5FFFF;
	_ =	strace $0x9000004C  }
0xc1: {  	s29 =	simm.s32 $0x9;
	_ =	strace $0x8000004E  }
0xc2: {  	_ =	swait.ge [sflag:s29], $0x1  }
0xc3: {  	[sflag:s29] =	ssyncadd.s32 $0xFFFFFFFF  }
0xc4: {  	_ =	strace $0x9000004E  }
0xc5: {  	_ =	sfence  }
0xc6: {  	s30 =	sld [smem:$0x0];
	_ =	sdelay $0x2  }
0xc7: {  	s31 =	sshll.u32 s1, $0xD;
	s1 =	sshrl.u32 s1, $0x2  }
0xc8: {  	s4 =	sand.u32 $0x4000, s31;
	s1 =	sadd.s32 s1, s30  }
0xc9: {  	s0 =	sor.u32 s4, s0;
	s1 =	sshll.u32 s1, $0x11  }
0xca: {  	s0 =	sor.u32 s1, s0  }
0xcb: {  	s0 =	sadd.s32 $0x8F2B, s0  }
0xcc: {  	[sflag:s0] =	ssyncadd.remote.s32 $0x1  }
0xcd: {  	_ =	sfence.sel $0xFFFF  }
0xce: {  	[dreg:$0x0] =	wrdreg $0xFFFFFFFF;
	(pc) =	sbr.abs _section_cstart, $3  }
0xcf: {  	[dreg:$0x1] =	wrdreg $0xFFFFFFFF  }
0xd0: {  	_ =	task.clear_ibuf [dreg:s22], $0x2FFFF;
	_ =	strace $0x9FFFFFFF  }
0xd1: {  	(tm) =	ssettm $0x7FFFFFFF  }
tec
execute0_lowered:
.L_overlay_start_1:
0x0: {  	(tag) =	ssettag $0x1  }
0x1: {  	s1 =	srdreg.scid;
	s8 =	rddreg [dreg:$0x0]  }
0x2: {  	s0 =	stileid.u32;
	s2 =	rddreg [dreg:$0x1]  }
0x3: {  	s17 =	simm.s32 $0x80;
	s18 =	simm.s32 $0x2900;
	s19 =	simm.s32 $0x6900  }
0x4: {  	s20 =	simm.s32 $0x2;
	s21 =	simm.s32 $0x4;
	s22 =	simm.s32 $0x1  }
0x5: {  	s23 =	simm.s32 $0x3;
	s24 =	simm.s32 $0x2800;
	s25 =	simm.s32 $0x2880  }
0x6: {  	s26 =	simm.s32 $0x0;
	s1 =	sand.u32 $0x1, s1;
	s3 =	sshll.u32 s0, $0x1  }
0x7: {  	s10 =	smul.u32 $0x14000, s0;
	s5 =	sadd.s32 $0x1E00, s8;
	s6 =	sadd.s32 $0x17000, s8  }
0x8: {  	s12 =	smul.u32 $0x50000, s0;
	s31 =	sshll.u32 s0, $0x6;
	s4 =	sor.u32 s1, s3  }
0x9: {  	s3 =	simm.s32 $0x0;
	s7 =	smul.u32 $0x140000, s1;
	s1 =	ssub.s32 $0x2, s1  }
0xa: {  	s15 =	sor.u32 $0x1C05, s31;
	s4 =	smul.u32 $0x2800, s4;
	[smem:$0x7FF] =	sst s3  }
0xb: {  	s13 =	sshrl.u32 s1, $0x1;
	s30 =	sshrl.u32 s12, $0x2;
	_ =	strace $0x8000004D  }
0xc: {  	s10 =	sadd.s32 s10, s7;
	s7 =	sadd.s32 $0x68400, s8;
	s1 =	ssub.s32 s1, s13  }
0xd: {  	s16 =	sadd.s32 s30, s2;
	s9 =	sshrl.u32 s4, $0x3;
	s10 =	sshrl.u32 s10, $0x3  }
0xe: {  	s12 =	smax.u32 s1, $0x1;
	s16 =	sshrl.u32 s16, $0x3;
	s11 =	sadd.s32 s9, s8  }
0xf: {  	s14 =	sadd.s32 s10, s8;
	s9 =	sadd.s32 s5, s9;
	s8 =	sadd.s32 $0xBE00, s11  }
0x10: {  	s10 =	sadd.s32 $0x10, s9;
	s11 =	sadd.s32 $0x6AC00, s14;
	s14 =	simm.s32 $0x5  }
.LBB2_1:
0x11: {  	s0 =	simm.s32 $0x100  }
0x12: {  	[tilespmem:s0], [sflag:$0x5] =	stream.linear.gather [hbm4b:s8+s3], $0x2800, $0x38;
	[tilespmem:$0x1E900] =	vst v63  }
0x13: {  	_ =	swait.ge [sflag:s14], $0x2800  }
0x14: {  	[sflag:s14] =	ssyncset.done $0x0  }
0x15: {  	[sflag:s14] =	ssyncadd.s32 $0xFFFFD800  }
0x16: {  	[spmem:s16], [sflag:s15] =	dma.local [hbm:s7], $0x2800  }
0x17: {  	_ =	swait.ge [sflag:s14], $0x2800  }
0x18: {  	[sflag:s14] =	ssyncset.done $0x0  }
0x19: {  	[sflag:s14] =	ssyncadd.s32 $0xFFFFD800  }
0x1a: {  	[bflag:$0x0] =	sbarrier.arrive $0xFFFF  }
0x1b: {  	[tilespmem:s3], [sflag:$0x5] =	stream.linear.gather [hbm4b:s9+s3], $0x80, $0x38;
	[tilespmem:$0x1E900] =	vst v63  }
0x1c: {  	_ =	swait.ge [sflag:s14], $0x80  }
0x1d: {  	[sflag:s14] =	ssyncset.done $0x0  }
0x1e: {  	[sflag:s14] =	ssyncadd.s32 $0xFFFFFF80  }
0x1f: {  	[tilespmem:s18], [sflag:$0x2] =	stream.indirect.gather [hbm4b:s6+s17], $0x80, s3, s17, $0xb8;
	[tilespmem:$0x1E900] =	vst v63  }
0x20: {  	_ = 	snop  }
0x21: {  	[tilespmem:s17], [sflag:$0x5] =	stream.linear.gather [hbm4b:s10+s3], $0x80, $0x38;
	[tilespmem:$0x1E900] =	vst v63  }
0x22: {  	s1 =	simm.s32 $0x100;
	_ =	swait.ge [sflag:s14], $0x80  }
0x23: {  	s28 =	sand.u32 $0x3C00, s1;
	[sflag:s14] =	ssyncset.done $0x0  }
0x24: {  	s1 =	sand.u32 $0x300, s1;
	s28 =	sadd.s32 s4, s28;
	[sflag:s14] =	ssyncadd.s32 $0xFFFFFF80  }
0x25: {  	[tilespmem:s19], [sflag:$0x3] =	stream.indirect.gather [hbm4b:s6+s17], $0x80, s17, s17, $0xb8;
	[tilespmem:$0x1E900] =	vst v63  }
0x26: {  	s1 =	sor.u32 s1, s28;
	_ =	swait.ge [sflag:s20], $0x4000  }
0x27: {  	s1 =	sshrl.u32 s1, $0x3;
	[sflag:s20] =	ssyncset.done $0x0  }
0x28: {  	s1 =	sadd.s32 s5, s1;
	[sflag:s20] =	ssyncadd.s32 $0xFFFFC000  }
0x29: {  	[tilespmem:s3], [sflag:$0x1] =	stream.linear.gather [hbm4b:s1+s3], $0x80, $0x38;
	[tilespmem:$0x1E900] =	vst v63  }
0x2a: {  	s0 =	simm.s32 $0x100  }
0x2b: {  	[spmem:s2] =	stream.indirect.scatter.add.f32 [tilespmem:s18], [sflag:$0x4], $0x80, s0, s17, $0xb8;
	[tilespmem:$0x1E900] =	vst v63  }
0x2c: {  	_ =	swait.ge [sflag:s21], $0x4000  }
0x2d: {  	[sflag:s21] =	ssyncset.done $0x0  }
0x2e: {  	[sflag:s21] =	ssyncadd.s32 $0xFFFFC000  }
0x2f: {  	s13 =	simm.s32 $0x180;
	_ =	swait.ge [sflag:s22], $0x80  }
0x30: {  	s28 =	sand.u32 $0x3C00, s13;
	[sflag:s22] =	ssyncset.done $0x0  }
0x31: {  	s29 =	sand.u32 $0x380, s13;
	s28 =	sadd.s32 s4, s28;
	[sflag:s22] =	ssyncadd.s32 $0xFFFFFF80  }
0x32: {  	[tilespmem:s18], [sflag:$0x2] =	stream.indirect.gather [hbm4b:s6+s17], $0x80, s3, s17, $0xb8;
	[tilespmem:$0x1E900] =	vst v63  }
0x33: {  	s28 =	sor.u32 s29, s28;
	_ =	swait.ge [sflag:s23], $0x4000  }
0x34: {  	s28 =	sshrl.u32 s28, $0x3;
	[sflag:s23] =	ssyncset.done $0x0  }
0x35: {  	s28 =	sadd.s32 s5, s28;
	[sflag:s23] =	ssyncadd.s32 $0xFFFFC000  }
0x36: {  	[tilespmem:s17], [sflag:$0x1] =	stream.linear.gather [hbm4b:s28+s3], $0x80, $0x38;
	[tilespmem:$0x1E900] =	vst v63  }
0x37: {  	_ = 	snop  }
0x38: {  	[spmem:s2] =	stream.indirect.scatter.add.f32 [tilespmem:s19], [sflag:$0x4], $0x80, s13, s17, $0xb8;
	[tilespmem:$0x1E900] =	vst v63  }
0x39: {  	s30 =	simm.s32 $0x380;
	s31 =	simm.s32 $0x200;
	_ =	swait.ge [sflag:s21], $0x4000  }
0x3a: {  	s29 =	simm.s32 $0x280;
	s28 =	simm.s32 $0x280;
	[sflag:s21] =	ssyncset.done $0x0  }
.LBB2_2:
0x3b: {  	s0 =	sand.u32 $0x3C00, s31  }
0x3c: {  	[sflag:s21] =	ssyncadd.s32 $0xFFFFC000;
	s13 =	smov.u32 s30;
	s1 =	sadd.s32 $0x100, s30  }
0x3d: {  	s31 =	sand.u32 $0x300, s31;
	s0 =	sadd.s32 s4, s0;
	_ =	swait.ge [sflag:s22], $0x80  }
0x3e: {  	p0 =	sne.s32 s30, $0x2780;
	s0 =	sor.u32 s31, s0;
	[sflag:s22] =	ssyncset.done $0x0  }
0x3f: {  	s0 =	sshrl.u32 s0, $0x3;
	[sflag:s22] =	ssyncadd.s32 $0xFFFFFF80  }
0x40: {  	[tilespmem:s19], [sflag:$0x3] =	stream.indirect.gather [hbm4b:s6+s17], $0x80, s17, s17, $0xb8;
	[tilespmem:$0x1E900] =	vst v63  }
0x41: {  	_ =	swait.ge [sflag:s20], $0x4000  }
0x42: {  	[sflag:s20] =	ssyncset.done $0x0  }
0x43: {  	s0 =	sadd.s32 s5, s0;
	[sflag:s20] =	ssyncadd.s32 $0xFFFFC000  }
0x44: {  	[tilespmem:s3], [sflag:$0x1] =	stream.linear.gather [hbm4b:s0+s3], $0x80, $0x38;
	[tilespmem:$0x1E900] =	vst v63  }
0x45: {  	s0 =	sadd.s32 $0xFFFFFF80, s28  }
0x46: {  	[spmem:s2] =	stream.indirect.scatter.add.f32 [tilespmem:s18], [sflag:$0x4], $0x80, s0, s17, $0xb8;
	[tilespmem:$0x1E900] =	vst v63  }
0x47: {  	_ =	swait.ge [sflag:s21], $0x4000  }
0x48: {  	[sflag:s21] =	ssyncset.done $0x0  }
0x49: {  	[sflag:s21] =	ssyncadd.s32 $0xFFFFC000  }
0x4a: {  	_ =	swait.ge [sflag:s22], $0x80  }
0x4b: {  	[sflag:s22] =	ssyncset.done $0x0  }
0x4c: {  	s0 =	sand.u32 $0x3C00, s29;
	[sflag:s22] =	ssyncadd.s32 $0xFFFFFF80  }
0x4d: {  	[tilespmem:s18], [sflag:$0x2] =	stream.indirect.gather [hbm4b:s6+s17], $0x80, s3, s17, $0xb8;
	[tilespmem:$0x1E900] =	vst v63  }
0x4e: {  	s30 =	sand.u32 $0x380, s29;
	s29 =	smov.u32 s13;
	s0 =	sadd.s32 s4, s0  }
0x4f: {  	s0 =	sor.u32 s30, s0;
	_ =	swait.ge [sflag:s23], $0x4000  }
0x50: {  	s0 =	sshrl.u32 s0, $0x3;
	[sflag:s23] =	ssyncset.done $0x0  }
0x51: {  	s0 =	sadd.s32 s5, s0;
	[sflag:s23] =	ssyncadd.s32 $0xFFFFC000  }
0x52: {  	[tilespmem:s17], [sflag:$0x1] =	stream.linear.gather [hbm4b:s0+s3], $0x80, $0x38;
	[tilespmem:$0x1E900] =	vst v63  }
.Ltmp0:
0x53: {  	_ = 	snop;
	(pc) =	sbr.rel @p0 .LBB2_2-.Ltmp0, $4  }
0x54: {  	_ = 	snop  }
0x55: {  	[spmem:s2] =	stream.indirect.scatter.add.f32 [tilespmem:s19], [sflag:$0x4], $0x80, s28, s17, $0xb8;
	[tilespmem:$0x1E900] =	vst v63  }
0x56: {  	s31 =	sadd.s32 $0xFFFFFF80, s29;
	_ =	swait.ge [sflag:s21], $0x4000  }
0x57: {  	s30 =	smov.u32 s1;
	s28 =	sadd.s32 $0x100, s28;
	[sflag:s21] =	ssyncset.done $0x0  }
0x58: {  	[sflag:s21] =	ssyncadd.s32 $0xFFFFC000  }
0x59: {  	_ =	swait.ge [sflag:s22], $0x80  }
0x5a: {  	s0 =	sand.u32 $0x3C00, s31;
	[sflag:s22] =	ssyncset.done $0x0  }
0x5b: {  	s1 =	sand.u32 $0x300, s31;
	s0 =	sadd.s32 s4, s0;
	[sflag:s22] =	ssyncadd.s32 $0xFFFFFF80  }
0x5c: {  	[tilespmem:s19], [sflag:$0x3] =	stream.indirect.gather [hbm4b:s6+s17], $0x80, s17, s17, $0xb8;
	[tilespmem:$0x1E900] =	vst v63  }
0x5d: {  	s0 =	sor.u32 s1, s0;
	_ =	swait.ge [sflag:s20], $0x4000  }
0x5e: {  	s0 =	sshrl.u32 s0, $0x3;
	[sflag:s20] =	ssyncset.done $0x0  }
0x5f: {  	s0 =	sadd.s32 s5, s0;
	[sflag:s20] =	ssyncadd.s32 $0xFFFFC000  }
0x60: {  	[tilespmem:s3], [sflag:$0x1] =	stream.linear.gather [hbm4b:s0+s3], $0x80, $0x38;
	[tilespmem:$0x1E900] =	vst v63  }
0x61: {  	s13 =	sadd.s32 $0xFFFFFF80, s28  }
0x62: {  	[spmem:s2] =	stream.indirect.scatter.add.f32 [tilespmem:s18], [sflag:$0x4], $0x80, s13, s17, $0xb8;
	[tilespmem:$0x1E900] =	vst v63  }
0x63: {  	_ =	swait.ge [sflag:s21], $0x4000  }
0x64: {  	[sflag:s21] =	ssyncset.done $0x0  }
0x65: {  	[sflag:s21] =	ssyncadd.s32 $0xFFFFC000  }
0x66: {  	_ =	swait.ge [sflag:s22], $0x80  }
0x67: {  	s30 =	sand.u32 $0x3C00, s29;
	[sflag:s22] =	ssyncset.done $0x0  }
0x68: {  	s31 =	sand.u32 $0x380, s29;
	s0 =	sadd.s32 s4, s30;
	[sflag:s22] =	ssyncadd.s32 $0xFFFFFF80  }
0x69: {  	[tilespmem:s18], [sflag:$0x2] =	stream.indirect.gather [hbm4b:s6+s17], $0x80, s3, s17, $0xb8;
	[tilespmem:$0x1E900] =	vst v63  }
0x6a: {  	s0 =	sor.u32 s31, s0;
	_ =	swait.ge [sflag:s23], $0x4000  }
0x6b: {  	s0 =	sshrl.u32 s0, $0x3;
	[sflag:s23] =	ssyncset.done $0x0  }
0x6c: {  	s0 =	sadd.s32 s5, s0;
	[sflag:s23] =	ssyncadd.s32 $0xFFFFC000  }
0x6d: {  	[tilespmem:s17], [sflag:$0x1] =	stream.linear.gather [hbm4b:s0+s3], $0x80, $0x38;
	[tilespmem:$0x1E900] =	vst v63  }
0x6e: {  	_ = 	snop  }
0x6f: {  	[spmem:s2] =	stream.indirect.scatter.add.f32 [tilespmem:s19], [sflag:$0x4], $0x80, s28, s17, $0xb8;
	[tilespmem:$0x1E900] =	vst v63  }
0x70: {  	_ =	swait.ge [sflag:s21], $0x4000  }
0x71: {  	[sflag:s21] =	ssyncset.done $0x0  }
0x72: {  	[sflag:s21] =	ssyncadd.s32 $0xFFFFC000  }
0x73: {  	_ =	swait.ge [sflag:s22], $0x80  }
0x74: {  	[sflag:s22] =	ssyncset.done $0x0  }
0x75: {  	[sflag:s22] =	ssyncadd.s32 $0xFFFFFF80  }
0x76: {  	[tilespmem:s19], [sflag:$0x3] =	stream.indirect.gather [hbm4b:s6+s17], $0x80, s17, s17, $0xb8;
	[tilespmem:$0x1E900] =	vst v63  }
0x77: {  	_ =	swait.ge [sflag:s20], $0x4000  }
0x78: {  	[sflag:s20] =	ssyncset.done $0x0  }
0x79: {  	[sflag:s20] =	ssyncadd.s32 $0xFFFFC000  }
0x7a: {  	[tilespmem:s3], [sflag:$0x1] =	stream.linear.gather [hbm4b:s9+s3], $0x80, $0x38;
	[tilespmem:$0x1E900] =	vst v63  }
0x7b: {  	_ = 	snop  }
0x7c: {  	[spmem:s2] =	stream.indirect.scatter.add.f32 [tilespmem:s18], [sflag:$0x4], $0x80, s24, s17, $0xb8;
	[tilespmem:$0x1E900] =	vst v63  }
0x7d: {  	_ =	swait.ge [sflag:s21], $0x4000  }
0x7e: {  	[sflag:s21] =	ssyncset.done $0x0  }
0x7f: {  	[sflag:s21] =	ssyncadd.s32 $0xFFFFC000  }
0x80: {  	_ =	swait.ge [sflag:s22], $0x80  }
0x81: {  	[sflag:s22] =	ssyncset.done $0x0  }
0x82: {  	[sflag:s22] =	ssyncadd.s32 $0xFFFFFF80  }
0x83: {  	[tilespmem:s18], [sflag:$0x2] =	stream.indirect.gather [hbm4b:s6+s17], $0x80, s3, s17, $0xb8;
	[tilespmem:$0x1E900] =	vst v63  }
0x84: {  	_ =	swait.ge [sflag:s23], $0x4000  }
0x85: {  	[sflag:s23] =	ssyncset.done $0x0  }
0x86: {  	[sflag:s23] =	ssyncadd.s32 $0xFFFFC000  }
0x87: {  	[tilespmem:s17], [sflag:$0x1] =	stream.linear.gather [hbm4b:s10+s3], $0x80, $0x38;
	[tilespmem:$0x1E900] =	vst v63  }
0x88: {  	_ = 	snop  }
0x89: {  	[spmem:s2] =	stream.indirect.scatter.add.f32 [tilespmem:s19], [sflag:$0x4], $0x80, s25, s17, $0xb8;
	[tilespmem:$0x1E900] =	vst v63  }
0x8a: {  	_ =	swait.ge [sflag:s21], $0x4000  }
0x8b: {  	[sflag:s21] =	ssyncset.done $0x0  }
0x8c: {  	[sflag:s21] =	ssyncadd.s32 $0xFFFFC000  }
0x8d: {  	_ =	swait.ge [sflag:s22], $0x80  }
0x8e: {  	[sflag:s22] =	ssyncset.done $0x0  }
0x8f: {  	[sflag:s22] =	ssyncadd.s32 $0xFFFFFF80  }
0x90: {  	[tilespmem:s19], [sflag:$0x3] =	stream.indirect.gather [hbm4b:s6+s17], $0x80, s17, s17, $0xb8;
	[tilespmem:$0x1E900] =	vst v63  }
0x91: {  	_ =	swait.ge [sflag:s20], $0x4000  }
0x92: {  	[sflag:s20] =	ssyncset.done $0x0  }
0x93: {  	[sflag:s20] =	ssyncadd.s32 $0xFFFFC000  }
0x94: {  	_ =	swait.ge [sflag:s23], $0x4000  }
0x95: {  	s26 =	sadd.s32 $0x1, s26;
	[sflag:s23] =	ssyncset.done $0x0  }
0x96: {  	p0 =	sne.s32 s26, s12;
	[sflag:s23] =	ssyncadd.s32 $0xFFFFC000  }
.Ltmp1:
0x97: {  	[bflag:$0x0] =	sbarrier.arrive $0xFFFF;
	(pc) =	sbr.rel @p0 .LBB2_1-.Ltmp1, $4  }
0x98: {  	[hbm:s11], [sflag:s15] =	dma.local [spmem:s16], $0x2800  }
0x99: {  	_ =	swait.ge [sflag:s14], $0x2800  }
0x9a: {  	[sflag:s14] =	ssyncset.done $0x0  }
0x9b: {  	[sflag:s14] =	ssyncadd.s32 $0xFFFFD800  }
0x9c: {  	_ =	sfence.sel $0x180000  }
0x9d: {  	[bflag:$0x0] =	sbarrier.arrive $0xFFFF  }
0x9e: {  	_ =	strace $0x9000004D  }
0x9f: {  	s0 =	stileid.u32;
	[bflag:$0x2] =	sbarrier.arrive $0xFFFF  }
0xa0: {  	p0 =	sne.s32 s0, $0x0;
	s0 =	rddreg [dreg:$0x2]  }
0xa1: {  	s0 =	sadd.s32 @!p0 $0x100000, s0  }
0xa2: {  	[sflag:s0] =	ssyncadd.tile.s32 @!p0 $0x1;
	_ =	shalt  }
.Lfunc_end2:
_tile_overlayer_lowered:
.L_overlay_start_2:
0xa3: {  	(tag) =	ssettag $0x2  }
0xa4: {  	s0 =	rddreg [dreg:$0x0];
	s2 =	stileid.u32  }
0xa5: {  	s1 =	rddreg [dreg:$0x1];
	p0 =	sne.s32 s2, $0x0  }
0xa6: {  	s3 =	rddreg [dreg:$0x2];
	[bflag:$0x3] =	sbarrier.arrive $0xFFFF;
	s2 =	simm.s32 @!p0 $0x1C05  }
0xa7: {  	[timem:s3], [sflag:s2] =	dma.local @!p0 [hbm:s0], s1  }
0xa8: {  	s0 =	simm.s32 @!p0 $0x5  }
0xa9: {  	_ =	swait.ge @!p0 [sflag:s0], s1  }
0xaa: {  	s1 =	ssub.s32 @!p0 $0x0, s1;
	[sflag:s0] =	ssyncset.done @!p0 $0x0  }
0xab: {  	[sflag:s0] =	ssyncadd.s32 @!p0 s1  }
0xac: {  	[bflag:$0x3] =	sbarrier.arrive $0xFFFF  }
0xad: {  	_ =	shalt  }

// kernel: kernel.13.cloned.1.call-start
scs
__scs_entry_jumppad:
0x0: {  	(pc) =	sbr.rel $0x88, $3  }
0x1: {  	(tag) =	ssettag $0x0;
	lr =	simm.s32 $0x1  }
0x2: {  	[smem:$0x3F98] =	sst lr;
	_ =	strace $0xD0000000  }
0x3: {  	_ = 	snop  }
0x4: {  	_ = 	snop  }
0x5: {  	_ = 	snop  }
0x6: {  	_ = 	snop  }
0x7: {  	_ = 	snop  }
__scs_overlays_trampoline_lowered:
0x8: {  	[smem:$0x3FA7] =	sst s0  }
0x9: {  	[smem:$0x3FA8] =	sst s1  }
0xa: {  	[smem:$0x3FA9] =	sst s2  }
0xb: {  	[smem:$0x3FAA] =	sst s3  }
0xc: {  	[smem:$0x3FAB] =	sst s4  }
0xd: {  	[smem:$0x3FAC] =	sst s5  }
0xe: {  	[smem:$0x3FAD] =	sst s6  }
0xf: {  	[smem:$0x3FAE] =	sst s7  }
0x10: {  	[smem:$0x3FAF] =	sst s8  }
0x11: {  	[smem:$0x3FB0] =	sst s9;
	s0 =	simm.s32 @!p0 $0x0  }
0x12: {  	s1 =	sld [smem:$0x3F96];
	s0 =	simm.s32 @p0 $0x1  }
0x13: {  	[smem:$0x3FB1] =	sst s0;
	s0 =	simm.s32 @!p1 $0x0  }
0x14: {  	s2 =	sld [smem:$0x3F95];
	s0 =	simm.s32 @p1 $0x1  }
0x15: {  	[smem:$0x3FB2] =	sst s0;
	s0 =	simm.s32 @!p2 $0x0  }
0x16: {  	s3 =	sld [smem:$0x3FDB];
	s0 =	simm.s32 @p2 $0x1  }
0x17: {  	s4 =	simm.s32 $0x1BF5;
	[smem:$0x3FB4] =	sst s0  }
0x18: {  	s0 =	sld [smem:$0x3F97];
	_ =	swait.ge [sflag:s4], $0x0  }
0x19: {  	s7 =	sld [smem:$0x3F98]  }
0x1a: {  	s8 =	sadd.s32 $0xFFFFE003, lr  }
0x1b: {  	s9 =	sadd.s32 $0xFFFFFEF7, lr;
	s5 =	simm.s32 $0xFFFFFFFF;
	p2 =	slt.u32 s8, $0xFFFFF086  }
0x1c: {  	p1 =	slt.u32 s9, $0xF7A;
	s5 =	simm.s32 @!p2 $0x0  }
0x1d: {  	s5 =	simm.s32 @p1 $0x1;
	p0 =	seq.s32 s7, s2  }
0x1e: {  	s7 =	smul.u32 @!p0 $0xF7A, s2;
	p2 =	seq.s32 @!p0 s5, $0x0  }
0x1f: {  	s9 =	smul.u32 $0xF7A, s1;
	s8 =	simm.s32 @!p0 $0x1BF5;
	p2 =	por !p2, p0  }
0x20: {  	[sflag:s8] =	ssyncset.s32 @!p0 $0xFFFFF086;
	s6 =	sadd.s32 @!p0 s3, s7;
	s7 =	simm.s32 @!p0 $0x108  }
0x21: {  	s3 =	sadd.s32 s3, s9;
	s6 =	sadd.s32 @!p0 $0x88, s6;
	s7 =	simm.s32 @p2 $0x1082  }
0x22: {  	[simem:s7], [sflag:s8] =	dma.local @!p0 [hbm:s6], $0xF7A  }
0x23: {  	s9 =	sor.u32 $0xD0000000, s2;
	s6 =	simm.s32 $0x108;
	_ =	swait.ge @!p0 [sflag:s8], $0x0  }
0x24: {  	s3 =	sadd.s32 $0x88, s3;
	s6 =	simm.s32 @!p1 $0x1082;
	[sflag:s4] =	ssyncset.s32 $0xFFFFF086  }
0x25: {  	[simem:s6], [sflag:s4] =	dma.local [hbm:s3], $0xF7A  }
0x26: {  	[smem:$0x3F98] =	sst s1;
	(tag) =	ssettag s2;
	_ =	strace s9  }
0x27: {  	s1 =	sld [smem:$0x3FA8]  }
0x28: {  	s2 =	sld [smem:$0x3FA9]  }
0x29: {  	s4 =	sld [smem:$0x3FAB]  }
0x2a: {  	p0 =	seq.s32 s5, $0x0;
	s5 =	sld [smem:$0x3FAC]  }
0x2b: {  	s6 =	sld [smem:$0x3FAD]  }
0x2c: {  	s7 =	sld [smem:$0x3FAE]  }
0x2d: {  	s3 =	simm.s32 $0x108;
	s8 =	sld [smem:$0x3FAF]  }
0x2e: {  	s3 =	simm.s32 @!p0 $0x1082;
	s9 =	sld [smem:$0x3FB0]  }
0x2f: {  	lr =	sadd.s32 s0, s3;
	s0 =	sld [smem:$0x3FA7]  }
0x30: {  	s3 =	sld [smem:$0x3FAA]  }
0x31: {  	[smem:$0x3FB3] =	sst s10  }
0x32: {  	s10 =	sld [smem:$0x3FB1];
	_ =	sdelay $0x3  }
0x33: {  	p0 =	seq.s32 s10, $0x1;
	s10 =	sld [smem:$0x3FB3];
	_ =	sdelay $0x3  }
0x34: {  	[smem:$0x3FB3] =	sst s10  }
0x35: {  	s10 =	sld [smem:$0x3FB2];
	_ =	sdelay $0x3  }
0x36: {  	p1 =	seq.s32 s10, $0x1;
	s10 =	sld [smem:$0x3FB3];
	_ =	sdelay $0x3  }
0x37: {  	[smem:$0x3FB3] =	sst s10  }
0x38: {  	s10 =	sld [smem:$0x3FB4]  }
0x39: {  	_ = 	snop;
	(pc) =	sbr.ind lr, $3  }
0x3a: {  	_ = 	snop  }
0x3b: {  	_ = 	snop  }
0x3c: {  	p2 =	seq.s32 s10, $0x1;
	s10 =	sld [smem:$0x3FB3]  }
0x3d: {  	_ =	shalt  }
0x3e: {  	_ =	shalt  }
0x3f: {  	_ =	shalt  }
0x40: {  	_ =	shalt  }
0x41: {  	_ =	shalt  }
0x42: {  	_ =	shalt  }
0x43: {  	_ =	shalt  }
0x44: {  	_ =	shalt  }
0x45: {  	_ =	shalt  }
0x46: {  	_ =	shalt  }
0x47: {  	_ =	shalt  }
0x48: {  	_ =	shalt  }
0x49: {  	_ =	shalt  }
0x4a: {  	_ =	shalt  }
0x4b: {  	_ =	shalt  }
0x4c: {  	_ =	shalt  }
0x4d: {  	_ =	shalt  }
0x4e: {  	_ =	shalt  }
0x4f: {  	_ =	shalt  }
0x50: {  	_ =	shalt  }
0x51: {  	_ =	shalt  }
0x52: {  	_ =	shalt  }
0x53: {  	_ =	shalt  }
0x54: {  	_ =	shalt  }
0x55: {  	_ =	shalt  }
0x56: {  	_ =	shalt  }
0x57: {  	_ =	shalt  }
0x58: {  	_ =	shalt  }
0x59: {  	_ =	shalt  }
0x5a: {  	_ =	shalt  }
0x5b: {  	_ =	shalt  }
0x5c: {  	_ =	shalt  }
0x5d: {  	_ =	shalt  }
0x5e: {  	_ =	shalt  }
0x5f: {  	_ =	shalt  }
0x60: {  	_ =	shalt  }
0x61: {  	_ =	shalt  }
0x62: {  	_ =	shalt  }
0x63: {  	_ =	shalt  }
0x64: {  	_ =	shalt  }
0x65: {  	_ =	shalt  }
0x66: {  	_ =	shalt  }
0x67: {  	_ =	shalt  }
0x68: {  	_ =	shalt  }
0x69: {  	_ =	shalt  }
0x6a: {  	_ =	shalt  }
0x6b: {  	_ =	shalt  }
0x6c: {  	_ =	shalt  }
0x6d: {  	_ =	shalt  }
0x6e: {  	_ =	shalt  }
0x6f: {  	_ =	shalt  }
0x70: {  	_ =	shalt  }
0x71: {  	_ =	shalt  }
0x72: {  	_ =	shalt  }
0x73: {  	_ =	shalt  }
0x74: {  	_ =	shalt  }
0x75: {  	_ =	shalt  }
0x76: {  	_ =	shalt  }
0x77: {  	_ =	shalt  }
0x78: {  	_ =	shalt  }
0x79: {  	_ =	shalt  }
0x7a: {  	_ =	shalt  }
0x7b: {  	_ =	shalt  }
0x7c: {  	_ =	shalt  }
0x7d: {  	_ =	shalt  }
0x7e: {  	_ =	shalt  }
0x7f: {  	_ =	shalt  }
0x80: {  	_ =	shalt  }
0x81: {  	_ =	shalt  }
0x82: {  	_ =	shalt  }
0x83: {  	_ =	shalt  }
0x84: {  	_ =	shalt  }
0x85: {  	_ =	shalt  }
0x86: {  	_ =	shalt  }
0x87: {  	_ =	shalt  }
.Lfunc_end0:
.L_simem_size_0:
called_computation.2_lowered:
.L_overlay_start_0:
0x88: {  	s2 =	sld [smem:$0x3FD9]  }
0x89: {  	s3 =	sld [smem:$0x3FFE];
	_ =	sdelay $0x1  }
0x8a: {  	s1 =	srdreg.scid  }
0x8b: {  	s0 =	sand.u32 $0x1, s1  }
0x8c: {  	s16 =	sshll.u32 s0, $0xA;
	s2 =	sadd.s32 s3, s2  }
0x8d: {  	s2 =	sadd.s32 s2, s16  }
0x8e: {  	[smem:$0x3FBF] =	sst s2  }
0x8f: {  	_ = 	snop  }
0x90: {  	(tm) =	ssettm $0x1  }
0x91: {  	s17 =	sld [smem:$0x3FFB];
	_ =	sdelay $0x3  }
0x92: {  	_ =	strace s17  }
0x93: {  	s2 =	sld [smem:$0x3FFC];
	_ =	sdelay $0x3  }
0x94: {  	_ =	strace s2  }
0x95: {  	s2 =	sld [smem:$0x3FFD];
	_ =	sdelay $0x3  }
0x96: {  	_ =	strace s2  }
0x97: {  	_ =	strace $0x8FFFFFFF  }
0x98: {  	s18 =	sld [smem:$0x3FDB];
	_ =	sdelay $0x1  }
0x99: {  	s19 =	simm.s32 $_scs_section_size  }
0x9a: {  	s4 =	simm.s32 $_size__tile_overlayer_lowered;
	s5 =	simm.s32 $_tile_overlayer_lowered  }
0x9b: {  	s22 =	simm.s32 $0x1BFF;
	s21 =	sshll.u32 s5, $0x1;
	s2 =	sadd.s32 s19, s18  }
0x9c: {  	s6 =	simm.s32 $0x0;
	s20 =	sshll.u32 s4, $0x1;
	s4 =	sadd.s32 s21, s2  }
0x9d: {  	[timem:s6], [sflag:s22] =	dma.local [hbm:s4], s20  }
0x9e: {  	_ =	swait.ge [sflag:s22], s20  }
0x9f: {  	s3 =	ssub.s32 $0x0, s20;
	[sflag:s22] =	ssyncset.done $0x0  }
0xa0: {  	[sflag:s22] =	ssyncadd.s32 s3;
	_ =	sdelay $0x1  }
0xa1: {  	s23 =	simm.s32 $0x1B8B  }
0xa2: {  	_ =	swait.ge [sflag:s23], $0x1  }
0xa3: {  	[sflag:s23] =	ssyncset.done $0x0  }
0xa4: {  	s25 =	simm.s32 $0x1B8E;
	s24 =	sld [smem:$0x3FFE];
	[sflag:s23] =	ssyncadd.s32 $0xFFFFFFFF  }
0xa5: {  	s26 =	simm.s32 $execute0_lowered;
	[smem:$0x3FD2] =	sst s25  }
0xa6: {  	s4 =	sshll.u32 s26, $0x1;
	_ =	strace $0x80000049;
	[dreg:$0x1] =	wrdreg $0xFFFFFFFF  }
0xa7: {  	s28 =	simm.s32 $_size_execute0_lowered;
	s2 =	sadd.s32 s2, s4;
	[dreg:$0x0] =	wrdreg $0x0  }
0xa8: {  	s4 =	sshll.u32 s28, $0x1;
	[dreg:$0x2] =	wrdreg s2  }
0xa9: {  	[dreg:$0x3] =	wrdreg s4  }
0xaa: {  	[dreg:$0x4] =	wrdreg $0xC0  }
0xab: {  	_ =	task [dreg:s6], $0x5FFFF  }
0xac: {  	[dreg:$0x1] =	wrdreg $0xFFFFFFFF  }
0xad: {  	[dreg:$0x0] =	wrdreg $0x60  }
0xae: {  	[dreg:$0x2] =	wrdreg s24  }
0xaf: {  	[dreg:$0x3] =	wrdreg $0xF0000  }
0xb0: {  	[dreg:$0x4] =	wrdreg $0xA  }
0xb1: {  	_ =	task.clear_ibuf [dreg:s6], $0x5FFFF;
	_ =	strace $0x90000049  }
0xb2: {  	s29 =	simm.s32 $0xA;
	_ =	strace $0x8000004B  }
0xb3: {  	_ =	swait.ge [sflag:s29], $0x1  }
0xb4: {  	[sflag:s29] =	ssyncadd.s32 $0xFFFFFFFF  }
0xb5: {  	_ =	strace $0x9000004B  }
0xb6: {  	_ =	sfence  }
0xb7: {  	s30 =	sld [smem:$0x0];
	_ =	sdelay $0x2  }
0xb8: {  	s31 =	sshll.u32 s1, $0xD;
	s1 =	sshrl.u32 s1, $0x2  }
0xb9: {  	s3 =	sand.u32 $0x4000, s31;
	s1 =	sadd.s32 s1, s30  }
0xba: {  	s0 =	sor.u32 s3, s0;
	s1 =	sshll.u32 s1, $0x11  }
0xbb: {  	s0 =	sor.u32 s1, s0  }
0xbc: {  	s0 =	sadd.s32 $0x8F2B, s0  }
0xbd: {  	[sflag:s0] =	ssyncadd.remote.s32 $0x1  }
0xbe: {  	_ =	sfence.sel $0xFFFF  }
0xbf: {  	[dreg:$0x0] =	wrdreg $0xFFFFFFFF;
	(pc) =	sbr.abs _section_cstart, $3  }
0xc0: {  	[dreg:$0x1] =	wrdreg $0xFFFFFFFF  }
0xc1: {  	_ =	task.clear_ibuf [dreg:s6], $0x2FFFF;
	_ =	strace $0x9FFFFFFF  }
0xc2: {  	(tm) =	ssettm $0x7FFFFFFF  }
0xc3: {  	_ =	shalt  }
tec
execute0_lowered:
.L_overlay_start_1:
0x0: {  	(tag) =	ssettag $0x1  }
0x1: {  	s7 =	rddreg [dreg:$0x0];
	s1 =	srdreg.scid  }
0x2: {  	s0 =	stileid.u32;
	s2 =	rddreg [dreg:$0x1]  }
0x3: {  	s3 =	simm.s32 $0x0;
	s14 =	simm.s32 $0x7800;
	s17 =	simm.s32 $0x80  }
0x4: {  	s18 =	simm.s32 $0x1;
	s19 =	simm.s32 $0x20;
	s20 =	simm.s32 $0x10  }
0x5: {  	s21 =	simm.s32 $0x0;
	s6 =	sand.u32 $0x1, s1;
	s1 =	rddreg [dreg:$0x2]  }
0x6: {  	s4 =	sshll.u32 s0, $0x1;
	[smem:$0x7FF] =	sst s3;
	s8 =	smul.u32 $0x14000, s0  }
0x7: {  	s5 =	sadd.s32 $0x16A00, s7;
	s12 =	smul.u32 $0x28000, s0;
	s15 =	sshll.u32 s0, $0x6  }
0x8: {  	s4 =	sor.u32 s6, s4;
	_ =	strace $0x8000004A;
	s10 =	sshll.u32 s6, $0x7  }
0x9: {  	s30 =	ssub.s32 $0x2, s6;
	s6 =	sadd.s32 $0x3F000, s7;
	s15 =	sor.u32 $0x1C02, s15  }
0xa: {  	s4 =	smul.u32 $0x500, s4;
	s8 =	sor.u32 s10, s8;
	s11 =	sshrl.u32 s30, $0x1  }
0xb: {  	s31 =	sshrl.u32 s12, $0x2;
	s12 =	simm.s32 $0x2800;
	s8 =	sshrl.u32 s8, $0x3  }
0xc: {  	s10 =	ssub.s32 s30, s11;
	s16 =	sadd.s32 s31, s2;
	s11 =	simm.s32 $0x2  }
0xd: {  	s9 =	sadd.s32 s4, s7;
	s4 =	sadd.s32 $0x15E00, s7;
	s13 =	sadd.s32 s8, s7  }
0xe: {  	s10 =	smax.u32 s10, $0x1;
	s16 =	sshrl.u32 s16, $0x3;
	s7 =	sadd.s32 $0x1E00, s9  }
0xf: {  	s8 =	sadd.s32 $0xBE00, s9;
	s9 =	sadd.s32 $0x40400, s13;
	s13 =	simm.s32 $0x5000  }
.LBB2_1:
0x10: {  	[tilespmem:s3], [sflag:$0x2] =	stream.linear.gather [hbm4b:s7+s3], $0x2800, $0x38;
	[tilespmem:$0x19000] =	vst v63  }
0x11: {  	_ =	swait.ge [sflag:s11], $0x2800  }
0x12: {  	[sflag:s11] =	ssyncset.done $0x0  }
0x13: {  	[sflag:s11] =	ssyncadd.s32 $0xFFFFD800  }
0x14: {  	[tilespmem:s12], [sflag:$0x2] =	stream.linear.gather [hbm4b:s8+s3], $0x2800, $0x38;
	[tilespmem:$0x19000] =	vst v63  }
0x15: {  	_ =	swait.ge [sflag:s11], $0x2800  }
0x16: {  	[sflag:s11] =	ssyncset.done $0x0  }
0x17: {  	[sflag:s11] =	ssyncadd.s32 $0xFFFFD800  }
0x18: {  	[tilespmem:s13], [sflag:$0x2] =	stream.linear.gather [hbm4b:s4+s3], $0x2800, $0x38;
	[tilespmem:$0x19000] =	vst v63  }
0x19: {  	_ =	swait.ge [sflag:s11], $0x2800  }
0x1a: {  	[sflag:s11] =	ssyncset.done $0x0  }
0x1b: {  	[sflag:s11] =	ssyncadd.s32 $0xFFFFD800  }
0x1c: {  	[tilespmem:s14], [sflag:$0x2] =	stream.linear.gather [hbm4b:s5+s3], $0x2800, $0x38;
	[tilespmem:$0x19000] =	vst v63  }
0x1d: {  	_ =	swait.ge [sflag:s11], $0x2800  }
0x1e: {  	[sflag:s11] =	ssyncset.done $0x0  }
0x1f: {  	[sflag:s11] =	ssyncadd.s32 $0xFFFFD800  }
0x20: {  	[spmem:s16], [sflag:s15] =	dma.local [hbm:s6], $0x1400  }
0x21: {  	_ =	swait.ge [sflag:s11], $0x1400  }
0x22: {  	[sflag:s11] =	ssyncset.done $0x0  }
0x23: {  	[sflag:s11] =	ssyncadd.s32 $0xFFFFEC00  }
0x24: {  	s22 =	simm.s32 $0x0;
	[bflag:$0x0] =	sbarrier.arrive $0xFFFF  }
0x25: {  	v0 =	vld [tilespmem:s22+$0x2800]  }
0x26: {  	v1 =	vld [tilespmem:s22+$0x0];
	_ =	sdelay $0x6  }
0x27: {  	v2 =	vld.idx.msk [tilespmem:v0+s14+$0x0], $0xffff  }
0x28: {  	v3 =	vld.idx.msk [tilespmem:v1+s13+$0x0], $0xffff  }
0x29: {  	v0 =	vld.idx.msk [tilespmem:v0+s13+$0x0], $0xffff  }
0x2a: {  	v4 =	vld [tilespmem:s22+$0x2810]  }
0x2b: {  	v5 =	vld [tilespmem:s22+$0x10];
	_ =	sdelay $0x2  }
0x2c: {  	v2 =	vmul.u32 $0x2800, v2;
	v0 =	vmul.f32 v0, v3;
	_ =	sdelay $0x1  }
0x2d: {  	v1 =	vadd.s32 v1, v2;
	[tilespmem:s22+$0xA000] =	vst v0  }
0x2e: {  	[tilespmem:s22+$0xC800] =	vst v1  }
0x2f: {  	v0 =	vld.idx.msk [tilespmem:v4+s14+$0x0], $0xffff  }
0x30: {  	v1 =	vld.idx.msk [tilespmem:v5+s13+$0x0], $0xffff  }
0x31: {  	v2 =	vld.idx.msk [tilespmem:v4+s13+$0x0], $0xffff  }
0x32: {  	v3 =	vld [tilespmem:s22+$0x2820]  }
0x33: {  	v57 =	vld [tilespmem:s22+$0x20];
	_ =	sdelay $0x2  }
0x34: {  	v0 =	vmul.u32 $0x2800, v0;
	v1 =	vmul.f32 v2, v1;
	_ =	sdelay $0x1  }
0x35: {  	v0 =	vadd.s32 v5, v0;
	[tilespmem:s22+$0xA010] =	vst v1  }
0x36: {  	[tilespmem:s22+$0xC810] =	vst v0  }
0x37: {  	v0 =	vld.idx.msk [tilespmem:v3+s14+$0x0], $0xffff  }
0x38: {  	v1 =	vld.idx.msk [tilespmem:v57+s13+$0x0], $0xffff  }
0x39: {  	v2 =	vld.idx.msk [tilespmem:v3+s13+$0x0], $0xffff  }
0x3a: {  	v3 =	vld [tilespmem:s22+$0x2830]  }
0x3b: {  	v58 =	vld [tilespmem:s22+$0x30];
	_ =	sdelay $0x2  }
0x3c: {  	v0 =	vmul.u32 $0x2800, v0;
	v1 =	vmul.f32 v2, v1;
	_ =	sdelay $0x1  }
0x3d: {  	v0 =	vadd.s32 v57, v0;
	[tilespmem:s22+$0xA020] =	vst v1  }
0x3e: {  	[tilespmem:s22+$0xC820] =	vst v0  }
0x3f: {  	v0 =	vld.idx.msk [tilespmem:v3+s14+$0x0], $0xffff  }
0x40: {  	v1 =	vld.idx.msk [tilespmem:v58+s13+$0x0], $0xffff  }
0x41: {  	v2 =	vld.idx.msk [tilespmem:v3+s13+$0x0], $0xffff  }
0x42: {  	v3 =	vld [tilespmem:s22+$0x40]  }
0x43: {  	v59 =	vld [tilespmem:s22+$0x2840];
	_ =	sdelay $0x2  }
0x44: {  	v0 =	vmul.u32 $0x2800, v0;
	v1 =	vmul.f32 v2, v1;
	_ =	sdelay $0x1  }
0x45: {  	v0 =	vadd.s32 v58, v0;
	[tilespmem:s22+$0xA030] =	vst v1  }
0x46: {  	[tilespmem:s22+$0xC830] =	vst v0  }
0x47: {  	v0 =	vld.idx.msk [tilespmem:v3+s13+$0x0], $0xffff  }
0x48: {  	v1 =	vld.idx.msk [tilespmem:v59+s13+$0x0], $0xffff  }
0x49: {  	v2 =	vld.idx.msk [tilespmem:v59+s14+$0x0], $0xffff  }
0x4a: {  	v60 =	vld [tilespmem:s22+$0x2850];
	_ =	sdelay $0x1  }
0x4b: {  	v61 =	vld [tilespmem:s22+$0x50];
	_ =	sdelay $0x1  }
0x4c: {  	v0 =	vmul.f32 v1, v0;
	v1 =	vmul.u32 $0x2800, v2;
	_ =	sdelay $0x1  }
0x4d: {  	[tilespmem:s22+$0xA040] =	vst v0;
	v0 =	vadd.s32 v3, v1  }
0x4e: {  	[tilespmem:s22+$0xC840] =	vst v0  }
0x4f: {  	v0 =	vld.idx.msk [tilespmem:v60+s13+$0x0], $0xffff  }
0x50: {  	v1 =	vld.idx.msk [tilespmem:v60+s14+$0x0], $0xffff  }
0x51: {  	v2 =	vld.idx.msk [tilespmem:v61+s13+$0x0], $0xffff  }
0x52: {  	v3 =	vld [tilespmem:s22+$0x2860];
	_ =	sdelay $0x2  }
0x53: {  	v62 =	vld [tilespmem:s22+$0x60]  }
0x54: {  	v1 =	vmul.u32 $0x2800, v1;
	v0 =	vmul.f32 v0, v2;
	_ =	sdelay $0x1  }
0x55: {  	v1 =	vadd.s32 v61, v1;
	[tilespmem:s22+$0xA050] =	vst v0  }
0x56: {  	[tilespmem:s22+$0xC850] =	vst v1  }
0x57: {  	v0 =	vld.idx.msk [tilespmem:v3+s14+$0x0], $0xffff;
	_ =	sdelay $0x1  }
0x58: {  	v1 =	vld [tilespmem:s22+$0x2870]  }
0x59: {  	v2 =	vld.idx.msk [tilespmem:v62+s13+$0x0], $0xffff  }
0x5a: {  	v3 =	vld.idx.msk [tilespmem:v3+s13+$0x0], $0xffff  }
0x5b: {  	v63 =	vmul.u32 $0x2800, v0;
	v0 =	vld [tilespmem:s22+$0x70];
	_ =	sdelay $0x3  }
0x5c: {  	v2 =	vmul.f32 v3, v2;
	v4 =	vadd.s32 v62, v63  }
0x5d: {  	s23 =	simm.s32 $0x200;
	[tilespmem:s22+$0xC860] =	vst v4  }
.LBB2_2:
0x5e: {  	p0 =	sne.s32 s23, $0x1E00;
	[tilespmem:s22+$0xA060] =	vst v2;
	s24 =	smov.u32 s23;
	s23 =	sadd.s32 $0x200, s23  }
0x5f: {  	v2 =	vld.idx.msk [tilespmem:v1+s14+$0x0], $0xffff  }
0x60: {  	v3 =	vld.idx.msk [tilespmem:v0+s13+$0x0], $0xffff  }
0x61: {  	v1 =	vld.idx.msk [tilespmem:v1+s13+$0x0], $0xffff;
	_ =	sdelay $0x3  }
0x62: {  	v2 =	vmul.u32 $0x2800, v2;
	_ =	sdelay $0x1  }
0x63: {  	v1 =	vmul.f32 v1, v3;
	v0 =	vadd.s32 v0, v2  }
0x64: {  	[tilespmem:s22+$0xC870] =	vst v0  }
0x65: {  	s25 =	sadd.s32 $0xA000, s22;
	s26 =	sadd.s32 $0xC800, s22;
	[tilespmem:s22+$0xA070] =	vst v1;
	s22 =	sshra.s32 s24, $0x2  }
0x66: {  	[spmem:s2] =	stream.indirect.scatter.add.f32 [tilespmem:s25], [sflag:$0x1], $0x1, s26, s17, $0xb8;
	[tilespmem:$0x19000] =	vst v63  }
0x67: {  	v0 =	vld [tilespmem:s22+$0x2800]  }
0x68: {  	v1 =	vld [tilespmem:s22+$0x0];
	_ =	sdelay $0x6  }
0x69: {  	v2 =	vld.idx.msk [tilespmem:v0+s14+$0x0], $0xffff  }
0x6a: {  	v3 =	vld.idx.msk [tilespmem:v1+s13+$0x0], $0xffff  }
0x6b: {  	v0 =	vld.idx.msk [tilespmem:v0+s13+$0x0], $0xffff  }
0x6c: {  	v4 =	vld [tilespmem:s22+$0x2810]  }
0x6d: {  	v5 =	vld [tilespmem:s22+$0x10];
	_ =	sdelay $0x1  }
0x6e: {  	v2 =	vmul.u32 $0x2800, v2;
	_ =	sdelay $0x1  }
0x6f: {  	v0 =	vmul.f32 v0, v3;
	v1 =	vadd.s32 v1, v2  }
0x70: {  	[tilespmem:s22+$0xC800] =	vst v1  }
0x71: {  	[tilespmem:s22+$0xA000] =	vst v0  }
0x72: {  	v0 =	vld.idx.msk [tilespmem:v4+s14+$0x0], $0xffff  }
0x73: {  	v1 =	vld.idx.msk [tilespmem:v5+s13+$0x0], $0xffff  }
0x74: {  	v2 =	vld.idx.msk [tilespmem:v4+s13+$0x0], $0xffff  }
0x75: {  	v3 =	vld [tilespmem:s22+$0x2820]  }
0x76: {  	v4 =	vld [tilespmem:s22+$0x20];
	_ =	sdelay $0x1  }
0x77: {  	v0 =	vmul.u32 $0x2800, v0;
	_ =	sdelay $0x1  }
0x78: {  	v1 =	vmul.f32 v2, v1;
	v0 =	vadd.s32 v5, v0  }
0x79: {  	[tilespmem:s22+$0xC810] =	vst v0  }
0x7a: {  	[tilespmem:s22+$0xA010] =	vst v1  }
0x7b: {  	v0 =	vld.idx.msk [tilespmem:v3+s14+$0x0], $0xffff  }
0x7c: {  	v1 =	vld.idx.msk [tilespmem:v4+s13+$0x0], $0xffff  }
0x7d: {  	v2 =	vld.idx.msk [tilespmem:v3+s13+$0x0], $0xffff  }
0x7e: {  	v3 =	vld [tilespmem:s22+$0x2830]  }
0x7f: {  	v5 =	vld [tilespmem:s22+$0x30];
	_ =	sdelay $0x1  }
0x80: {  	v0 =	vmul.u32 $0x2800, v0;
	_ =	sdelay $0x1  }
0x81: {  	v1 =	vmul.f32 v2, v1;
	v0 =	vadd.s32 v4, v0  }
0x82: {  	[tilespmem:s22+$0xC820] =	vst v0  }
0x83: {  	[tilespmem:s22+$0xA020] =	vst v1  }
0x84: {  	v0 =	vld.idx.msk [tilespmem:v3+s14+$0x0], $0xffff  }
0x85: {  	v1 =	vld.idx.msk [tilespmem:v5+s13+$0x0], $0xffff;
	_ =	sdelay $0x1  }
0x86: {  	v2 =	vld.idx.msk [tilespmem:v3+s13+$0x0], $0xffff  }
0x87: {  	v3 =	vld [tilespmem:s22+$0x40]  }
0x88: {  	v4 =	vld [tilespmem:s22+$0x2840]  }
0x89: {  	v0 =	vmul.u32 $0x2800, v0;
	_ =	sdelay $0x1  }
0x8a: {  	v0 =	vadd.s32 v5, v0  }
0x8b: {  	v1 =	vmul.f32 v2, v1;
	[tilespmem:s22+$0xC830] =	vst v0;
	_ =	sdelay $0x1  }
0x8c: {  	[tilespmem:s22+$0xA030] =	vst v1  }
0x8d: {  	v0 =	vld.idx.msk [tilespmem:v3+s13+$0x0], $0xffff  }
0x8e: {  	v1 =	vld.idx.msk [tilespmem:v4+s13+$0x0], $0xffff  }
0x8f: {  	v2 =	vld.idx.msk [tilespmem:v4+s14+$0x0], $0xffff;
	_ =	sdelay $0x1  }
0x90: {  	v4 =	vld [tilespmem:s22+$0x2850];
	_ =	sdelay $0x1  }
0x91: {  	v5 =	vld [tilespmem:s22+$0x50]  }
0x92: {  	v0 =	vmul.f32 v1, v0  }
0x93: {  	v1 =	vmul.u32 $0x2800, v2  }
0x94: {  	[tilespmem:s22+$0xA040] =	vst v0  }
0x95: {  	v0 =	vadd.s32 v3, v1  }
0x96: {  	[tilespmem:s22+$0xC840] =	vst v0  }
0x97: {  	v0 =	vld.idx.msk [tilespmem:v4+s13+$0x0], $0xffff  }
0x98: {  	v1 =	vld.idx.msk [tilespmem:v4+s14+$0x0], $0xffff  }
0x99: {  	v2 =	vld.idx.msk [tilespmem:v5+s13+$0x0], $0xffff;
	_ =	sdelay $0x1  }
0x9a: {  	v3 =	vld [tilespmem:s22+$0x60]  }
0x9b: {  	v4 =	vld [tilespmem:s22+$0x2860];
	_ =	sdelay $0x1  }
0x9c: {  	v1 =	vmul.u32 $0x2800, v1  }
0x9d: {  	v0 =	vmul.f32 v0, v2  }
0x9e: {  	v1 =	vadd.s32 v5, v1  }
0x9f: {  	[tilespmem:s22+$0xA050] =	vst v0  }
0xa0: {  	[tilespmem:s22+$0xC850] =	vst v1  }
0xa1: {  	v2 =	vld.idx.msk [tilespmem:v3+s13+$0x0], $0xffff  }
0xa2: {  	v5 =	vld.idx.msk [tilespmem:v4+s14+$0x0], $0xffff  }
0xa3: {  	v4 =	vld.idx.msk [tilespmem:v4+s13+$0x0], $0xffff;
	_ =	sdelay $0x1  }
0xa4: {  	v1 =	vld [tilespmem:s22+$0x2870]  }
0xa5: {  	v0 =	vld [tilespmem:s22+$0x70]  }
.Ltmp0:
0xa6: {  	(pc) =	sbr.rel @p0 .LBB2_2-.Ltmp0, $4  }
0xa7: {  	v5 =	vmul.u32 $0x2800, v5  }
0xa8: {  	v2 =	vmul.f32 v4, v2  }
0xa9: {  	v3 =	vadd.s32 v3, v5  }
0xaa: {  	[tilespmem:s22+$0xC860] =	vst v3  }
0xab: {  	_ =	sdelay $0x2  }
0xac: {  	[tilespmem:s22+$0xA060] =	vst v2  }
0xad: {  	v2 =	vld.idx.msk [tilespmem:v1+s14+$0x0], $0xffff  }
0xae: {  	v3 =	vld.idx.msk [tilespmem:v0+s13+$0x0], $0xffff  }
0xaf: {  	v1 =	vld.idx.msk [tilespmem:v1+s13+$0x0], $0xffff;
	_ =	sdelay $0x4  }
0xb0: {  	v2 =	vmul.u32 $0x2800, v2;
	v1 =	vmul.f32 v1, v3;
	_ =	sdelay $0x1  }
0xb1: {  	v0 =	vadd.s32 v0, v2;
	[tilespmem:s22+$0xA070] =	vst v1  }
0xb2: {  	s23 =	sadd.s32 $0xA000, s22;
	s24 =	sadd.s32 $0xC800, s22;
	[tilespmem:s22+$0xC870] =	vst v0;
	s22 =	simm.s32 $0x0  }
0xb3: {  	[spmem:s2] =	stream.indirect.scatter.add.f32 [tilespmem:s23], [sflag:$0x1], $0x1, s24, s17, $0xb8;
	[tilespmem:$0x19000] =	vst v63  }
0xb4: {  	v0 =	vld [tilespmem:s22+$0x3000];
	_ =	sdelay $0x1  }
0xb5: {  	v1 =	vld [tilespmem:s22+$0x800];
	_ =	sdelay $0x5  }
0xb6: {  	v2 =	vld.idx.msk [tilespmem:v0+s14+$0x0], $0xffff  }
0xb7: {  	v0 =	vld.idx.msk [tilespmem:v0+s13+$0x0], $0xffff  }
0xb8: {  	v3 =	vld.idx.msk [tilespmem:v1+s13+$0x0], $0xffff  }
0xb9: {  	v4 =	vld [tilespmem:s22+$0x3010]  }
0xba: {  	v5 =	vld [tilespmem:s22+$0x810];
	_ =	sdelay $0x2  }
0xbb: {  	v2 =	vmul.u32 $0x2800, v2;
	v0 =	vmul.f32 v0, v3;
	_ =	sdelay $0x1  }
0xbc: {  	v1 =	vadd.s32 v1, v2;
	[tilespmem:s22+$0xA800] =	vst v0  }
0xbd: {  	[tilespmem:s22+$0xD000] =	vst v1  }
0xbe: {  	v0 =	vld.idx.msk [tilespmem:v4+s14+$0x0], $0xffff  }
0xbf: {  	v1 =	vld.idx.msk [tilespmem:v5+s13+$0x0], $0xffff  }
0xc0: {  	v2 =	vld.idx.msk [tilespmem:v4+s13+$0x0], $0xffff  }
0xc1: {  	v3 =	vld [tilespmem:s22+$0x3020]  }
0xc2: {  	v4 =	vld [tilespmem:s22+$0x820];
	_ =	sdelay $0x2  }
0xc3: {  	v0 =	vmul.u32 $0x2800, v0;
	v1 =	vmul.f32 v2, v1;
	_ =	sdelay $0x1  }
0xc4: {  	v0 =	vadd.s32 v5, v0;
	[tilespmem:s22+$0xA810] =	vst v1  }
0xc5: {  	[tilespmem:s22+$0xD010] =	vst v0  }
0xc6: {  	v0 =	vld.idx.msk [tilespmem:v3+s14+$0x0], $0xffff  }
0xc7: {  	v1 =	vld.idx.msk [tilespmem:v4+s13+$0x0], $0xffff  }
0xc8: {  	v2 =	vld.idx.msk [tilespmem:v3+s13+$0x0], $0xffff  }
0xc9: {  	v3 =	vld [tilespmem:s22+$0x3030]  }
0xca: {  	v5 =	vld [tilespmem:s22+$0x830];
	_ =	sdelay $0x2  }
0xcb: {  	v0 =	vmul.u32 $0x2800, v0;
	v1 =	vmul.f32 v2, v1;
	_ =	sdelay $0x1  }
0xcc: {  	v0 =	vadd.s32 v4, v0;
	[tilespmem:s22+$0xA820] =	vst v1  }
0xcd: {  	[tilespmem:s22+$0xD020] =	vst v0  }
0xce: {  	v0 =	vld.idx.msk [tilespmem:v3+s14+$0x0], $0xffff  }
0xcf: {  	v1 =	vld.idx.msk [tilespmem:v5+s13+$0x0], $0xffff  }
0xd0: {  	v2 =	vld.idx.msk [tilespmem:v3+s13+$0x0], $0xffff  }
0xd1: {  	v3 =	vld [tilespmem:s22+$0x3040];
	_ =	sdelay $0x1  }
0xd2: {  	v4 =	vld [tilespmem:s22+$0x840];
	_ =	sdelay $0x1  }
0xd3: {  	v0 =	vmul.u32 $0x2800, v0;
	v1 =	vmul.f32 v2, v1;
	_ =	sdelay $0x1  }
0xd4: {  	v0 =	vadd.s32 v5, v0;
	[tilespmem:s22+$0xA830] =	vst v1  }
0xd5: {  	[tilespmem:s22+$0xD030] =	vst v0  }
0xd6: {  	v0 =	vld.idx.msk [tilespmem:v3+s14+$0x0], $0xffff  }
0xd7: {  	v1 =	vld.idx.msk [tilespmem:v3+s13+$0x0], $0xffff  }
0xd8: {  	v2 =	vld.idx.msk [tilespmem:v4+s13+$0x0], $0xffff  }
0xd9: {  	v3 =	vld [tilespmem:s22+$0x3050];
	_ =	sdelay $0x1  }
0xda: {  	v5 =	vld [tilespmem:s22+$0x850];
	_ =	sdelay $0x1  }
0xdb: {  	v0 =	vmul.u32 $0x2800, v0;
	v1 =	vmul.f32 v1, v2;
	_ =	sdelay $0x1  }
0xdc: {  	v0 =	vadd.s32 v4, v0;
	[tilespmem:s22+$0xA840] =	vst v1  }
0xdd: {  	[tilespmem:s22+$0xD040] =	vst v0  }
0xde: {  	v1 =	vld.idx.msk [tilespmem:v3+s14+$0x0], $0xffff  }
0xdf: {  	v2 =	vld.idx.msk [tilespmem:v3+s13+$0x0], $0xffff  }
0xe0: {  	v3 =	vld.idx.msk [tilespmem:v5+s13+$0x0], $0xffff  }
0xe1: {  	v6 =	vld [tilespmem:s22+$0x3060];
	_ =	sdelay $0x1  }
0xe2: {  	v0 =	vld [tilespmem:s22+$0x860];
	_ =	sdelay $0x1  }
0xe3: {  	v1 =	vmul.u32 $0x2800, v1;
	v2 =	vmul.f32 v2, v3;
	_ =	sdelay $0x1  }
0xe4: {  	v1 =	vadd.s32 v5, v1;
	[tilespmem:s22+$0xA850] =	vst v2  }
0xe5: {  	v2 =	vld [tilespmem:s22+$0x3070];
	[tilespmem:s22+$0xD050] =	vst v1  }
0xe6: {  	v4 =	vld.idx.msk [tilespmem:v6+s14+$0x0], $0xffff  }
0xe7: {  	v3 =	vld.idx.msk [tilespmem:v6+s13+$0x0], $0xffff  }
0xe8: {  	v5 =	vld.idx.msk [tilespmem:v0+s13+$0x0], $0xffff  }
0xe9: {  	s23 =	simm.s32 $0x200;
	v1 =	vld [tilespmem:s22+$0x870]  }
.LBB2_4:
0xea: {  	p0 =	sne.s32 s23, $0x7E00;
	s24 =	smov.u32 s23;
	s23 =	sadd.s32 $0x200, s23  }
0xeb: {  	v4 =	vmul.u32 $0x2800, v4;
	_ =	sdelay $0x1  }
0xec: {  	v3 =	vmul.f32 v3, v5;
	v0 =	vadd.s32 v0, v4  }
0xed: {  	[tilespmem:s22+$0xD060] =	vst v0  }
0xee: {  	[tilespmem:s22+$0xA860] =	vst v3  }
0xef: {  	v0 =	vld.idx.msk [tilespmem:v2+s14+$0x0], $0xffff  }
0xf0: {  	v3 =	vld.idx.msk [tilespmem:v1+s13+$0x0], $0xffff  }
0xf1: {  	v2 =	vld.idx.msk [tilespmem:v2+s13+$0x0], $0xffff;
	_ =	sdelay $0x3  }
0xf2: {  	v0 =	vmul.u32 $0x2800, v0;
	_ =	sdelay $0x1  }
0xf3: {  	v2 =	vmul.f32 v2, v3;
	v0 =	vadd.s32 v1, v0  }
0xf4: {  	[tilespmem:s22+$0xD070] =	vst v0  }
0xf5: {  	s25 =	sadd.s32 $0xA800, s22;
	s26 =	sadd.s32 $0xD000, s22;
	[tilespmem:s22+$0xA870] =	vst v2  }
0xf6: {  	[spmem:s2] =	stream.indirect.scatter.add.f32 [tilespmem:s25], [sflag:$0x1], $0x1, s26, s17, $0xb8;
	[tilespmem:$0x19000] =	vst v63  }
0xf7: {  	_ =	swait.ge [sflag:s18], $0x80  }
0xf8: {  	[sflag:s18] =	ssyncset.done $0x0  }
0xf9: {  	s22 =	sshra.s32 s24, $0x2;
	[sflag:s18] =	ssyncadd.s32 $0xFFFFFF80  }
0xfa: {  	v0 =	vld [tilespmem:s22+$0x3000]  }
0xfb: {  	v1 =	vld [tilespmem:s22+$0x800];
	_ =	sdelay $0x6  }
0xfc: {  	v2 =	vld.idx.msk [tilespmem:v0+s14+$0x0], $0xffff  }
0xfd: {  	v0 =	vld.idx.msk [tilespmem:v0+s13+$0x0], $0xffff  }
0xfe: {  	v3 =	vld.idx.msk [tilespmem:v1+s13+$0x0], $0xffff  }
0xff: {  	v4 =	vld [tilespmem:s22+$0x3010];
	_ =	sdelay $0x1  }
0x100: {  	v5 =	vld [tilespmem:s22+$0x810]  }
0x101: {  	v2 =	vmul.u32 $0x2800, v2;
	_ =	sdelay $0x1  }
0x102: {  	v0 =	vmul.f32 v0, v3;
	v1 =	vadd.s32 v1, v2  }
0x103: {  	[tilespmem:s22+$0xD000] =	vst v1  }
0x104: {  	[tilespmem:s22+$0xA800] =	vst v0  }
0x105: {  	v0 =	vld.idx.msk [tilespmem:v4+s14+$0x0], $0xffff;
	_ =	sdelay $0x1  }
0x106: {  	v1 =	vld.idx.msk [tilespmem:v5+s13+$0x0], $0xffff  }
0x107: {  	v2 =	vld.idx.msk [tilespmem:v4+s13+$0x0], $0xffff  }
0x108: {  	v3 =	vld [tilespmem:s22+$0x3020]  }
0x109: {  	v4 =	vld [tilespmem:s22+$0x820]  }
0x10a: {  	v0 =	vmul.u32 $0x2800, v0;
	_ =	sdelay $0x1  }
0x10b: {  	v0 =	vadd.s32 v5, v0  }
0x10c: {  	v1 =	vmul.f32 v2, v1;
	[tilespmem:s22+$0xD010] =	vst v0;
	_ =	sdelay $0x1  }
0x10d: {  	[tilespmem:s22+$0xA810] =	vst v1  }
0x10e: {  	v0 =	vld.idx.msk [tilespmem:v3+s14+$0x0], $0xffff  }
0x10f: {  	v1 =	vld.idx.msk [tilespmem:v4+s13+$0x0], $0xffff  }
0x110: {  	v2 =	vld.idx.msk [tilespmem:v3+s13+$0x0], $0xffff  }
0x111: {  	v3 =	vld [tilespmem:s22+$0x3030]  }
0x112: {  	v5 =	vld [tilespmem:s22+$0x830];
	_ =	sdelay $0x1  }
0x113: {  	v0 =	vmul.u32 $0x2800, v0;
	_ =	sdelay $0x1  }
0x114: {  	v1 =	vmul.f32 v2, v1;
	v0 =	vadd.s32 v4, v0  }
0x115: {  	[tilespmem:s22+$0xD020] =	vst v0  }
0x116: {  	[tilespmem:s22+$0xA820] =	vst v1  }
0x117: {  	v0 =	vld.idx.msk [tilespmem:v3+s14+$0x0], $0xffff  }
0x118: {  	v1 =	vld.idx.msk [tilespmem:v5+s13+$0x0], $0xffff;
	_ =	sdelay $0x2  }
0x119: {  	v2 =	vld.idx.msk [tilespmem:v3+s13+$0x0], $0xffff  }
0x11a: {  	v3 =	vld [tilespmem:s22+$0x3040]  }
0x11b: {  	v0 =	vmul.u32 $0x2800, v0  }
0x11c: {  	v4 =	vld [tilespmem:s22+$0x840]  }
0x11d: {  	v0 =	vadd.s32 v5, v0  }
0x11e: {  	[tilespmem:s22+$0xD030] =	vst v0  }
0x11f: {  	v0 =	vmul.f32 v2, v1;
	_ =	sdelay $0x1  }
0x120: {  	[tilespmem:s22+$0xA830] =	vst v0  }
0x121: {  	v0 =	vld.idx.msk [tilespmem:v3+s14+$0x0], $0xffff  }
0x122: {  	v1 =	vld.idx.msk [tilespmem:v3+s13+$0x0], $0xffff  }
0x123: {  	v2 =	vld.idx.msk [tilespmem:v4+s13+$0x0], $0xffff  }
0x124: {  	v3 =	vld [tilespmem:s22+$0x3050];
	_ =	sdelay $0x1  }
0x125: {  	v5 =	vld [tilespmem:s22+$0x850]  }
0x126: {  	v0 =	vmul.u32 $0x2800, v0;
	_ =	sdelay $0x1  }
0x127: {  	v1 =	vmul.f32 v1, v2;
	v0 =	vadd.s32 v4, v0  }
0x128: {  	[tilespmem:s22+$0xD040] =	vst v0  }
0x129: {  	[tilespmem:s22+$0xA840] =	vst v1  }
0x12a: {  	v1 =	vld.idx.msk [tilespmem:v3+s14+$0x0], $0xffff  }
0x12b: {  	v2 =	vld.idx.msk [tilespmem:v3+s13+$0x0], $0xffff  }
0x12c: {  	v3 =	vld.idx.msk [tilespmem:v5+s13+$0x0], $0xffff  }
0x12d: {  	v6 =	vld [tilespmem:s22+$0x3060];
	_ =	sdelay $0x1  }
0x12e: {  	v0 =	vld [tilespmem:s22+$0x860]  }
0x12f: {  	v1 =	vmul.u32 $0x2800, v1;
	_ =	sdelay $0x1  }
0x130: {  	v2 =	vmul.f32 v2, v3;
	v1 =	vadd.s32 v5, v1  }
0x131: {  	[tilespmem:s22+$0xD050] =	vst v1  }
0x132: {  	[tilespmem:s22+$0xA850] =	vst v2  }
.Ltmp1:
0x133: {  	v4 =	vld.idx.msk [tilespmem:v6+s14+$0x0], $0xffff;
	(pc) =	sbr.rel @p0 .LBB2_4-.Ltmp1, $4  }
0x134: {  	v3 =	vld.idx.msk [tilespmem:v6+s13+$0x0], $0xffff  }
0x135: {  	v5 =	vld.idx.msk [tilespmem:v0+s13+$0x0], $0xffff  }
0x136: {  	v2 =	vld [tilespmem:s22+$0x3070]  }
0x137: {  	v1 =	vld [tilespmem:s22+$0x870]  }
0x138: {  	_ =	sdelay $0x1  }
0x139: {  	v4 =	vmul.u32 $0x2800, v4;
	_ =	sdelay $0x1  }
0x13a: {  	v3 =	vmul.f32 v3, v5;
	v0 =	vadd.s32 v0, v4  }
0x13b: {  	[tilespmem:s22+$0xD060] =	vst v0  }
0x13c: {  	[tilespmem:s22+$0xA860] =	vst v3  }
0x13d: {  	v0 =	vld.idx.msk [tilespmem:v2+s14+$0x0], $0xffff  }
0x13e: {  	v3 =	vld.idx.msk [tilespmem:v1+s13+$0x0], $0xffff  }
0x13f: {  	v63 =	vld.idx.msk [tilespmem:v2+s13+$0x0], $0xffff;
	_ =	sdelay $0x4  }
0x140: {  	v0 =	vmul.u32 $0x2800, v0;
	v2 =	vmul.f32 v63, v3;
	_ =	sdelay $0x1  }
0x141: {  	v0 =	vadd.s32 v1, v0;
	[tilespmem:s22+$0xA870] =	vst v2  }
0x142: {  	s23 =	sadd.s32 $0xA800, s22;
	s24 =	sadd.s32 $0xD000, s22;
	[tilespmem:s22+$0xD070] =	vst v0  }
0x143: {  	[spmem:s2] =	stream.indirect.scatter.add.f32 [tilespmem:s23], [sflag:$0x1], $0x1, s24, s17, $0xb8;
	[tilespmem:$0x19000] =	vst v63  }
0x144: {  	_ =	swait.ge [sflag:s18], $0x80  }
0x145: {  	[sflag:s18] =	ssyncset.done $0x0  }
0x146: {  	[sflag:s18] =	ssyncadd.s32 $0xFFFFFF80  }
0x147: {  	_ =	swait.ge [sflag:s18], $0x80  }
0x148: {  	[sflag:s18] =	ssyncset.done $0x0  }
0x149: {  	[sflag:s18] =	ssyncadd.s32 $0xFFFFFF80  }
0x14a: {  	_ =	swait.ge [sflag:s18], $0x80  }
0x14b: {  	[sflag:s18] =	ssyncset.done $0x0  }
0x14c: {  	[sflag:s18] =	ssyncadd.s32 $0xFFFFFF80  }
0x14d: {  	_ =	swait.ge [sflag:s18], $0x80  }
0x14e: {  	[sflag:s18] =	ssyncset.done $0x0  }
0x14f: {  	[sflag:s18] =	ssyncadd.s32 $0xFFFFFF80  }
0x150: {  	_ =	swait.ge [sflag:s18], $0x80  }
0x151: {  	[sflag:s18] =	ssyncset.done $0x0  }
0x152: {  	[sflag:s18] =	ssyncadd.s32 $0xFFFFFF80  }
0x153: {  	_ =	swait.ge [sflag:s18], $0x80  }
0x154: {  	[sflag:s18] =	ssyncset.done $0x0  }
0x155: {  	[sflag:s18] =	ssyncadd.s32 $0xFFFFFF80  }
0x156: {  	_ =	swait.ge [sflag:s18], $0x80  }
0x157: {  	[sflag:s18] =	ssyncset.done $0x0  }
0x158: {  	[sflag:s18] =	ssyncadd.s32 $0xFFFFFF80  }
0x159: {  	_ =	swait.ge [sflag:s18], $0x80  }
0x15a: {  	[sflag:s18] =	ssyncset.done $0x0  }
0x15b: {  	[sflag:s18] =	ssyncadd.s32 $0xFFFFFF80  }
0x15c: {  	_ =	swait.ge [sflag:s18], $0x80  }
0x15d: {  	[sflag:s18] =	ssyncset.done $0x0  }
0x15e: {  	[sflag:s18] =	ssyncadd.s32 $0xFFFFFF80  }
0x15f: {  	_ =	swait.ge [sflag:s18], $0x80  }
0x160: {  	[sflag:s18] =	ssyncset.done $0x0  }
0x161: {  	[sflag:s18] =	ssyncadd.s32 $0xFFFFFF80  }
0x162: {  	_ =	swait.ge [sflag:s18], $0x80  }
0x163: {  	[sflag:s18] =	ssyncset.done $0x0  }
0x164: {  	[sflag:s18] =	ssyncadd.s32 $0xFFFFFF80  }
0x165: {  	_ =	swait.ge [sflag:s18], $0x80  }
0x166: {  	[sflag:s18] =	ssyncset.done $0x0  }
0x167: {  	[sflag:s18] =	ssyncadd.s32 $0xFFFFFF80  }
0x168: {  	_ =	swait.ge [sflag:s18], $0x80  }
0x169: {  	[sflag:s18] =	ssyncset.done $0x0  }
0x16a: {  	[sflag:s18] =	ssyncadd.s32 $0xFFFFFF80  }
0x16b: {  	_ =	swait.ge [sflag:s18], $0x80  }
0x16c: {  	[sflag:s18] =	ssyncset.done $0x0  }
0x16d: {  	[sflag:s18] =	ssyncadd.s32 $0xFFFFFF80  }
0x16e: {  	_ =	swait.ge [sflag:s18], $0x80  }
0x16f: {  	[sflag:s18] =	ssyncset.done $0x0  }
0x170: {  	[sflag:s18] =	ssyncadd.s32 $0xFFFFFF80  }
0x171: {  	_ =	swait.ge [sflag:s18], $0x80  }
0x172: {  	[sflag:s18] =	ssyncset.done $0x0  }
0x173: {  	[sflag:s18] =	ssyncadd.s32 $0xFFFFFF80  }
0x174: {  	_ =	swait.ge [sflag:s18], $0x80  }
0x175: {  	s21 =	sadd.s32 $0x1, s21;
	[sflag:s18] =	ssyncset.done $0x0  }
0x176: {  	p0 =	sne.s32 s21, s10;
	[sflag:s18] =	ssyncadd.s32 $0xFFFFFF80  }
.Ltmp2:
0x177: {  	[bflag:$0x0] =	sbarrier.arrive $0xFFFF;
	(pc) =	sbr.rel @p0 .LBB2_1-.Ltmp2, $4  }
0x178: {  	[hbm:s9@s19], [sflag:s15] =	dma.strided [spmem:s16@s20], $0x1400, s18, $0x10   }
0x179: {  	_ =	swait.ge [sflag:s11], $0x1400  }
0x17a: {  	[sflag:s11] =	ssyncset.done $0x0  }
0x17b: {  	[sflag:s11] =	ssyncadd.s32 $0xFFFFEC00  }
0x17c: {  	_ =	sfence.sel $0x180000  }
0x17d: {  	[bflag:$0x0] =	sbarrier.arrive $0xFFFF  }
0x17e: {  	p0 =	sne.s32 s0, $0x0;
	_ =	strace $0x9000004A  }
0x17f: {  	s0 =	sadd.s32 @!p0 $0x100000, s1;
	[bflag:$0x2] =	sbarrier.arrive $0xFFFF  }
0x180: {  	[sflag:s0] =	ssyncadd.tile.s32 @!p0 $0x1;
	_ =	shalt  }
.Lfunc_end2:
_tile_overlayer_lowered:
.L_overlay_start_2:
0x181: {  	(tag) =	ssettag $0x2  }
0x182: {  	s0 =	rddreg [dreg:$0x0];
	s2 =	stileid.u32  }
0x183: {  	s1 =	rddreg [dreg:$0x1];
	p0 =	sne.s32 s2, $0x0  }
0x184: {  	s3 =	rddreg [dreg:$0x2];
	[bflag:$0x3] =	sbarrier.arrive $0xFFFF;
	s2 =	simm.s32 @!p0 $0x1C02  }
0x185: {  	[timem:s3], [sflag:s2] =	dma.local @!p0 [hbm:s0], s1  }
0x186: {  	s0 =	simm.s32 @!p0 $0x2  }
0x187: {  	_ =	swait.ge @!p0 [sflag:s0], s1  }
0x188: {  	s1 =	ssub.s32 @!p0 $0x0, s1;
	[sflag:s0] =	ssyncset.done @!p0 $0x0  }
0x189: {  	[sflag:s0] =	ssyncadd.s32 @!p0 s1  }
0x18a: {  	[bflag:$0x3] =	sbarrier.arrive $0xFFFF  }
0x18b: {  	_ =	shalt  }

// kernel: kernel.7.cloned.1.call-start
scs
__scs_entry_jumppad:
0x0: {  	(pc) =	sbr.rel $0x88, $3  }
0x1: {  	(tag) =	ssettag $0x0;
	lr =	simm.s32 $0x1  }
0x2: {  	[smem:$0x3F98] =	sst lr;
	_ =	strace $0xD0000000  }
0x3: {  	_ = 	snop  }
0x4: {  	_ = 	snop  }
0x5: {  	_ = 	snop  }
0x6: {  	_ = 	snop  }
0x7: {  	_ = 	snop  }
__scs_overlays_trampoline_lowered:
0x8: {  	[smem:$0x3FA7] =	sst s0  }
0x9: {  	[smem:$0x3FA8] =	sst s1  }
0xa: {  	[smem:$0x3FA9] =	sst s2  }
0xb: {  	[smem:$0x3FAA] =	sst s3  }
0xc: {  	[smem:$0x3FAB] =	sst s4  }
0xd: {  	[smem:$0x3FAC] =	sst s5  }
0xe: {  	[smem:$0x3FAD] =	sst s6  }
0xf: {  	[smem:$0x3FAE] =	sst s7  }
0x10: {  	[smem:$0x3FAF] =	sst s8  }
0x11: {  	[smem:$0x3FB0] =	sst s9;
	s0 =	simm.s32 @!p0 $0x0  }
0x12: {  	s1 =	sld [smem:$0x3F96];
	s0 =	simm.s32 @p0 $0x1  }
0x13: {  	[smem:$0x3FB1] =	sst s0;
	s0 =	simm.s32 @!p1 $0x0  }
0x14: {  	s2 =	sld [smem:$0x3F95];
	s0 =	simm.s32 @p1 $0x1  }
0x15: {  	[smem:$0x3FB2] =	sst s0;
	s0 =	simm.s32 @!p2 $0x0  }
0x16: {  	s3 =	sld [smem:$0x3FDB];
	s0 =	simm.s32 @p2 $0x1  }
0x17: {  	s4 =	simm.s32 $0x1BF5;
	[smem:$0x3FB4] =	sst s0  }
0x18: {  	s0 =	sld [smem:$0x3F97];
	_ =	swait.ge [sflag:s4], $0x0  }
0x19: {  	s7 =	sld [smem:$0x3F98]  }
0x1a: {  	s8 =	sadd.s32 $0xFFFFE003, lr  }
0x1b: {  	s9 =	sadd.s32 $0xFFFFFEF7, lr;
	s5 =	simm.s32 $0xFFFFFFFF;
	p2 =	slt.u32 s8, $0xFFFFF086  }
0x1c: {  	p1 =	slt.u32 s9, $0xF7A;
	s5 =	simm.s32 @!p2 $0x0  }
0x1d: {  	s5 =	simm.s32 @p1 $0x1;
	p0 =	seq.s32 s7, s2  }
0x1e: {  	s7 =	smul.u32 @!p0 $0xF7A, s2;
	p2 =	seq.s32 @!p0 s5, $0x0  }
0x1f: {  	s9 =	smul.u32 $0xF7A, s1;
	s8 =	simm.s32 @!p0 $0x1BF5;
	p2 =	por !p2, p0  }
0x20: {  	[sflag:s8] =	ssyncset.s32 @!p0 $0xFFFFF086;
	s6 =	sadd.s32 @!p0 s3, s7;
	s7 =	simm.s32 @!p0 $0x108  }
0x21: {  	s3 =	sadd.s32 s3, s9;
	s6 =	sadd.s32 @!p0 $0x88, s6;
	s7 =	simm.s32 @p2 $0x1082  }
0x22: {  	[simem:s7], [sflag:s8] =	dma.local @!p0 [hbm:s6], $0xF7A  }
0x23: {  	s9 =	sor.u32 $0xD0000000, s2;
	s6 =	simm.s32 $0x108;
	_ =	swait.ge @!p0 [sflag:s8], $0x0  }
0x24: {  	s3 =	sadd.s32 $0x88, s3;
	s6 =	simm.s32 @!p1 $0x1082;
	[sflag:s4] =	ssyncset.s32 $0xFFFFF086  }
0x25: {  	[simem:s6], [sflag:s4] =	dma.local [hbm:s3], $0xF7A  }
0x26: {  	[smem:$0x3F98] =	sst s1;
	(tag) =	ssettag s2;
	_ =	strace s9  }
0x27: {  	s1 =	sld [smem:$0x3FA8]  }
0x28: {  	s2 =	sld [smem:$0x3FA9]  }
0x29: {  	s4 =	sld [smem:$0x3FAB]  }
0x2a: {  	p0 =	seq.s32 s5, $0x0;
	s5 =	sld [smem:$0x3FAC]  }
0x2b: {  	s6 =	sld [smem:$0x3FAD]  }
0x2c: {  	s7 =	sld [smem:$0x3FAE]  }
0x2d: {  	s3 =	simm.s32 $0x108;
	s8 =	sld [smem:$0x3FAF]  }
0x2e: {  	s3 =	simm.s32 @!p0 $0x1082;
	s9 =	sld [smem:$0x3FB0]  }
0x2f: {  	lr =	sadd.s32 s0, s3;
	s0 =	sld [smem:$0x3FA7]  }
0x30: {  	s3 =	sld [smem:$0x3FAA]  }
0x31: {  	[smem:$0x3FB3] =	sst s10  }
0x32: {  	s10 =	sld [smem:$0x3FB1];
	_ =	sdelay $0x3  }
0x33: {  	p0 =	seq.s32 s10, $0x1;
	s10 =	sld [smem:$0x3FB3];
	_ =	sdelay $0x3  }
0x34: {  	[smem:$0x3FB3] =	sst s10  }
0x35: {  	s10 =	sld [smem:$0x3FB2];
	_ =	sdelay $0x3  }
0x36: {  	p1 =	seq.s32 s10, $0x1;
	s10 =	sld [smem:$0x3FB3];
	_ =	sdelay $0x3  }
0x37: {  	[smem:$0x3FB3] =	sst s10  }
0x38: {  	s10 =	sld [smem:$0x3FB4]  }
0x39: {  	_ = 	snop;
	(pc) =	sbr.ind lr, $3  }
0x3a: {  	_ = 	snop  }
0x3b: {  	_ = 	snop  }
0x3c: {  	p2 =	seq.s32 s10, $0x1;
	s10 =	sld [smem:$0x3FB3]  }
0x3d: {  	_ =	shalt  }
0x3e: {  	_ =	shalt  }
0x3f: {  	_ =	shalt  }
0x40: {  	_ =	shalt  }
0x41: {  	_ =	shalt  }
0x42: {  	_ =	shalt  }
0x43: {  	_ =	shalt  }
0x44: {  	_ =	shalt  }
0x45: {  	_ =	shalt  }
0x46: {  	_ =	shalt  }
0x47: {  	_ =	shalt  }
0x48: {  	_ =	shalt  }
0x49: {  	_ =	shalt  }
0x4a: {  	_ =	shalt  }
0x4b: {  	_ =	shalt  }
0x4c: {  	_ =	shalt  }
0x4d: {  	_ =	shalt  }
0x4e: {  	_ =	shalt  }
0x4f: {  	_ =	shalt  }
0x50: {  	_ =	shalt  }
0x51: {  	_ =	shalt  }
0x52: {  	_ =	shalt  }
0x53: {  	_ =	shalt  }
0x54: {  	_ =	shalt  }
0x55: {  	_ =	shalt  }
0x56: {  	_ =	shalt  }
0x57: {  	_ =	shalt  }
0x58: {  	_ =	shalt  }
0x59: {  	_ =	shalt  }
0x5a: {  	_ =	shalt  }
0x5b: {  	_ =	shalt  }
0x5c: {  	_ =	shalt  }
0x5d: {  	_ =	shalt  }
0x5e: {  	_ =	shalt  }
0x5f: {  	_ =	shalt  }
0x60: {  	_ =	shalt  }
0x61: {  	_ =	shalt  }
0x62: {  	_ =	shalt  }
0x63: {  	_ =	shalt  }
0x64: {  	_ =	shalt  }
0x65: {  	_ =	shalt  }
0x66: {  	_ =	shalt  }
0x67: {  	_ =	shalt  }
0x68: {  	_ =	shalt  }
0x69: {  	_ =	shalt  }
0x6a: {  	_ =	shalt  }
0x6b: {  	_ =	shalt  }
0x6c: {  	_ =	shalt  }
0x6d: {  	_ =	shalt  }
0x6e: {  	_ =	shalt  }
0x6f: {  	_ =	shalt  }
0x70: {  	_ =	shalt  }
0x71: {  	_ =	shalt  }
0x72: {  	_ =	shalt  }
0x73: {  	_ =	shalt  }
0x74: {  	_ =	shalt  }
0x75: {  	_ =	shalt  }
0x76: {  	_ =	shalt  }
0x77: {  	_ =	shalt  }
0x78: {  	_ =	shalt  }
0x79: {  	_ =	shalt  }
0x7a: {  	_ =	shalt  }
0x7b: {  	_ =	shalt  }
0x7c: {  	_ =	shalt  }
0x7d: {  	_ =	shalt  }
0x7e: {  	_ =	shalt  }
0x7f: {  	_ =	shalt  }
0x80: {  	_ =	shalt  }
0x81: {  	_ =	shalt  }
0x82: {  	_ =	shalt  }
0x83: {  	_ =	shalt  }
0x84: {  	_ =	shalt  }
0x85: {  	_ =	shalt  }
0x86: {  	_ =	shalt  }
0x87: {  	_ =	shalt  }
.Lfunc_end0:
.L_simem_size_0:
called_computation_lowered:
.L_overlay_start_0:
0x88: {  	s2 =	sld [smem:$0x3FD9]  }
0x89: {  	s3 =	sld [smem:$0x3FFE];
	_ =	sdelay $0x1  }
0x8a: {  	s1 =	srdreg.scid  }
0x8b: {  	s0 =	sand.u32 $0x1, s1  }
0x8c: {  	s17 =	sshll.u32 s0, $0xA;
	s2 =	sadd.s32 s3, s2  }
0x8d: {  	s2 =	sadd.s32 s2, s17  }
0x8e: {  	[smem:$0x3FBF] =	sst s2  }
0x8f: {  	_ = 	snop  }
0x90: {  	s2 =	sld [smem:$0x3FD0];
	(tm) =	ssettm $0x1  }
0x91: {  	s18 =	sld [smem:$0x3FFB];
	_ =	sdelay $0x3  }
0x92: {  	_ =	strace s18  }
0x93: {  	s3 =	sld [smem:$0x3FFC];
	_ =	sdelay $0x3  }
0x94: {  	_ =	strace s3  }
0x95: {  	s3 =	sld [smem:$0x3FFD];
	_ =	sdelay $0x3  }
0x96: {  	_ =	strace s3  }
0x97: {  	_ =	strace $0x8FFFFFFF  }
0x98: {  	s19 =	sld [smem:$0x3FDB];
	_ =	sdelay $0x1  }
0x99: {  	s4 =	simm.s32 $_scs_section_size  }
0x9a: {  	s5 =	simm.s32 $_size__tile_overlayer_lowered;
	s6 =	simm.s32 $_tile_overlayer_lowered  }
0x9b: {  	s22 =	simm.s32 $0x1BFF;
	s21 =	sshll.u32 s6, $0x1;
	s3 =	sadd.s32 s4, s19  }
0x9c: {  	s7 =	simm.s32 $0x0;
	s20 =	sshll.u32 s5, $0x1;
	s5 =	sadd.s32 s21, s3  }
0x9d: {  	[timem:s7], [sflag:s22] =	dma.local [hbm:s5], s20  }
0x9e: {  	_ =	swait.ge [sflag:s22], s20  }
0x9f: {  	s4 =	ssub.s32 $0x0, s20;
	[sflag:s22] =	ssyncset.done $0x0  }
0xa0: {  	[sflag:s22] =	ssyncadd.s32 s4;
	_ =	sdelay $0x1  }
0xa1: {  	s23 =	simm.s32 $0x1B8B  }
0xa2: {  	_ =	swait.ge [sflag:s23], $0x1  }
0xa3: {  	[sflag:s23] =	ssyncset.done $0x0  }
0xa4: {  	s25 =	simm.s32 $0x1B8E;
	s24 =	sld [smem:$0x3FFE];
	[sflag:s23] =	ssyncadd.s32 $0xFFFFFFFF  }
0xa5: {  	s26 =	simm.s32 $execute0_lowered;
	[smem:$0x3FD2] =	sst s25  }
0xa6: {  	s5 =	sshll.u32 s26, $0x1;
	_ =	strace $0x80000046;
	[dreg:$0x1] =	wrdreg $0xFFFFFFFF  }
0xa7: {  	s28 =	simm.s32 $_size_execute0_lowered;
	s3 =	sadd.s32 s3, s5;
	[dreg:$0x0] =	wrdreg $0x0  }
0xa8: {  	s5 =	sshll.u32 s28, $0x1;
	[dreg:$0x2] =	wrdreg s3  }
0xa9: {  	[dreg:$0x3] =	wrdreg s5  }
0xaa: {  	[dreg:$0x4] =	wrdreg $0xC0  }
0xab: {  	_ =	task [dreg:s7], $0x5FFFF  }
0xac: {  	[dreg:$0x1] =	wrdreg $0xFFFFFFFF  }
0xad: {  	[dreg:$0x0] =	wrdreg $0x60  }
0xae: {  	[dreg:$0x2] =	wrdreg s24  }
0xaf: {  	[dreg:$0x3] =	wrdreg s2  }
0xb0: {  	[dreg:$0x4] =	wrdreg $0x28800  }
0xb1: {  	[dreg:$0x5] =	wrdreg $0x9  }
0xb2: {  	_ =	task.clear_ibuf [dreg:s7], $0x6FFFF;
	_ =	strace $0x90000046  }
0xb3: {  	s29 =	simm.s32 $0x9;
	_ =	strace $0x80000048  }
0xb4: {  	_ =	swait.ge [sflag:s29], $0x1  }
0xb5: {  	[sflag:s29] =	ssyncadd.s32 $0xFFFFFFFF  }
0xb6: {  	_ =	strace $0x90000048  }
0xb7: {  	_ =	sfence  }
0xb8: {  	s30 =	sld [smem:$0x0];
	_ =	sdelay $0x2  }
0xb9: {  	s31 =	sshll.u32 s1, $0xD;
	s1 =	sshrl.u32 s1, $0x2  }
0xba: {  	s3 =	sand.u32 $0x4000, s31;
	s1 =	sadd.s32 s1, s30  }
0xbb: {  	s0 =	sor.u32 s3, s0;
	s1 =	sshll.u32 s1, $0x11  }
0xbc: {  	s0 =	sor.u32 s1, s0  }
0xbd: {  	s0 =	sadd.s32 $0x8F2B, s0  }
0xbe: {  	[sflag:s0] =	ssyncadd.remote.s32 $0x1  }
0xbf: {  	_ =	sfence.sel $0xFFFF  }
0xc0: {  	[dreg:$0x0] =	wrdreg $0xFFFFFFFF;
	(pc) =	sbr.abs _section_cstart, $3  }
0xc1: {  	[dreg:$0x1] =	wrdreg $0xFFFFFFFF  }
0xc2: {  	_ =	task.clear_ibuf [dreg:s7], $0x2FFFF;
	_ =	strace $0x9FFFFFFF  }
0xc3: {  	(tm) =	ssettm $0x7FFFFFFF  }
tec
execute0_lowered:
.L_overlay_start_1:
0x0: {  	(tag) =	ssettag $0x1  }
0x1: {  	s6 =	rddreg [dreg:$0x0]  }
0x2: {  	s1 =	srdreg.scid;
	s2 =	rddreg [dreg:$0x1]  }
0x3: {  	s0 =	stileid.u32;
	s3 =	rddreg [dreg:$0x2];
	s4 =	simm.s32 $0x0  }
0x4: {  	s13 =	simm.s32 $0x80;
	s14 =	simm.s32 $0x100;
	s15 =	simm.s32 $0x180  }
0x5: {  	s16 =	simm.s32 $0x200;
	s17 =	simm.s32 $0x280;
	s18 =	simm.s32 $0x300  }
0x6: {  	s19 =	simm.s32 $0x380;
	s20 =	simm.s32 $0x1;
	s21 =	simm.s32 $0x20  }
0x7: {  	s22 =	simm.s32 $0x10;
	s23 =	simm.s32 $0x0;
	s7 =	sand.u32 $0x1, s1  }
0x8: {  	s28 =	sshll.u32 s0, $0x1;
	s1 =	rddreg [dreg:$0x3];
	s8 =	smul.u32 $0x500, s0  }
0x9: {  	[smem:$0x7FF] =	sst s4;
	s29 =	smul.u32 $0xA00, s0;
	s31 =	sshll.u32 s0, $0x6  }
0xa: {  	s5 =	sor.u32 s7, s28;
	_ =	strace $0x80000047;
	s9 =	sshll.u32 s7, $0x7  }
0xb: {  	s7 =	ssub.s32 $0x2, s7;
	s5 =	smul.u32 $0x500, s5;
	s8 =	sor.u32 s9, s8  }
0xc: {  	s30 =	sshrl.u32 s7, $0x1;
	s9 =	sshrl.u32 s29, $0x2;
	s8 =	sshrl.u32 s8, $0x3  }
0xd: {  	s11 =	ssub.s32 s7, s30;
	s12 =	sadd.s32 s9, s3;
	s10 =	sadd.s32 s5, s6  }
0xe: {  	s5 =	sadd.s32 $0x15E00, s6;
	s8 =	sadd.s32 s8, s6;
	s6 =	sor.u32 $0x1C02, s31  }
0xf: {  	s9 =	smax.u32 s11, $0x1;
	s11 =	simm.s32 $0x2;
	s7 =	sadd.s32 $0xBE00, s10  }
0x10: {  	s8 =	sadd.s32 $0x16000, s8;
	s10 =	sshrl.u32 s12, $0x3;
	s12 =	simm.s32 $0x2800  }
.LBB2_1:
0x11: {  	[spmem:s10], [sflag:s6] =	dma.local [hbm:s2], $0x50  }
0x12: {  	_ =	swait.ge [sflag:s11], $0x50  }
0x13: {  	[sflag:s11] =	ssyncset.done $0x0  }
0x14: {  	[sflag:s11] =	ssyncadd.s32 $0xFFFFFFB0  }
0x15: {  	[tilespmem:s4], [sflag:$0x2] =	stream.linear.gather [hbm4b:s7+s4], $0x2800, $0x38;
	[tilespmem:$0x2B00] =	vst v63  }
0x16: {  	_ =	swait.ge [sflag:s11], $0x2800  }
0x17: {  	[sflag:s11] =	ssyncset.done $0x0  }
0x18: {  	[sflag:s11] =	ssyncadd.s32 $0xFFFFD800  }
0x19: {  	[tilespmem:s12], [sflag:$0x2] =	stream.linear.gather [hbm4b:s5+s4], $0x80, $0x38;
	[tilespmem:$0x2B00] =	vst v63  }
0x1a: {  	_ =	swait.ge [sflag:s11], $0x80  }
0x1b: {  	[sflag:s11] =	ssyncset.done $0x0  }
0x1c: {  	[sflag:s11] =	ssyncadd.s32 $0xFFFFFF80  }
0x1d: {  	[bflag:$0x0] =	sbarrier.arrive $0xFFFF  }
0x1e: {  	[spmem:s3] =	stream.indirect.scatter.add.f32 [tilespmem:s12], [sflag:$0x1], $0x1, s4, s13, $0xb8;
	[tilespmem:$0x2B00] =	vst v63  }
0x1f: {  	_ = 	snop  }
0x20: {  	[spmem:s3] =	stream.indirect.scatter.add.f32 [tilespmem:s12], [sflag:$0x1], $0x1, s13, s13, $0xb8;
	[tilespmem:$0x2B00] =	vst v63  }
0x21: {  	_ = 	snop  }
0x22: {  	[spmem:s3] =	stream.indirect.scatter.add.f32 [tilespmem:s12], [sflag:$0x1], $0x1, s14, s13, $0xb8;
	[tilespmem:$0x2B00] =	vst v63  }
0x23: {  	_ = 	snop  }
0x24: {  	[spmem:s3] =	stream.indirect.scatter.add.f32 [tilespmem:s12], [sflag:$0x1], $0x1, s15, s13, $0xb8;
	[tilespmem:$0x2B00] =	vst v63  }
0x25: {  	_ = 	snop  }
0x26: {  	[spmem:s3] =	stream.indirect.scatter.add.f32 [tilespmem:s12], [sflag:$0x1], $0x1, s16, s13, $0xb8;
	[tilespmem:$0x2B00] =	vst v63  }
0x27: {  	_ = 	snop  }
0x28: {  	[spmem:s3] =	stream.indirect.scatter.add.f32 [tilespmem:s12], [sflag:$0x1], $0x1, s17, s13, $0xb8;
	[tilespmem:$0x2B00] =	vst v63  }
0x29: {  	_ = 	snop  }
0x2a: {  	[spmem:s3] =	stream.indirect.scatter.add.f32 [tilespmem:s12], [sflag:$0x1], $0x1, s18, s13, $0xb8;
	[tilespmem:$0x2B00] =	vst v63  }
0x2b: {  	_ = 	snop  }
0x2c: {  	[spmem:s3] =	stream.indirect.scatter.add.f32 [tilespmem:s12], [sflag:$0x1], $0x1, s19, s13, $0xb8;
	[tilespmem:$0x2B00] =	vst v63  }
0x2d: {  	_ =	swait.ge [sflag:s20], $0x80  }
0x2e: {  	[sflag:s20] =	ssyncset.done $0x0  }
0x2f: {  	s24 =	simm.s32 $0x1200;
	s25 =	simm.s32 $0x400;
	[sflag:s20] =	ssyncadd.s32 $0xFFFFFF80  }
.LBB2_2:
0x30: {  	[spmem:s3] =	stream.indirect.scatter.add.f32 [tilespmem:s12], [sflag:$0x1], $0x1, s25, s13, $0xb8;
	[tilespmem:$0x2B00] =	vst v63  }
0x31: {  	s25 =	smov.u32 s24;
	p0 =	sne.s32 s24, $0x9E00  }
.Ltmp0:
0x32: {  	s24 =	sadd.s32 $0x200, s24;
	(pc) =	sbr.rel @p0 .LBB2_2-.Ltmp0, $4  }
0x33: {  	_ = 	snop  }
0x34: {  	_ =	swait.ge [sflag:s20], $0x80  }
0x35: {  	[sflag:s20] =	ssyncset.done $0x0  }
0x36: {  	s25 =	sshra.s32 s25, $0x2;
	[sflag:s20] =	ssyncadd.s32 $0xFFFFFF80  }
0x37: {  	[spmem:s3] =	stream.indirect.scatter.add.f32 [tilespmem:s12], [sflag:$0x1], $0x1, s25, s13, $0xb8;
	[tilespmem:$0x2B00] =	vst v63  }
0x38: {  	_ =	swait.ge [sflag:s20], $0x80  }
0x39: {  	[sflag:s20] =	ssyncset.done $0x0  }
0x3a: {  	[sflag:s20] =	ssyncadd.s32 $0xFFFFFF80  }
0x3b: {  	_ =	swait.ge [sflag:s20], $0x80  }
0x3c: {  	[sflag:s20] =	ssyncset.done $0x0  }
0x3d: {  	[sflag:s20] =	ssyncadd.s32 $0xFFFFFF80  }
0x3e: {  	_ =	swait.ge [sflag:s20], $0x80  }
0x3f: {  	[sflag:s20] =	ssyncset.done $0x0  }
0x40: {  	[sflag:s20] =	ssyncadd.s32 $0xFFFFFF80  }
0x41: {  	_ =	swait.ge [sflag:s20], $0x80  }
0x42: {  	[sflag:s20] =	ssyncset.done $0x0  }
0x43: {  	[sflag:s20] =	ssyncadd.s32 $0xFFFFFF80  }
0x44: {  	_ =	swait.ge [sflag:s20], $0x80  }
0x45: {  	[sflag:s20] =	ssyncset.done $0x0  }
0x46: {  	[sflag:s20] =	ssyncadd.s32 $0xFFFFFF80  }
0x47: {  	_ =	swait.ge [sflag:s20], $0x80  }
0x48: {  	[sflag:s20] =	ssyncset.done $0x0  }
0x49: {  	[sflag:s20] =	ssyncadd.s32 $0xFFFFFF80  }
0x4a: {  	_ =	swait.ge [sflag:s20], $0x80  }
0x4b: {  	[sflag:s20] =	ssyncset.done $0x0  }
0x4c: {  	[sflag:s20] =	ssyncadd.s32 $0xFFFFFF80  }
0x4d: {  	_ =	swait.ge [sflag:s20], $0x80  }
0x4e: {  	s23 =	sadd.s32 $0x1, s23;
	[sflag:s20] =	ssyncset.done $0x0  }
0x4f: {  	p0 =	sne.s32 s23, s9;
	[sflag:s20] =	ssyncadd.s32 $0xFFFFFF80  }
.Ltmp1:
0x50: {  	[bflag:$0x0] =	sbarrier.arrive $0xFFFF;
	(pc) =	sbr.rel @p0 .LBB2_1-.Ltmp1, $4  }
0x51: {  	[hbm:s8@s21], [sflag:s6] =	dma.strided [spmem:s10@s22], $0x50, s20, $0x10   }
0x52: {  	_ =	swait.ge [sflag:s11], $0x50  }
0x53: {  	[sflag:s11] =	ssyncset.done $0x0  }
0x54: {  	[sflag:s11] =	ssyncadd.s32 $0xFFFFFFB0  }
0x55: {  	_ =	sfence.sel $0x180000  }
0x56: {  	[bflag:$0x0] =	sbarrier.arrive $0xFFFF  }
0x57: {  	p0 =	sne.s32 s0, $0x0;
	_ =	strace $0x90000047  }
0x58: {  	s0 =	sadd.s32 @!p0 $0x100000, s1;
	[bflag:$0x2] =	sbarrier.arrive $0xFFFF  }
0x59: {  	[sflag:s0] =	ssyncadd.tile.s32 @!p0 $0x1;
	_ =	shalt  }
.Lfunc_end2:
_tile_overlayer_lowered:
.L_overlay_start_2:
0x5a: {  	(tag) =	ssettag $0x2  }
0x5b: {  	s0 =	rddreg [dreg:$0x0];
	s2 =	stileid.u32  }
0x5c: {  	s1 =	rddreg [dreg:$0x1];
	p0 =	sne.s32 s2, $0x0  }
0x5d: {  	s3 =	rddreg [dreg:$0x2];
	[bflag:$0x3] =	sbarrier.arrive $0xFFFF;
	s2 =	simm.s32 @!p0 $0x1C02  }
0x5e: {  	[timem:s3], [sflag:s2] =	dma.local @!p0 [hbm:s0], s1  }
0x5f: {  	s0 =	simm.s32 @!p0 $0x2  }
0x60: {  	_ =	swait.ge @!p0 [sflag:s0], s1  }
0x61: {  	s1 =	ssub.s32 @!p0 $0x0, s1;
	[sflag:s0] =	ssyncset.done @!p0 $0x0  }
0x62: {  	[sflag:s0] =	ssyncadd.s32 @!p0 s1  }
0x63: {  	[bflag:$0x3] =	sbarrier.arrive $0xFFFF  }
0x64: {  	_ =	shalt  }

</sc_bundles>
